<compile_context>
chip_gen: v7x
topology: tpu7x:2x2x1
jax: 0.10.2.dev20260603
libtpu: 0.0.44.dev20260713+nightly
codegen_flags: <defaults>
</compile_context>

<pallas_src>
import jax
import jax.numpy as jnp
from jax import lax
from jax.experimental import pallas as pl
from jax.experimental.pallas import tpu as pltpu
from jax.experimental.pallas import tpu_sc as plsc

N = 10000
D = 128
B = 1024
P = 512
DEG = 32
HALF = DEG // 2 + 1
KPOS = 16 + 1
NW = 32
RPW = B // NW
GPW = P // NW



def _sc_gather_body(t_hbm, l_hbm, rx_hbm, tpm_hbm, o2t_hbm, feat_hbm,
                    nlt_hbm, g_hbm, c_hbm,
                    t_v, l_v, rx_v, nlt_v, t16_v, gidx_v, grows_v, cidx_v,
                    crows_v, sem_t, sem_l, sem_rx, sem_gi, sem_ci, sem_g,
                    sem_c):
    wid = lax.axis_index("s") * 2 + lax.axis_index("c")
    base = wid * RPW
    t_cp = pltpu.async_copy(t_hbm, t_v, sem_t)
    l_cp = pltpu.async_copy(l_hbm, l_v, sem_l)
    rx_cp = pltpu.async_copy(rx_hbm.at[pl.ds(base, RPW)], rx_v, sem_rx)
    gi_cp = pltpu.async_copy(tpm_hbm.at[pl.ds(wid * GPW, GPW)], gidx_v,
                             sem_gi)
    ci_cp = pltpu.async_copy(o2t_hbm.at[pl.ds(base, RPW)], cidx_v, sem_ci)
    gi_cp.wait()
    g_cp = pltpu.async_copy(feat_hbm.at[gidx_v], grows_v, sem_g)
    ci_cp.wait()
    c_cp = pltpu.async_copy(feat_hbm.at[cidx_v], crows_v, sem_c)
    t_cp.wait()
    l_cp.wait()
    rx_cp.wait()
    lane = lax.iota(jnp.int32, 16)
    zero = lane * 0
    for r in range(RPW):
        for g in range(2):
            idx16 = rx_v[r, pl.ds(g * 16, 16)]
            t16_v[r, pl.ds(g * 16, 16)] = plsc.load_gather(t_v, [idx16])
    for r in range(RPW):
        for g in range(2):
            t16 = t16_v[r, pl.ds(g * 16, 16)]
            nl16 = plsc.load_gather(l_v, [t16])
            plsc.store_scatter(nlt_v, [g * 16 + lane, zero + r], nl16)
    pltpu.sync_copy(nlt_v, nlt_hbm.at[:, pl.ds(base, RPW)])
    g_cp.wait()
    pltpu.sync_copy(grows_v, g_hbm.at[pl.ds(wid * GPW, GPW)])
    c_cp.wait()
    pltpu.sync_copy(crows_v, c_hbm.at[pl.ds(base, RPW)])


def _sc_gather(t_idx, all_logits_flat, rx_list, tpm, o2t, features):
    call = pl.kernel(
        _sc_gather_body,
        out_type=(
            jax.ShapeDtypeStruct((DEG, B), jnp.float32),
            jax.ShapeDtypeStruct((P, D), jnp.float32),
            jax.ShapeDtypeStruct((B, D), jnp.float32),
        ),
        mesh=plsc.VectorSubcoreMesh(core_axis_name="c", subcore_axis_name="s"),
        compiler_params=pltpu.CompilerParams(needs_layout_passes=False,
                                             use_tc_tiling_on_sc=False),
        scratch_types=[
            pltpu.VMEM((N,), jnp.int32),
            pltpu.VMEM((N,), jnp.float32),
            pltpu.VMEM((RPW, DEG), jnp.int32),
            pltpu.VMEM((DEG, RPW), jnp.float32),
            pltpu.VMEM((RPW, DEG), jnp.int32),
            pltpu.VMEM((GPW,), jnp.int32),
            pltpu.VMEM((GPW, D), jnp.float32),
            pltpu.VMEM((RPW,), jnp.int32),
            pltpu.VMEM((RPW, D), jnp.float32),
        ] + [pltpu.SemaphoreType.DMA] * 7,
    )
    return call(t_idx, all_logits_flat, rx_list, tpm, o2t, features)



def _tc_maskp_body(bcl_ref, tpl_ref, lab_ref, maskp_ref, c0row_ref,
                   labcol_ref):
    c0 = bcl_ref[:, 0:1]
    qcol = tpl_ref[:, 0:1]
    dn0 = (((0,), (0,)), ((), ()))
    hi = lax.Precision.HIGHEST

    irb = lax.broadcasted_iota(jnp.int32, (B, B), 0)
    icb = lax.broadcasted_iota(jnp.int32, (B, B), 1)
    eye_b = (irb == icb).astype(jnp.float32)
    c0row_ref[...] = lax.dot_general(c0, eye_b, dn0, precision=hi,
                                     preferred_element_type=jnp.float32)
    labrow = lab_ref[...].astype(jnp.float32).reshape(1, B)
    labcol_ref[...] = lax.dot_general(eye_b, labrow,
                                      (((1,), (1,)), ((), ())), precision=hi,
                                      preferred_element_type=jnp.float32)

    ir = lax.broadcasted_iota(jnp.int32, (P, P), 0)
    ic = lax.broadcasted_iota(jnp.int32, (P, P), 1)
    eye_p = (ir == ic).astype(jnp.float32)
    qrow = lax.dot_general(qcol, eye_p, dn0, precision=hi,
                           preferred_element_type=jnp.float32)
    cmp = (qrow < qcol) | ((qrow == qcol) & (ic < ir))
    rank = jnp.sum(cmp.astype(jnp.int32), axis=1, keepdims=True)
    onehot = (rank == ic).astype(jnp.float32)
    s_row = lax.dot_general(qcol, onehot, dn0, precision=hi,
                            preferred_element_type=jnp.float32)

    ds = jnp.abs(s_row - c0)
    dsh = pltpu.roll(ds, P - (KPOS - 1), 1)
    col = lax.broadcasted_iota(jnp.int32, (B, P), 1)
    vc = jnp.where(col < P - (KPOS - 1), jnp.maximum(ds, dsh), jnp.inf)
    vstar = jnp.min(vc, axis=1, keepdims=True)
    d2 = jnp.abs(qrow - c0)
    less = d2 < vstar
    eq = d2 == vstar
    c_less = jnp.sum(less.astype(jnp.int32), axis=1, keepdims=True)
    t_b = (KPOS - c_less).astype(jnp.float32)
    lower = (ir < ic).astype(jnp.bfloat16)
    cum = jnp.dot(eq.astype(jnp.bfloat16), lower,
                  preferred_element_type=jnp.float32)
    maskp_ref[...] = (less | (eq & (cum < t_b))).astype(jnp.float32)


def _tc_body(nlt_ref, c0row_ref, labcol_ref, maskp_ref, g_ref, c_ref, w_ref,
             b_ref, out_ref):
    sum_g = jnp.dot(maskp_ref[...], g_ref[...],
                    preferred_element_type=jnp.float32)
    dn0 = (((0,), (0,)), ((), ()))

    dneg = jnp.abs(nlt_ref[...] - c0row_ref[...])
    bits = lax.bitcast_convert_type(dneg, jnp.int32)
    vstar_n = jnp.zeros((1, B), jnp.int32)
    for kb in range(30, -1, -1):
        t = vstar_n | (1 << kb)
        cnt = jnp.sum((bits < t).astype(jnp.int32), axis=0, keepdims=True)
        vstar_n = jnp.where(cnt < HALF, t, vstar_n)
    c_less_n = jnp.sum((bits < vstar_n).astype(jnp.int32), axis=0,
                       keepdims=True)
    t_bn = HALF - c_less_n
    eqn = bits == vstar_n
    rowi = lax.broadcasted_iota(jnp.int32, (DEG, B), 0)
    istar = jnp.zeros((1, B), jnp.int32)
    for kb in range((DEG - 1).bit_length() - 1, -1, -1):
        t = istar | (1 << kb)
        f = jnp.sum((eqn & (rowi < t)).astype(jnp.int32), axis=0,
                    keepdims=True)
        istar = jnp.where(f < t_bn, t, istar)
    maskn = (bits < vstar_n) | (eqn & (rowi <= istar))
    f_tab = c_ref[0:DEG, :]
    sum_f = lax.dot_general(maskn.astype(jnp.float32), f_tab, dn0,
                            preferred_element_type=jnp.float32)

    agg = jnp.where(labcol_ref[...] == 1.0,
                    (sum_f + sum_g) / (HALF + KPOS),
                    sum_f / HALF)
    w1 = w_ref[:, 0:D]
    w2 = w_ref[:, D:2 * D]
    dn1 = (((1,), (1,)), ((), ()))
    res = (lax.dot_general(c_ref[...], w1, dn1,
                           preferred_element_type=jnp.float32)
           + lax.dot_general(agg, w2, dn1,
                             preferred_element_type=jnp.float32)
           + b_ref[...].reshape(1, D))
    out_ref[...] = jnp.maximum(res, 0.0)


def _tc_call(nlt, bcl, lab, tpl, g_rows, c_rows, w, b):
    maskp, c0row, labcol = pl.pallas_call(
        _tc_maskp_body,
        out_shape=(jax.ShapeDtypeStruct((B, P), jnp.float32),
                   jax.ShapeDtypeStruct((1, B), jnp.float32),
                   jax.ShapeDtypeStruct((B, 1), jnp.float32)),
    )(bcl, tpl, lab)
    return pl.pallas_call(
        _tc_body,
        out_shape=jax.ShapeDtypeStruct((B, D), jnp.float32),
    )(nlt, c0row, labcol, maskp, g_rows, c_rows, w, b)



def kernel(features, batch_center_mask, batch_center_labels, train_pos_mask,
           rx_list, batch_center_logits, batch_all_logits, train_pos_logits,
           trainIdx2OrderIdx, orderIdx2trainIdx, avg_half_pos_neigh, W, b):
    nlt, g_rows, c_rows = _sc_gather(
        trainIdx2OrderIdx.astype(jnp.int32),
        batch_all_logits[:, 0],
        rx_list.astype(jnp.int32),
        train_pos_mask.astype(jnp.int32),
        orderIdx2trainIdx.astype(jnp.int32),
        features,
    )
    return _tc_call(nlt, batch_center_logits,
                    batch_center_labels.astype(jnp.int32), train_pos_logits,
                    g_rows, c_rows, W, b)

# --- scband reference (transcript-rebuilt; emitter-appended) ---
"""Pipeline reference for scband-intra-agg-27023934226443 (READ-ONLY COPY).

The authoritative reference and input builder live on the scoring server;
editing this copy changes nothing except your own understanding.
"""

import jax, jax.numpy as jnp
import numpy as np


def setup_inputs(seed: int = 0) -> dict:
    key = jax.random.key(seed)
    ks = jax.random.split(key, 12)
    N, d, B, P, deg, out_dim = 10000, 128, 1024, 512, 32, 128
    inp = dict(
        features=jax.random.normal(ks[0], (N, d), dtype=jnp.float32),
        batch_center_mask=jax.random.randint(ks[1], (B,), 0, N),
        batch_center_labels=jax.random.randint(ks[2], (B,), 0, 2),
        train_pos_mask=jax.random.randint(ks[3], (P,), 0, N),
        rx_list=jax.random.randint(ks[4], (B, deg), 0, N),
        batch_center_logits=jax.random.normal(ks[5], (B, 2), dtype=jnp.float32),
        batch_all_logits=jax.random.normal(ks[6], (N, 2), dtype=jnp.float32),
        train_pos_logits=jax.random.normal(ks[7], (P, 2), dtype=jnp.float32),
        trainIdx2OrderIdx=jax.random.randint(ks[8], (N,), 0, N),
        orderIdx2trainIdx=jax.random.randint(ks[9], (N,), 0, N),
        avg_half_pos_neigh=16,
        W=jax.random.normal(ks[10], (out_dim, 2 * d), dtype=jnp.float32) * 0.05,
        b=jnp.zeros((out_dim,), dtype=jnp.float32),
    )
    return inp


def reference(features, batch_center_mask, batch_center_labels, train_pos_mask,
              rx_list, batch_center_logits, batch_all_logits, train_pos_logits,
              trainIdx2OrderIdx, orderIdx2trainIdx, avg_half_pos_neigh, W, b):
    # Faithful JAX port of IntraAgg.forward (train_flag=True branch).
    # Python dicts trainIdx2OrderIdx / orderIdx2trainIdx are represented as
    # int lookup arrays; rx_list is a fixed-degree [B, deg] neighbor-id matrix.
    B, deg = rx_list.shape
    half = deg // 2 + 1                 # int(howManyNeighbors/2) + 1
    k_pos = 16 + 1                      # avg_half_pos_neigh + 1
    pos_zero = 0.0 * avg_half_pos_neigh

    def per_center(idx, center_logits, label, neigh_ids):
        # certain_neighbor_logits = batch_all_logits[trainIdx2OrderIdx[rx_list[idx]]]
        cn_logits = batch_all_logits[trainIdx2OrderIdx[neigh_ids]]          # [deg, 2]
        distance = jnp.abs(cn_logits - center_logits)[:, 0]                 # [deg]
        sampled = jnp.argsort(distance)[:half]                              # closest half
        neighbor_feats = features[orderIdx2trainIdx[sampled]]               # [half, d]
        # positive-class augmentation branch (taken when label == 1)
        d2 = jnp.abs(train_pos_logits - center_logits)[:, 0] + pos_zero     # [P]
        choosed = jnp.argsort(d2)[:k_pos]
        minor_feats = features[train_pos_mask[choosed]]                     # [k_pos, d]
        agg_neg = jnp.mean(neighbor_feats, axis=0)
        agg_pos = jnp.mean(jnp.concatenate([neighbor_feats, minor_feats], axis=0), axis=0)
        agg_feats = jnp.where(label == 1, agg_pos, agg_neg)                 # [d]
        center_feat = features[orderIdx2trainIdx[idx]]                      # [d]
        contacted = jnp.concatenate([center_feat, agg_feats], axis=0)       # [2d]
        return jax.nn.relu(W @ contacted + b)                               # [out_dim]

    out = jax.vmap(per_center)(jnp.arange(B), batch_center_logits,
                               batch_center_labels, rx_list)
    return out

if __name__ == "__main__":
    import jax
    _d = setup_inputs()
    print(jax.jit(kernel)(*tuple(_d.values())))

</pallas_src>

<mosaic_0001>
#map = affine_map<(d0, d1) -> (0)>
#map1 = affine_map<(d0, d1) -> (0, 0)>
module attributes {stable_mosaic.version = 14 : i64} {
  func.func @_sc_gather_body(%arg0: i32, %arg1: i32, %arg2: memref<10000xi32, #tpu.memory_space<hbm>>, %arg3: memref<10000xf32, #tpu.memory_space<hbm>>, %arg4: memref<1024x32xi32, #tpu.memory_space<hbm>>, %arg5: memref<512xi32, #tpu.memory_space<hbm>>, %arg6: memref<10000xi32, #tpu.memory_space<hbm>>, %arg7: memref<10000x128xf32, #tpu.memory_space<hbm>>, %arg8: memref<32x1024xf32, #tpu.memory_space<hbm>>, %arg9: memref<512x128xf32, #tpu.memory_space<hbm>>, %arg10: memref<1024x128xf32, #tpu.memory_space<hbm>>, %arg11: memref<10000xi32, #tpu.memory_space<vmem>>, %arg12: memref<10000xf32, #tpu.memory_space<vmem>>, %arg13: memref<32x32xi32, #tpu.memory_space<vmem>>, %arg14: memref<32x32xf32, #tpu.memory_space<vmem>>, %arg15: memref<32x32xi32, #tpu.memory_space<vmem>>, %arg16: memref<16xi32, #tpu.memory_space<vmem>>, %arg17: memref<16x128xf32, #tpu.memory_space<vmem>>, %arg18: memref<32xi32, #tpu.memory_space<vmem>>, %arg19: memref<32x128xf32, #tpu.memory_space<vmem>>, %arg20: memref<!tpu.dma_semaphore, #tpu.memory_space<semaphore_mem>>, %arg21: memref<!tpu.dma_semaphore, #tpu.memory_space<semaphore_mem>>, %arg22: memref<!tpu.dma_semaphore, #tpu.memory_space<semaphore_mem>>, %arg23: memref<!tpu.dma_semaphore, #tpu.memory_space<semaphore_mem>>, %arg24: memref<!tpu.dma_semaphore, #tpu.memory_space<semaphore_mem>>, %arg25: memref<!tpu.dma_semaphore, #tpu.memory_space<semaphore_mem>>, %arg26: memref<!tpu.dma_semaphore, #tpu.memory_space<semaphore_mem>>) attributes {dimension_semantics = [#tpu.dimension_semantics<core_parallel>, #tpu.dimension_semantics<subcore_parallel>], iteration_bounds = array<i64: 2, 16>, scalar_prefetch = 0 : i64, scratch_operands = 16 : i64, tpu.core_type = #tpu.core_type<sc_vector_subcore>, window_params = [{transform_indices = #map}, {transform_indices = #map}, {transform_indices = #map1}, {transform_indices = #map}, {transform_indices = #map}, {transform_indices = #map1}, {transform_indices = #map1}, {transform_indices = #map1}, {transform_indices = #map1}]} {
    %mul3A = arith.constant 2 : i32
    %mul3A_0 = arith.muli %arg1, %mul3A : i32
    %add3A = arith.addi %mul3A_0, %arg0 : i32
    %mul3A_1 = arith.constant 32 : i32
    %mul3A_2 = arith.muli %add3A, %mul3A_1 : i32
    tpu.enqueue_dma source(%arg2 : memref<10000xi32, #tpu.memory_space<hbm>>) target(%arg11 : memref<10000xi32, #tpu.memory_space<vmem>>) target_semaphore(%arg20 : memref<!tpu.dma_semaphore, #tpu.memory_space<semaphore_mem>>)
    tpu.enqueue_dma source(%arg3 : memref<10000xf32, #tpu.memory_space<hbm>>) target(%arg12 : memref<10000xf32, #tpu.memory_space<vmem>>) target_semaphore(%arg21 : memref<!tpu.dma_semaphore, #tpu.memory_space<semaphore_mem>>)
    %dma_start3A = arith.constant 0 : i32
    %dma_start3A_3 = tpu.memref_slice %arg4[%mul3A_2, %dma_start3A] : memref<1024x32xi32, #tpu.memory_space<hbm>> -> memref<32x32xi32, #tpu.memory_space<hbm>>
    %dma_start3A_4 = arith.constant 0 : i32
    %dma_start3A_5 = tpu.memref_slice %arg4[%mul3A_2, %dma_start3A_4] : memref<1024x32xi32, #tpu.memory_space<hbm>> -> memref<32x32xi32, #tpu.memory_space<hbm>>
    tpu.enqueue_dma source(%dma_start3A_5 : memref<32x32xi32, #tpu.memory_space<hbm>>) target(%arg13 : memref<32x32xi32, #tpu.memory_space<vmem>>) target_semaphore(%arg22 : memref<!tpu.dma_semaphore, #tpu.memory_space<semaphore_mem>>)
    %mul3A_6 = arith.constant 16 : i32
    %mul3A_7 = arith.muli %add3A, %mul3A_6 : i32
    %dma_start3A_8 = tpu.memref_slice %arg5[%mul3A_7] : memref<512xi32, #tpu.memory_space<hbm>> -> memref<16xi32, #tpu.memory_space<hbm>>
    %dma_start3A_9 = tpu.memref_slice %arg5[%mul3A_7] : memref<512xi32, #tpu.memory_space<hbm>> -> memref<16xi32, #tpu.memory_space<hbm>>
    tpu.enqueue_dma source(%dma_start3A_9 : memref<16xi32, #tpu.memory_space<hbm>>) target(%arg16 : memref<16xi32, #tpu.memory_space<vmem>>) target_semaphore(%arg23 : memref<!tpu.dma_semaphore, #tpu.memory_space<semaphore_mem>>)
    %dma_start3A_10 = tpu.memref_slice %arg6[%mul3A_2] : memref<10000xi32, #tpu.memory_space<hbm>> -> memref<32xi32, #tpu.memory_space<hbm>>
    %dma_start3A_11 = tpu.memref_slice %arg6[%mul3A_2] : memref<10000xi32, #tpu.memory_space<hbm>> -> memref<32xi32, #tpu.memory_space<hbm>>
    tpu.enqueue_dma source(%dma_start3A_11 : memref<32xi32, #tpu.memory_space<hbm>>) target(%arg18 : memref<32xi32, #tpu.memory_space<vmem>>) target_semaphore(%arg24 : memref<!tpu.dma_semaphore, #tpu.memory_space<semaphore_mem>>)
    %dma_wait3A = tpu.memref_slice %arg5[%mul3A_7] : memref<512xi32, #tpu.memory_space<hbm>> -> memref<16xi32, #tpu.memory_space<hbm>>
    %dma_wait3A_12 = tpu.memref_slice %arg5[%mul3A_7] : memref<512xi32, #tpu.memory_space<hbm>> -> memref<16xi32, #tpu.memory_space<hbm>>
    tpu.wait_dma2 semaphore(%arg23 : memref<!tpu.dma_semaphore, #tpu.memory_space<semaphore_mem>>) src(%dma_wait3A_12 : memref<16xi32, #tpu.memory_space<hbm>>) dst(%arg16 : memref<16xi32, #tpu.memory_space<vmem>>)
    %dma_start3A_13 = arith.constant 0 : i32
    %dma_start3A_14 = arith.constant 0 : i32
    %dma_start3A_15 = tpu.memref_slice %arg7[%dma_start3A_13, %dma_start3A_14] : memref<10000x128xf32, #tpu.memory_space<hbm>> -> memref<10000x128xf32, #tpu.memory_space<hbm>>
    tpu.enqueue_indirect_dma source(%dma_start3A_15 : memref<10000x128xf32, #tpu.memory_space<hbm>>) target(%arg17 : memref<16x128xf32, #tpu.memory_space<vmem>>) offsets(%arg16 : memref<16xi32, #tpu.memory_space<vmem>>) semaphore(%arg25 : memref<!tpu.dma_semaphore, #tpu.memory_space<semaphore_mem>>)
    %dma_wait3A_16 = tpu.memref_slice %arg6[%mul3A_2] : memref<10000xi32, #tpu.memory_space<hbm>> -> memref<32xi32, #tpu.memory_space<hbm>>
    %dma_wait3A_17 = tpu.memref_slice %arg6[%mul3A_2] : memref<10000xi32, #tpu.memory_space<hbm>> -> memref<32xi32, #tpu.memory_space<hbm>>
    tpu.wait_dma2 semaphore(%arg24 : memref<!tpu.dma_semaphore, #tpu.memory_space<semaphore_mem>>) src(%dma_wait3A_17 : memref<32xi32, #tpu.memory_space<hbm>>) dst(%arg18 : memref<32xi32, #tpu.memory_space<vmem>>)
    %dma_start3A_18 = arith.constant 0 : i32
    %dma_start3A_19 = arith.constant 0 : i32
    %dma_start3A_20 = tpu.memref_slice %arg7[%dma_start3A_18, %dma_start3A_19] : memref<10000x128xf32, #tpu.memory_space<hbm>> -> memref<10000x128xf32, #tpu.memory_space<hbm>>
    tpu.enqueue_indirect_dma source(%dma_start3A_20 : memref<10000x128xf32, #tpu.memory_space<hbm>>) target(%arg19 : memref<32x128xf32, #tpu.memory_space<vmem>>) offsets(%arg18 : memref<32xi32, #tpu.memory_space<vmem>>) semaphore(%arg26 : memref<!tpu.dma_semaphore, #tpu.memory_space<semaphore_mem>>)
    tpu.wait_dma2 semaphore(%arg20 : memref<!tpu.dma_semaphore, #tpu.memory_space<semaphore_mem>>) src(%arg2 : memref<10000xi32, #tpu.memory_space<hbm>>) dst(%arg11 : memref<10000xi32, #tpu.memory_space<vmem>>)
    tpu.wait_dma2 semaphore(%arg21 : memref<!tpu.dma_semaphore, #tpu.memory_space<semaphore_mem>>) src(%arg3 : memref<10000xf32, #tpu.memory_space<hbm>>) dst(%arg12 : memref<10000xf32, #tpu.memory_space<vmem>>)
    %dma_wait3A_21 = arith.constant 0 : i32
    %dma_wait3A_22 = tpu.memref_slice %arg4[%mul3A_2, %dma_wait3A_21] : memref<1024x32xi32, #tpu.memory_space<hbm>> -> memref<32x32xi32, #tpu.memory_space<hbm>>
    %dma_wait3A_23 = arith.constant 0 : i32
    %dma_wait3A_24 = tpu.memref_slice %arg4[%mul3A_2, %dma_wait3A_23] : memref<1024x32xi32, #tpu.memory_space<hbm>> -> memref<32x32xi32, #tpu.memory_space<hbm>>
    tpu.wait_dma2 semaphore(%arg22 : memref<!tpu.dma_semaphore, #tpu.memory_space<semaphore_mem>>) src(%dma_wait3A_24 : memref<32x32xi32, #tpu.memory_space<hbm>>) dst(%arg13 : memref<32x32xi32, #tpu.memory_space<vmem>>)
    %iota3A = tpu.iota {dimensions = array<i32: 0>} : vector<16xi32>
    %mul3A_25 = arith.constant 0 : i32
    %mul3A_26 = vector.broadcast %mul3A_25 : i32 to vector<16xi32>
    %mul3A_27 = arith.muli %iota3A, %mul3A_26 : vector<16xi32>
    %get3A = arith.constant 0 : i32
    %get3A_28 = arith.index_cast %get3A : i32 to index
    %get3A_29 = arith.constant 0 : index
    %get3A_30 = tpu.vector_load %arg13[%get3A_28, %get3A_29] {strides = array<i32>} : memref<32x32xi32, #tpu.memory_space<vmem>>, vector<16xi32>,
    %gather3A = tpu.vector_load_idx %arg11[%get3A_30] : memref<10000xi32, #tpu.memory_space<vmem>>[vector<16xi32>], vector<16xi32>,
    %swap3A = arith.constant 0 : i32
    %swap3A_31 = arith.index_cast %swap3A : i32 to index
    %swap3A_32 = arith.constant 0 : index
    %swap3A_33 = tpu.vector_load %arg15[%swap3A_31, %swap3A_32] {strides = array<i32>} : memref<32x32xi32, #tpu.memory_space<vmem>>, vector<16xi32>,
    tpu.vector_store %arg15[%swap3A_31, %swap3A_32], %gather3A {strides = array<i32>} : memref<32x32xi32, #tpu.memory_space<vmem>>, vector<16xi32>,
    %get3A_34 = arith.constant 0 : i32
    %get3A_35 = arith.index_cast %get3A_34 : i32 to index
    %get3A_36 = arith.constant 16 : index
    %get3A_37 = tpu.vector_load %arg13[%get3A_35, %get3A_36] {strides = array<i32>} : memref<32x32xi32, #tpu.memory_space<vmem>>, vector<16xi32>,
    %gather3A_38 = tpu.vector_load_idx %arg11[%get3A_37] : memref<10000xi32, #tpu.memory_space<vmem>>[vector<16xi32>], vector<16xi32>,
    %swap3A_39 = arith.constant 0 : i32
    %swap3A_40 = arith.index_cast %swap3A_39 : i32 to index
    %swap3A_41 = arith.constant 16 : index
    %swap3A_42 = tpu.vector_load %arg15[%swap3A_40, %swap3A_41] {strides = array<i32>} : memref<32x32xi32, #tpu.memory_space<vmem>>, vector<16xi32>,
    tpu.vector_store %arg15[%swap3A_40, %swap3A_41], %gather3A_38 {strides = array<i32>} : memref<32x32xi32, #tpu.memory_space<vmem>>, vector<16xi32>,
    %get3A_43 = arith.constant 1 : i32
    %get3A_44 = arith.index_cast %get3A_43 : i32 to index
    %get3A_45 = arith.constant 0 : index
    %get3A_46 = tpu.vector_load %arg13[%get3A_44, %get3A_45] {strides = array<i32>} : memref<32x32xi32, #tpu.memory_space<vmem>>, vector<16xi32>,
    %gather3A_47 = tpu.vector_load_idx %arg11[%get3A_46] : memref<10000xi32, #tpu.memory_space<vmem>>[vector<16xi32>], vector<16xi32>,
    %swap3A_48 = arith.constant 1 : i32
    %swap3A_49 = arith.index_cast %swap3A_48 : i32 to index
    %swap3A_50 = arith.constant 0 : index
    %swap3A_51 = tpu.vector_load %arg15[%swap3A_49, %swap3A_50] {strides = array<i32>} : memref<32x32xi32, #tpu.memory_space<vmem>>, vector<16xi32>,
    tpu.vector_store %arg15[%swap3A_49, %swap3A_50], %gather3A_47 {strides = array<i32>} : memref<32x32xi32, #tpu.memory_space<vmem>>, vector<16xi32>,
    %get3A_52 = arith.constant 1 : i32
    %get3A_53 = arith.index_cast %get3A_52 : i32 to index
    %get3A_54 = arith.constant 16 : index
    %get3A_55 = tpu.vector_load %arg13[%get3A_53, %get3A_54] {strides = array<i32>} : memref<32x32xi32, #tpu.memory_space<vmem>>, vector<16xi32>,
    %gather3A_56 = tpu.vector_load_idx %arg11[%get3A_55] : memref<10000xi32, #tpu.memory_space<vmem>>[vector<16xi32>], vector<16xi32>,
    %swap3A_57 = arith.constant 1 : i32
    %swap3A_58 = arith.index_cast %swap3A_57 : i32 to index
    %swap3A_59 = arith.constant 16 : index
    %swap3A_60 = tpu.vector_load %arg15[%swap3A_58, %swap3A_59] {strides = array<i32>} : memref<32x32xi32, #tpu.memory_space<vmem>>, vector<16xi32>,
    tpu.vector_store %arg15[%swap3A_58, %swap3A_59], %gather3A_56 {strides = array<i32>} : memref<32x32xi32, #tpu.memory_space<vmem>>, vector<16xi32>,
    %get3A_61 = arith.constant 2 : i32
    %get3A_62 = arith.index_cast %get3A_61 : i32 to index
    %get3A_63 = arith.constant 0 : index
    %get3A_64 = tpu.vector_load %arg13[%get3A_62, %get3A_63] {strides = array<i32>} : memref<32x32xi32, #tpu.memory_space<vmem>>, vector<16xi32>,
    %gather3A_65 = tpu.vector_load_idx %arg11[%get3A_64] : memref<10000xi32, #tpu.memory_space<vmem>>[vector<16xi32>], vector<16xi32>,
    %swap3A_66 = arith.constant 2 : i32
    %swap3A_67 = arith.index_cast %swap3A_66 : i32 to index
    %swap3A_68 = arith.constant 0 : index
    %swap3A_69 = tpu.vector_load %arg15[%swap3A_67, %swap3A_68] {strides = array<i32>} : memref<32x32xi32, #tpu.memory_space<vmem>>, vector<16xi32>,
    tpu.vector_store %arg15[%swap3A_67, %swap3A_68], %gather3A_65 {strides = array<i32>} : memref<32x32xi32, #tpu.memory_space<vmem>>, vector<16xi32>,
    %get3A_70 = arith.constant 2 : i32
    %get3A_71 = arith.index_cast %get3A_70 : i32 to index
    %get3A_72 = arith.constant 16 : index
    %get3A_73 = tpu.vector_load %arg13[%get3A_71, %get3A_72] {strides = array<i32>} : memref<32x32xi32, #tpu.memory_space<vmem>>, vector<16xi32>,
    %gather3A_74 = tpu.vector_load_idx %arg11[%get3A_73] : memref<10000xi32, #tpu.memory_space<vmem>>[vector<16xi32>], vector<16xi32>,
    %swap3A_75 = arith.constant 2 : i32
    %swap3A_76 = arith.index_cast %swap3A_75 : i32 to index
    %swap3A_77 = arith.constant 16 : index
    %swap3A_78 = tpu.vector_load %arg15[%swap3A_76, %swap3A_77] {strides = array<i32>} : memref<32x32xi32, #tpu.memory_space<vmem>>, vector<16xi32>,
    tpu.vector_store %arg15[%swap3A_76, %swap3A_77], %gather3A_74 {strides = array<i32>} : memref<32x32xi32, #tpu.memory_space<vmem>>, vector<16xi32>,
    %get3A_79 = arith.constant 3 : i32
    %get3A_80 = arith.index_cast %get3A_79 : i32 to index
    %get3A_81 = arith.constant 0 : index
    %get3A_82 = tpu.vector_load %arg13[%get3A_80, %get3A_81] {strides = array<i32>} : memref<32x32xi32, #tpu.memory_space<vmem>>, vector<16xi32>,
    %gather3A_83 = tpu.vector_load_idx %arg11[%get3A_82] : memref<10000xi32, #tpu.memory_space<vmem>>[vector<16xi32>], vector<16xi32>,
    %swap3A_84 = arith.constant 3 : i32
    %swap3A_85 = arith.index_cast %swap3A_84 : i32 to index
    %swap3A_86 = arith.constant 0 : index
    %swap3A_87 = tpu.vector_load %arg15[%swap3A_85, %swap3A_86] {strides = array<i32>} : memref<32x32xi32, #tpu.memory_space<vmem>>, vector<16xi32>,
    tpu.vector_store %arg15[%swap3A_85, %swap3A_86], %gather3A_83 {strides = array<i32>} : memref<32x32xi32, #tpu.memory_space<vmem>>, vector<16xi32>,
    %get3A_88 = arith.constant 3 : i32
    %get3A_89 = arith.index_cast %get3A_88 : i32 to index
    %get3A_90 = arith.constant 16 : index
    %get3A_91 = tpu.vector_load %arg13[%get3A_89, %get3A_90] {strides = array<i32>} : memref<32x32xi32, #tpu.memory_space<vmem>>, vector<16xi32>,
    %gather3A_92 = tpu.vector_load_idx %arg11[%get3A_91] : memref<10000xi32, #tpu.memory_space<vmem>>[vector<16xi32>], vector<16xi32>,
    %swap3A_93 = arith.constant 3 : i32
    %swap3A_94 = arith.index_cast %swap3A_93 : i32 to index
    %swap3A_95 = arith.constant 16 : index
    %swap3A_96 = tpu.vector_load %arg15[%swap3A_94, %swap3A_95] {strides = array<i32>} : memref<32x32xi32, #tpu.memory_space<vmem>>, vector<16xi32>,
    tpu.vector_store %arg15[%swap3A_94, %swap3A_95], %gather3A_92 {strides = array<i32>} : memref<32x32xi32, #tpu.memory_space<vmem>>, vector<16xi32>,
    %get3A_97 = arith.constant 4 : i32
    %get3A_98 = arith.index_cast %get3A_97 : i32 to index
    %get3A_99 = arith.constant 0 : index
    %get3A_100 = tpu.vector_load %arg13[%get3A_98, %get3A_99] {strides = array<i32>} : memref<32x32xi32, #tpu.memory_space<vmem>>, vector<16xi32>,
    %gather3A_101 = tpu.vector_load_idx %arg11[%get3A_100] : memref<10000xi32, #tpu.memory_space<vmem>>[vector<16xi32>], vector<16xi32>,
    %swap3A_102 = arith.constant 4 : i32
    %swap3A_103 = arith.index_cast %swap3A_102 : i32 to index
    %swap3A_104 = arith.constant 0 : index
    %swap3A_105 = tpu.vector_load %arg15[%swap3A_103, %swap3A_104] {strides = array<i32>} : memref<32x32xi32, #tpu.memory_space<vmem>>, vector<16xi32>,
    tpu.vector_store %arg15[%swap3A_103, %swap3A_104], %gather3A_101 {strides = array<i32>} : memref<32x32xi32, #tpu.memory_space<vmem>>, vector<16xi32>,
    %get3A_106 = arith.constant 4 : i32
    %get3A_107 = arith.index_cast %get3A_106 : i32 to index
    %get3A_108 = arith.constant 16 : index
    %get3A_109 = tpu.vector_load %arg13[%get3A_107, %get3A_108] {strides = array<i32>} : memref<32x32xi32, #tpu.memory_space<vmem>>, vector<16xi32>,
    %gather3A_110 = tpu.vector_load_idx %arg11[%get3A_109] : memref<10000xi32, #tpu.memory_space<vmem>>[vector<16xi32>], vector<16xi32>,
    %swap3A_111 = arith.constant 4 : i32
    %swap3A_112 = arith.index_cast %swap3A_111 : i32 to index
    %swap3A_113 = arith.constant 16 : index
    %swap3A_114 = tpu.vector_load %arg15[%swap3A_112, %swap3A_113] {strides = array<i32>} : memref<32x32xi32, #tpu.memory_space<vmem>>, vector<16xi32>,
    tpu.vector_store %arg15[%swap3A_112, %swap3A_113], %gather3A_110 {strides = array<i32>} : memref<32x32xi32, #tpu.memory_space<vmem>>, vector<16xi32>,
    %get3A_115 = arith.constant 5 : i32
    %get3A_116 = arith.index_cast %get3A_115 : i32 to index
    %get3A_117 = arith.constant 0 : index
    %get3A_118 = tpu.vector_load %arg13[%get3A_116, %get3A_117] {strides = array<i32>} : memref<32x32xi32, #tpu.memory_space<vmem>>, vector<16xi32>,
    %gather3A_119 = tpu.vector_load_idx %arg11[%get3A_118] : memref<10000xi32, #tpu.memory_space<vmem>>[vector<16xi32>], vector<16xi32>,
    %swap3A_120 = arith.constant 5 : i32
    %swap3A_121 = arith.index_cast %swap3A_120 : i32 to index
    %swap3A_122 = arith.constant 0 : index
    %swap3A_123 = tpu.vector_load %arg15[%swap3A_121, %swap3A_122] {strides = array<i32>} : memref<32x32xi32, #tpu.memory_space<vmem>>, vector<16xi32>,
    tpu.vector_store %arg15[%swap3A_121, %swap3A_122], %gather3A_119 {strides = array<i32>} : memref<32x32xi32, #tpu.memory_space<vmem>>, vector<16xi32>,
    %get3A_124 = arith.constant 5 : i32
    %get3A_125 = arith.index_cast %get3A_124 : i32 to index
    %get3A_126 = arith.constant 16 : index
    %get3A_127 = tpu.vector_load %arg13[%get3A_125, %get3A_126] {strides = array<i32>} : memref<32x32xi32, #tpu.memory_space<vmem>>, vector<16xi32>,
    %gather3A_128 = tpu.vector_load_idx %arg11[%get3A_127] : memref<10000xi32, #tpu.memory_space<vmem>>[vector<16xi32>], vector<16xi32>,
    %swap3A_129 = arith.constant 5 : i32
    %swap3A_130 = arith.index_cast %swap3A_129 : i32 to index
    %swap3A_131 = arith.constant 16 : index
    %swap3A_132 = tpu.vector_load %arg15[%swap3A_130, %swap3A_131] {strides = array<i32>} : memref<32x32xi32, #tpu.memory_space<vmem>>, vector<16xi32>,
    tpu.vector_store %arg15[%swap3A_130, %swap3A_131], %gather3A_128 {strides = array<i32>} : memref<32x32xi32, #tpu.memory_space<vmem>>, vector<16xi32>,
    %get3A_133 = arith.constant 6 : i32
    %get3A_134 = arith.index_cast %get3A_133 : i32 to index
    %get3A_135 = arith.constant 0 : index
    %get3A_136 = tpu.vector_load %arg13[%get3A_134, %get3A_135] {strides = array<i32>} : memref<32x32xi32, #tpu.memory_space<vmem>>, vector<16xi32>,
    %gather3A_137 = tpu.vector_load_idx %arg11[%get3A_136] : memref<10000xi32, #tpu.memory_space<vmem>>[vector<16xi32>], vector<16xi32>,
    %swap3A_138 = arith.constant 6 : i32
    %swap3A_139 = arith.index_cast %swap3A_138 : i32 to index
    %swap3A_140 = arith.constant 0 : index
    %swap3A_141 = tpu.vector_load %arg15[%swap3A_139, %swap3A_140] {strides = array<i32>} : memref<32x32xi32, #tpu.memory_space<vmem>>, vector<16xi32>,
    tpu.vector_store %arg15[%swap3A_139, %swap3A_140], %gather3A_137 {strides = array<i32>} : memref<32x32xi32, #tpu.memory_space<vmem>>, vector<16xi32>,
    %get3A_142 = arith.constant 6 : i32
    %get3A_143 = arith.index_cast %get3A_142 : i32 to index
    %get3A_144 = arith.constant 16 : index
    %get3A_145 = tpu.vector_load %arg13[%get3A_143, %get3A_144] {strides = array<i32>} : memref<32x32xi32, #tpu.memory_space<vmem>>, vector<16xi32>,
    %gather3A_146 = tpu.vector_load_idx %arg11[%get3A_145] : memref<10000xi32, #tpu.memory_space<vmem>>[vector<16xi32>], vector<16xi32>,
    %swap3A_147 = arith.constant 6 : i32
    %swap3A_148 = arith.index_cast %swap3A_147 : i32 to index
    %swap3A_149 = arith.constant 16 : index
    %swap3A_150 = tpu.vector_load %arg15[%swap3A_148, %swap3A_149] {strides = array<i32>} : memref<32x32xi32, #tpu.memory_space<vmem>>, vector<16xi32>,
    tpu.vector_store %arg15[%swap3A_148, %swap3A_149], %gather3A_146 {strides = array<i32>} : memref<32x32xi32, #tpu.memory_space<vmem>>, vector<16xi32>,
    %get3A_151 = arith.constant 7 : i32
    %get3A_152 = arith.index_cast %get3A_151 : i32 to index
    %get3A_153 = arith.constant 0 : index
    %get3A_154 = tpu.vector_load %arg13[%get3A_152, %get3A_153] {strides = array<i32>} : memref<32x32xi32, #tpu.memory_space<vmem>>, vector<16xi32>,
    %gather3A_155 = tpu.vector_load_idx %arg11[%get3A_154] : memref<10000xi32, #tpu.memory_space<vmem>>[vector<16xi32>], vector<16xi32>,
    %swap3A_156 = arith.constant 7 : i32
    %swap3A_157 = arith.index_cast %swap3A_156 : i32 to index
    %swap3A_158 = arith.constant 0 : index
    %swap3A_159 = tpu.vector_load %arg15[%swap3A_157, %swap3A_158] {strides = array<i32>} : memref<32x32xi32, #tpu.memory_space<vmem>>, vector<16xi32>,
    tpu.vector_store %arg15[%swap3A_157, %swap3A_158], %gather3A_155 {strides = array<i32>} : memref<32x32xi32, #tpu.memory_space<vmem>>, vector<16xi32>,
    %get3A_160 = arith.constant 7 : i32
    %get3A_161 = arith.index_cast %get3A_160 : i32 to index
    %get3A_162 = arith.constant 16 : index
    %get3A_163 = tpu.vector_load %arg13[%get3A_161, %get3A_162] {strides = array<i32>} : memref<32x32xi32, #tpu.memory_space<vmem>>, vector<16xi32>,
    %gather3A_164 = tpu.vector_load_idx %arg11[%get3A_163] : memref<10000xi32, #tpu.memory_space<vmem>>[vector<16xi32>], vector<16xi32>,
    %swap3A_165 = arith.constant 7 : i32
    %swap3A_166 = arith.index_cast %swap3A_165 : i32 to index
    %swap3A_167 = arith.constant 16 : index
    %swap3A_168 = tpu.vector_load %arg15[%swap3A_166, %swap3A_167] {strides = array<i32>} : memref<32x32xi32, #tpu.memory_space<vmem>>, vector<16xi32>,
    tpu.vector_store %arg15[%swap3A_166, %swap3A_167], %gather3A_164 {strides = array<i32>} : memref<32x32xi32, #tpu.memory_space<vmem>>, vector<16xi32>,
    %get3A_169 = arith.constant 8 : i32
    %get3A_170 = arith.index_cast %get3A_169 : i32 to index
    %get3A_171 = arith.constant 0 : index
    %get3A_172 = tpu.vector_load %arg13[%get3A_170, %get3A_171] {strides = array<i32>} : memref<32x32xi32, #tpu.memory_space<vmem>>, vector<16xi32>,
    %gather3A_173 = tpu.vector_load_idx %arg11[%get3A_172] : memref<10000xi32, #tpu.memory_space<vmem>>[vector<16xi32>], vector<16xi32>,
    %swap3A_174 = arith.constant 8 : i32
    %swap3A_175 = arith.index_cast %swap3A_174 : i32 to index
    %swap3A_176 = arith.constant 0 : index
    %swap3A_177 = tpu.vector_load %arg15[%swap3A_175, %swap3A_176] {strides = array<i32>} : memref<32x32xi32, #tpu.memory_space<vmem>>, vector<16xi32>,
    tpu.vector_store %arg15[%swap3A_175, %swap3A_176], %gather3A_173 {strides = array<i32>} : memref<32x32xi32, #tpu.memory_space<vmem>>, vector<16xi32>,
    %get3A_178 = arith.constant 8 : i32
    %get3A_179 = arith.index_cast %get3A_178 : i32 to index
    %get3A_180 = arith.constant 16 : index
    %get3A_181 = tpu.vector_load %arg13[%get3A_179, %get3A_180] {strides = array<i32>} : memref<32x32xi32, #tpu.memory_space<vmem>>, vector<16xi32>,
    %gather3A_182 = tpu.vector_load_idx %arg11[%get3A_181] : memref<10000xi32, #tpu.memory_space<vmem>>[vector<16xi32>], vector<16xi32>,
    %swap3A_183 = arith.constant 8 : i32
    %swap3A_184 = arith.index_cast %swap3A_183 : i32 to index
    %swap3A_185 = arith.constant 16 : index
    %swap3A_186 = tpu.vector_load %arg15[%swap3A_184, %swap3A_185] {strides = array<i32>} : memref<32x32xi32, #tpu.memory_space<vmem>>, vector<16xi32>,
    tpu.vector_store %arg15[%swap3A_184, %swap3A_185], %gather3A_182 {strides = array<i32>} : memref<32x32xi32, #tpu.memory_space<vmem>>, vector<16xi32>,
    %get3A_187 = arith.constant 9 : i32
    %get3A_188 = arith.index_cast %get3A_187 : i32 to index
    %get3A_189 = arith.constant 0 : index
    %get3A_190 = tpu.vector_load %arg13[%get3A_188, %get3A_189] {strides = array<i32>} : memref<32x32xi32, #tpu.memory_space<vmem>>, vector<16xi32>,
    %gather3A_191 = tpu.vector_load_idx %arg11[%get3A_190] : memref<10000xi32, #tpu.memory_space<vmem>>[vector<16xi32>], vector<16xi32>,
    %swap3A_192 = arith.constant 9 : i32
    %swap3A_193 = arith.index_cast %swap3A_192 : i32 to index
    %swap3A_194 = arith.constant 0 : index
    %swap3A_195 = tpu.vector_load %arg15[%swap3A_193, %swap3A_194] {strides = array<i32>} : memref<32x32xi32, #tpu.memory_space<vmem>>, vector<16xi32>,
    tpu.vector_store %arg15[%swap3A_193, %swap3A_194], %gather3A_191 {strides = array<i32>} : memref<32x32xi32, #tpu.memory_space<vmem>>, vector<16xi32>,
    %get3A_196 = arith.constant 9 : i32
    %get3A_197 = arith.index_cast %get3A_196 : i32 to index
    %get3A_198 = arith.constant 16 : index
    %get3A_199 = tpu.vector_load %arg13[%get3A_197, %get3A_198] {strides = array<i32>} : memref<32x32xi32, #tpu.memory_space<vmem>>, vector<16xi32>,
    %gather3A_200 = tpu.vector_load_idx %arg11[%get3A_199] : memref<10000xi32, #tpu.memory_space<vmem>>[vector<16xi32>], vector<16xi32>,
    %swap3A_201 = arith.constant 9 : i32
    %swap3A_202 = arith.index_cast %swap3A_201 : i32 to index
    %swap3A_203 = arith.constant 16 : index
    %swap3A_204 = tpu.vector_load %arg15[%swap3A_202, %swap3A_203] {strides = array<i32>} : memref<32x32xi32, #tpu.memory_space<vmem>>, vector<16xi32>,
    tpu.vector_store %arg15[%swap3A_202, %swap3A_203], %gather3A_200 {strides = array<i32>} : memref<32x32xi32, #tpu.memory_space<vmem>>, vector<16xi32>,
    %get3A_205 = arith.constant 10 : i32
    %get3A_206 = arith.index_cast %get3A_205 : i32 to index
    %get3A_207 = arith.constant 0 : index
    %get3A_208 = tpu.vector_load %arg13[%get3A_206, %get3A_207] {strides = array<i32>} : memref<32x32xi32, #tpu.memory_space<vmem>>, vector<16xi32>,
    %gather3A_209 = tpu.vector_load_idx %arg11[%get3A_208] : memref<10000xi32, #tpu.memory_space<vmem>>[vector<16xi32>], vector<16xi32>,
    %swap3A_210 = arith.constant 10 : i32
    %swap3A_211 = arith.index_cast %swap3A_210 : i32 to index
    %swap3A_212 = arith.constant 0 : index
    %swap3A_213 = tpu.vector_load %arg15[%swap3A_211, %swap3A_212] {strides = array<i32>} : memref<32x32xi32, #tpu.memory_space<vmem>>, vector<16xi32>,
    tpu.vector_store %arg15[%swap3A_211, %swap3A_212], %gather3A_209 {strides = array<i32>} : memref<32x32xi32, #tpu.memory_space<vmem>>, vector<16xi32>,
    %get3A_214 = arith.constant 10 : i32
    %get3A_215 = arith.index_cast %get3A_214 : i32 to index
    %get3A_216 = arith.constant 16 : index
    %get3A_217 = tpu.vector_load %arg13[%get3A_215, %get3A_216] {strides = array<i32>} : memref<32x32xi32, #tpu.memory_space<vmem>>, vector<16xi32>,
    %gather3A_218 = tpu.vector_load_idx %arg11[%get3A_217] : memref<10000xi32, #tpu.memory_space<vmem>>[vector<16xi32>], vector<16xi32>,
    %swap3A_219 = arith.constant 10 : i32
    %swap3A_220 = arith.index_cast %swap3A_219 : i32 to index
    %swap3A_221 = arith.constant 16 : index
    %swap3A_222 = tpu.vector_load %arg15[%swap3A_220, %swap3A_221] {strides = array<i32>} : memref<32x32xi32, #tpu.memory_space<vmem>>, vector<16xi32>,
    tpu.vector_store %arg15[%swap3A_220, %swap3A_221], %gather3A_218 {strides = array<i32>} : memref<32x32xi32, #tpu.memory_space<vmem>>, vector<16xi32>,
    %get3A_223 = arith.constant 11 : i32
    %get3A_224 = arith.index_cast %get3A_223 : i32 to index
    %get3A_225 = arith.constant 0 : index
    %get3A_226 = tpu.vector_load %arg13[%get3A_224, %get3A_225] {strides = array<i32>} : memref<32x32xi32, #tpu.memory_space<vmem>>, vector<16xi32>,
    %gather3A_227 = tpu.vector_load_idx %arg11[%get3A_226] : memref<10000xi32, #tpu.memory_space<vmem>>[vector<16xi32>], vector<16xi32>,
    %swap3A_228 = arith.constant 11 : i32
    %swap3A_229 = arith.index_cast %swap3A_228 : i32 to index
    %swap3A_230 = arith.constant 0 : index
    %swap3A_231 = tpu.vector_load %arg15[%swap3A_229, %swap3A_230] {strides = array<i32>} : memref<32x32xi32, #tpu.memory_space<vmem>>, vector<16xi32>,
    tpu.vector_store %arg15[%swap3A_229, %swap3A_230], %gather3A_227 {strides = array<i32>} : memref<32x32xi32, #tpu.memory_space<vmem>>, vector<16xi32>,
    %get3A_232 = arith.constant 11 : i32
    %get3A_233 = arith.index_cast %get3A_232 : i32 to index
    %get3A_234 = arith.constant 16 : index
    %get3A_235 = tpu.vector_load %arg13[%get3A_233, %get3A_234] {strides = array<i32>} : memref<32x32xi32, #tpu.memory_space<vmem>>, vector<16xi32>,
    %gather3A_236 = tpu.vector_load_idx %arg11[%get3A_235] : memref<10000xi32, #tpu.memory_space<vmem>>[vector<16xi32>], vector<16xi32>,
    %swap3A_237 = arith.constant 11 : i32
    %swap3A_238 = arith.index_cast %swap3A_237 : i32 to index
    %swap3A_239 = arith.constant 16 : index
    %swap3A_240 = tpu.vector_load %arg15[%swap3A_238, %swap3A_239] {strides = array<i32>} : memref<32x32xi32, #tpu.memory_space<vmem>>, vector<16xi32>,
    tpu.vector_store %arg15[%swap3A_238, %swap3A_239], %gather3A_236 {strides = array<i32>} : memref<32x32xi32, #tpu.memory_space<vmem>>, vector<16xi32>,
    %get3A_241 = arith.constant 12 : i32
    %get3A_242 = arith.index_cast %get3A_241 : i32 to index
    %get3A_243 = arith.constant 0 : index
    %get3A_244 = tpu.vector_load %arg13[%get3A_242, %get3A_243] {strides = array<i32>} : memref<32x32xi32, #tpu.memory_space<vmem>>, vector<16xi32>,
    %gather3A_245 = tpu.vector_load_idx %arg11[%get3A_244] : memref<10000xi32, #tpu.memory_space<vmem>>[vector<16xi32>], vector<16xi32>,
    %swap3A_246 = arith.constant 12 : i32
    %swap3A_247 = arith.index_cast %swap3A_246 : i32 to index
    %swap3A_248 = arith.constant 0 : index
    %swap3A_249 = tpu.vector_load %arg15[%swap3A_247, %swap3A_248] {strides = array<i32>} : memref<32x32xi32, #tpu.memory_space<vmem>>, vector<16xi32>,
    tpu.vector_store %arg15[%swap3A_247, %swap3A_248], %gather3A_245 {strides = array<i32>} : memref<32x32xi32, #tpu.memory_space<vmem>>, vector<16xi32>,
    %get3A_250 = arith.constant 12 : i32
    %get3A_251 = arith.index_cast %get3A_250 : i32 to index
    %get3A_252 = arith.constant 16 : index
    %get3A_253 = tpu.vector_load %arg13[%get3A_251, %get3A_252] {strides = array<i32>} : memref<32x32xi32, #tpu.memory_space<vmem>>, vector<16xi32>,
    %gather3A_254 = tpu.vector_load_idx %arg11[%get3A_253] : memref<10000xi32, #tpu.memory_space<vmem>>[vector<16xi32>], vector<16xi32>,
    %swap3A_255 = arith.constant 12 : i32
    %swap3A_256 = arith.index_cast %swap3A_255 : i32 to index
    %swap3A_257 = arith.constant 16 : index
    %swap3A_258 = tpu.vector_load %arg15[%swap3A_256, %swap3A_257] {strides = array<i32>} : memref<32x32xi32, #tpu.memory_space<vmem>>, vector<16xi32>,
    tpu.vector_store %arg15[%swap3A_256, %swap3A_257], %gather3A_254 {strides = array<i32>} : memref<32x32xi32, #tpu.memory_space<vmem>>, vector<16xi32>,
    %get3A_259 = arith.constant 13 : i32
    %get3A_260 = arith.index_cast %get3A_259 : i32 to index
    %get3A_261 = arith.constant 0 : index
    %get3A_262 = tpu.vector_load %arg13[%get3A_260, %get3A_261] {strides = array<i32>} : memref<32x32xi32, #tpu.memory_space<vmem>>, vector<16xi32>,
    %gather3A_263 = tpu.vector_load_idx %arg11[%get3A_262] : memref<10000xi32, #tpu.memory_space<vmem>>[vector<16xi32>], vector<16xi32>,
    %swap3A_264 = arith.constant 13 : i32
    %swap3A_265 = arith.index_cast %swap3A_264 : i32 to index
    %swap3A_266 = arith.constant 0 : index
    %swap3A_267 = tpu.vector_load %arg15[%swap3A_265, %swap3A_266] {strides = array<i32>} : memref<32x32xi32, #tpu.memory_space<vmem>>, vector<16xi32>,
    tpu.vector_store %arg15[%swap3A_265, %swap3A_266], %gather3A_263 {strides = array<i32>} : memref<32x32xi32, #tpu.memory_space<vmem>>, vector<16xi32>,
    %get3A_268 = arith.constant 13 : i32
    %get3A_269 = arith.index_cast %get3A_268 : i32 to index
    %get3A_270 = arith.constant 16 : index
    %get3A_271 = tpu.vector_load %arg13[%get3A_269, %get3A_270] {strides = array<i32>} : memref<32x32xi32, #tpu.memory_space<vmem>>, vector<16xi32>,
    %gather3A_272 = tpu.vector_load_idx %arg11[%get3A_271] : memref<10000xi32, #tpu.memory_space<vmem>>[vector<16xi32>], vector<16xi32>,
    %swap3A_273 = arith.constant 13 : i32
    %swap3A_274 = arith.index_cast %swap3A_273 : i32 to index
    %swap3A_275 = arith.constant 16 : index
    %swap3A_276 = tpu.vector_load %arg15[%swap3A_274, %swap3A_275] {strides = array<i32>} : memref<32x32xi32, #tpu.memory_space<vmem>>, vector<16xi32>,
    tpu.vector_store %arg15[%swap3A_274, %swap3A_275], %gather3A_272 {strides = array<i32>} : memref<32x32xi32, #tpu.memory_space<vmem>>, vector<16xi32>,
    %get3A_277 = arith.constant 14 : i32
    %get3A_278 = arith.index_cast %get3A_277 : i32 to index
    %get3A_279 = arith.constant 0 : index
    %get3A_280 = tpu.vector_load %arg13[%get3A_278, %get3A_279] {strides = array<i32>} : memref<32x32xi32, #tpu.memory_space<vmem>>, vector<16xi32>,
    %gather3A_281 = tpu.vector_load_idx %arg11[%get3A_280] : memref<10000xi32, #tpu.memory_space<vmem>>[vector<16xi32>], vector<16xi32>,
    %swap3A_282 = arith.constant 14 : i32
    %swap3A_283 = arith.index_cast %swap3A_282 : i32 to index
    %swap3A_284 = arith.constant 0 : index
    %swap3A_285 = tpu.vector_load %arg15[%swap3A_283, %swap3A_284] {strides = array<i32>} : memref<32x32xi32, #tpu.memory_space<vmem>>, vector<16xi32>,
    tpu.vector_store %arg15[%swap3A_283, %swap3A_284], %gather3A_281 {strides = array<i32>} : memref<32x32xi32, #tpu.memory_space<vmem>>, vector<16xi32>,
    %get3A_286 = arith.constant 14 : i32
    %get3A_287 = arith.index_cast %get3A_286 : i32 to index
    %get3A_288 = arith.constant 16 : index
    %get3A_289 = tpu.vector_load %arg13[%get3A_287, %get3A_288] {strides = array<i32>} : memref<32x32xi32, #tpu.memory_space<vmem>>, vector<16xi32>,
    %gather3A_290 = tpu.vector_load_idx %arg11[%get3A_289] : memref<10000xi32, #tpu.memory_space<vmem>>[vector<16xi32>], vector<16xi32>,
    %swap3A_291 = arith.constant 14 : i32
    %swap3A_292 = arith.index_cast %swap3A_291 : i32 to index
    %swap3A_293 = arith.constant 16 : index
    %swap3A_294 = tpu.vector_load %arg15[%swap3A_292, %swap3A_293] {strides = array<i32>} : memref<32x32xi32, #tpu.memory_space<vmem>>, vector<16xi32>,
    tpu.vector_store %arg15[%swap3A_292, %swap3A_293], %gather3A_290 {strides = array<i32>} : memref<32x32xi32, #tpu.memory_space<vmem>>, vector<16xi32>,
    %get3A_295 = arith.constant 15 : i32
    %get3A_296 = arith.index_cast %get3A_295 : i32 to index
    %get3A_297 = arith.constant 0 : index
    %get3A_298 = tpu.vector_load %arg13[%get3A_296, %get3A_297] {strides = array<i32>} : memref<32x32xi32, #tpu.memory_space<vmem>>, vector<16xi32>,
    %gather3A_299 = tpu.vector_load_idx %arg11[%get3A_298] : memref<10000xi32, #tpu.memory_space<vmem>>[vector<16xi32>], vector<16xi32>,
    %swap3A_300 = arith.constant 15 : i32
    %swap3A_301 = arith.index_cast %swap3A_300 : i32 to index
    %swap3A_302 = arith.constant 0 : index
    %swap3A_303 = tpu.vector_load %arg15[%swap3A_301, %swap3A_302] {strides = array<i32>} : memref<32x32xi32, #tpu.memory_space<vmem>>, vector<16xi32>,
    tpu.vector_store %arg15[%swap3A_301, %swap3A_302], %gather3A_299 {strides = array<i32>} : memref<32x32xi32, #tpu.memory_space<vmem>>, vector<16xi32>,
    %get3A_304 = arith.constant 15 : i32
    %get3A_305 = arith.index_cast %get3A_304 : i32 to index
    %get3A_306 = arith.constant 16 : index
    %get3A_307 = tpu.vector_load %arg13[%get3A_305, %get3A_306] {strides = array<i32>} : memref<32x32xi32, #tpu.memory_space<vmem>>, vector<16xi32>,
    %gather3A_308 = tpu.vector_load_idx %arg11[%get3A_307] : memref<10000xi32, #tpu.memory_space<vmem>>[vector<16xi32>], vector<16xi32>,
    %swap3A_309 = arith.constant 15 : i32
    %swap3A_310 = arith.index_cast %swap3A_309 : i32 to index
    %swap3A_311 = arith.constant 16 : index
    %swap3A_312 = tpu.vector_load %arg15[%swap3A_310, %swap3A_311] {strides = array<i32>} : memref<32x32xi32, #tpu.memory_space<vmem>>, vector<16xi32>,
    tpu.vector_store %arg15[%swap3A_310, %swap3A_311], %gather3A_308 {strides = array<i32>} : memref<32x32xi32, #tpu.memory_space<vmem>>, vector<16xi32>,
    %get3A_313 = arith.constant 16 : i32
    %get3A_314 = arith.index_cast %get3A_313 : i32 to index
    %get3A_315 = arith.constant 0 : index
    %get3A_316 = tpu.vector_load %arg13[%get3A_314, %get3A_315] {strides = array<i32>} : memref<32x32xi32, #tpu.memory_space<vmem>>, vector<16xi32>,
    %gather3A_317 = tpu.vector_load_idx %arg11[%get3A_316] : memref<10000xi32, #tpu.memory_space<vmem>>[vector<16xi32>], vector<16xi32>,
    %swap3A_318 = arith.constant 16 : i32
    %swap3A_319 = arith.index_cast %swap3A_318 : i32 to index
    %swap3A_320 = arith.constant 0 : index
    %swap3A_321 = tpu.vector_load %arg15[%swap3A_319, %swap3A_320] {strides = array<i32>} : memref<32x32xi32, #tpu.memory_space<vmem>>, vector<16xi32>,
    tpu.vector_store %arg15[%swap3A_319, %swap3A_320], %gather3A_317 {strides = array<i32>} : memref<32x32xi32, #tpu.memory_space<vmem>>, vector<16xi32>,
    %get3A_322 = arith.constant 16 : i32
    %get3A_323 = arith.index_cast %get3A_322 : i32 to index
    %get3A_324 = arith.constant 16 : index
    %get3A_325 = tpu.vector_load %arg13[%get3A_323, %get3A_324] {strides = array<i32>} : memref<32x32xi32, #tpu.memory_space<vmem>>, vector<16xi32>,
    %gather3A_326 = tpu.vector_load_idx %arg11[%get3A_325] : memref<10000xi32, #tpu.memory_space<vmem>>[vector<16xi32>], vector<16xi32>,
    %swap3A_327 = arith.constant 16 : i32
    %swap3A_328 = arith.index_cast %swap3A_327 : i32 to index
    %swap3A_329 = arith.constant 16 : index
    %swap3A_330 = tpu.vector_load %arg15[%swap3A_328, %swap3A_329] {strides = array<i32>} : memref<32x32xi32, #tpu.memory_space<vmem>>, vector<16xi32>,
    tpu.vector_store %arg15[%swap3A_328, %swap3A_329], %gather3A_326 {strides = array<i32>} : memref<32x32xi32, #tpu.memory_space<vmem>>, vector<16xi32>,
    %get3A_331 = arith.constant 17 : i32
    %get3A_332 = arith.index_cast %get3A_331 : i32 to index
    %get3A_333 = arith.constant 0 : index
    %get3A_334 = tpu.vector_load %arg13[%get3A_332, %get3A_333] {strides = array<i32>} : memref<32x32xi32, #tpu.memory_space<vmem>>, vector<16xi32>,
    %gather3A_335 = tpu.vector_load_idx %arg11[%get3A_334] : memref<10000xi32, #tpu.memory_space<vmem>>[vector<16xi32>], vector<16xi32>,
    %swap3A_336 = arith.constant 17 : i32
    %swap3A_337 = arith.index_cast %swap3A_336 : i32 to index
    %swap3A_338 = arith.constant 0 : index
    %swap3A_339 = tpu.vector_load %arg15[%swap3A_337, %swap3A_338] {strides = array<i32>} : memref<32x32xi32, #tpu.memory_space<vmem>>, vector<16xi32>,
    tpu.vector_store %arg15[%swap3A_337, %swap3A_338], %gather3A_335 {strides = array<i32>} : memref<32x32xi32, #tpu.memory_space<vmem>>, vector<16xi32>,
    %get3A_340 = arith.constant 17 : i32
    %get3A_341 = arith.index_cast %get3A_340 : i32 to index
    %get3A_342 = arith.constant 16 : index
    %get3A_343 = tpu.vector_load %arg13[%get3A_341, %get3A_342] {strides = array<i32>} : memref<32x32xi32, #tpu.memory_space<vmem>>, vector<16xi32>,
    %gather3A_344 = tpu.vector_load_idx %arg11[%get3A_343] : memref<10000xi32, #tpu.memory_space<vmem>>[vector<16xi32>], vector<16xi32>,
    %swap3A_345 = arith.constant 17 : i32
    %swap3A_346 = arith.index_cast %swap3A_345 : i32 to index
    %swap3A_347 = arith.constant 16 : index
    %swap3A_348 = tpu.vector_load %arg15[%swap3A_346, %swap3A_347] {strides = array<i32>} : memref<32x32xi32, #tpu.memory_space<vmem>>, vector<16xi32>,
    tpu.vector_store %arg15[%swap3A_346, %swap3A_347], %gather3A_344 {strides = array<i32>} : memref<32x32xi32, #tpu.memory_space<vmem>>, vector<16xi32>,
    %get3A_349 = arith.constant 18 : i32
    %get3A_350 = arith.index_cast %get3A_349 : i32 to index
    %get3A_351 = arith.constant 0 : index
    %get3A_352 = tpu.vector_load %arg13[%get3A_350, %get3A_351] {strides = array<i32>} : memref<32x32xi32, #tpu.memory_space<vmem>>, vector<16xi32>,
    %gather3A_353 = tpu.vector_load_idx %arg11[%get3A_352] : memref<10000xi32, #tpu.memory_space<vmem>>[vector<16xi32>], vector<16xi32>,
    %swap3A_354 = arith.constant 18 : i32
    %swap3A_355 = arith.index_cast %swap3A_354 : i32 to index
    %swap3A_356 = arith.constant 0 : index
    %swap3A_357 = tpu.vector_load %arg15[%swap3A_355, %swap3A_356] {strides = array<i32>} : memref<32x32xi32, #tpu.memory_space<vmem>>, vector<16xi32>,
    tpu.vector_store %arg15[%swap3A_355, %swap3A_356], %gather3A_353 {strides = array<i32>} : memref<32x32xi32, #tpu.memory_space<vmem>>, vector<16xi32>,
    %get3A_358 = arith.constant 18 : i32
    %get3A_359 = arith.index_cast %get3A_358 : i32 to index
    %get3A_360 = arith.constant 16 : index
    %get3A_361 = tpu.vector_load %arg13[%get3A_359, %get3A_360] {strides = array<i32>} : memref<32x32xi32, #tpu.memory_space<vmem>>, vector<16xi32>,
    %gather3A_362 = tpu.vector_load_idx %arg11[%get3A_361] : memref<10000xi32, #tpu.memory_space<vmem>>[vector<16xi32>], vector<16xi32>,
    %swap3A_363 = arith.constant 18 : i32
    %swap3A_364 = arith.index_cast %swap3A_363 : i32 to index
    %swap3A_365 = arith.constant 16 : index
    %swap3A_366 = tpu.vector_load %arg15[%swap3A_364, %swap3A_365] {strides = array<i32>} : memref<32x32xi32, #tpu.memory_space<vmem>>, vector<16xi32>,
    tpu.vector_store %arg15[%swap3A_364, %swap3A_365], %gather3A_362 {strides = array<i32>} : memref<32x32xi32, #tpu.memory_space<vmem>>, vector<16xi32>,
    %get3A_367 = arith.constant 19 : i32
    %get3A_368 = arith.index_cast %get3A_367 : i32 to index
    %get3A_369 = arith.constant 0 : index
    %get3A_370 = tpu.vector_load %arg13[%get3A_368, %get3A_369] {strides = array<i32>} : memref<32x32xi32, #tpu.memory_space<vmem>>, vector<16xi32>,
    %gather3A_371 = tpu.vector_load_idx %arg11[%get3A_370] : memref<10000xi32, #tpu.memory_space<vmem>>[vector<16xi32>], vector<16xi32>,
    %swap3A_372 = arith.constant 19 : i32
    %swap3A_373 = arith.index_cast %swap3A_372 : i32 to index
    %swap3A_374 = arith.constant 0 : index
    %swap3A_375 = tpu.vector_load %arg15[%swap3A_373, %swap3A_374] {strides = array<i32>} : memref<32x32xi32, #tpu.memory_space<vmem>>, vector<16xi32>,
    tpu.vector_store %arg15[%swap3A_373, %swap3A_374], %gather3A_371 {strides = array<i32>} : memref<32x32xi32, #tpu.memory_space<vmem>>, vector<16xi32>,
    %get3A_376 = arith.constant 19 : i32
    %get3A_377 = arith.index_cast %get3A_376 : i32 to index
    %get3A_378 = arith.constant 16 : index
    %get3A_379 = tpu.vector_load %arg13[%get3A_377, %get3A_378] {strides = array<i32>} : memref<32x32xi32, #tpu.memory_space<vmem>>, vector<16xi32>,
    %gather3A_380 = tpu.vector_load_idx %arg11[%get3A_379] : memref<10000xi32, #tpu.memory_space<vmem>>[vector<16xi32>], vector<16xi32>,
    %swap3A_381 = arith.constant 19 : i32
    %swap3A_382 = arith.index_cast %swap3A_381 : i32 to index
    %swap3A_383 = arith.constant 16 : index
    %swap3A_384 = tpu.vector_load %arg15[%swap3A_382, %swap3A_383] {strides = array<i32>} : memref<32x32xi32, #tpu.memory_space<vmem>>, vector<16xi32>,
    tpu.vector_store %arg15[%swap3A_382, %swap3A_383], %gather3A_380 {strides = array<i32>} : memref<32x32xi32, #tpu.memory_space<vmem>>, vector<16xi32>,
    %get3A_385 = arith.constant 20 : i32
    %get3A_386 = arith.index_cast %get3A_385 : i32 to index
    %get3A_387 = arith.constant 0 : index
    %get3A_388 = tpu.vector_load %arg13[%get3A_386, %get3A_387] {strides = array<i32>} : memref<32x32xi32, #tpu.memory_space<vmem>>, vector<16xi32>,
    %gather3A_389 = tpu.vector_load_idx %arg11[%get3A_388] : memref<10000xi32, #tpu.memory_space<vmem>>[vector<16xi32>], vector<16xi32>,
    %swap3A_390 = arith.constant 20 : i32
    %swap3A_391 = arith.index_cast %swap3A_390 : i32 to index
    %swap3A_392 = arith.constant 0 : index
    %swap3A_393 = tpu.vector_load %arg15[%swap3A_391, %swap3A_392] {strides = array<i32>} : memref<32x32xi32, #tpu.memory_space<vmem>>, vector<16xi32>,
    tpu.vector_store %arg15[%swap3A_391, %swap3A_392], %gather3A_389 {strides = array<i32>} : memref<32x32xi32, #tpu.memory_space<vmem>>, vector<16xi32>,
    %get3A_394 = arith.constant 20 : i32
    %get3A_395 = arith.index_cast %get3A_394 : i32 to index
    %get3A_396 = arith.constant 16 : index
    %get3A_397 = tpu.vector_load %arg13[%get3A_395, %get3A_396] {strides = array<i32>} : memref<32x32xi32, #tpu.memory_space<vmem>>, vector<16xi32>,
    %gather3A_398 = tpu.vector_load_idx %arg11[%get3A_397] : memref<10000xi32, #tpu.memory_space<vmem>>[vector<16xi32>], vector<16xi32>,
    %swap3A_399 = arith.constant 20 : i32
    %swap3A_400 = arith.index_cast %swap3A_399 : i32 to index
    %swap3A_401 = arith.constant 16 : index
    %swap3A_402 = tpu.vector_load %arg15[%swap3A_400, %swap3A_401] {strides = array<i32>} : memref<32x32xi32, #tpu.memory_space<vmem>>, vector<16xi32>,
    tpu.vector_store %arg15[%swap3A_400, %swap3A_401], %gather3A_398 {strides = array<i32>} : memref<32x32xi32, #tpu.memory_space<vmem>>, vector<16xi32>,
    %get3A_403 = arith.constant 21 : i32
    %get3A_404 = arith.index_cast %get3A_403 : i32 to index
    %get3A_405 = arith.constant 0 : index
    %get3A_406 = tpu.vector_load %arg13[%get3A_404, %get3A_405] {strides = array<i32>} : memref<32x32xi32, #tpu.memory_space<vmem>>, vector<16xi32>,
    %gather3A_407 = tpu.vector_load_idx %arg11[%get3A_406] : memref<10000xi32, #tpu.memory_space<vmem>>[vector<16xi32>], vector<16xi32>,
    %swap3A_408 = arith.constant 21 : i32
    %swap3A_409 = arith.index_cast %swap3A_408 : i32 to index
    %swap3A_410 = arith.constant 0 : index
    %swap3A_411 = tpu.vector_load %arg15[%swap3A_409, %swap3A_410] {strides = array<i32>} : memref<32x32xi32, #tpu.memory_space<vmem>>, vector<16xi32>,
    tpu.vector_store %arg15[%swap3A_409, %swap3A_410], %gather3A_407 {strides = array<i32>} : memref<32x32xi32, #tpu.memory_space<vmem>>, vector<16xi32>,
    %get3A_412 = arith.constant 21 : i32
    %get3A_413 = arith.index_cast %get3A_412 : i32 to index
    %get3A_414 = arith.constant 16 : index
    %get3A_415 = tpu.vector_load %arg13[%get3A_413, %get3A_414] {strides = array<i32>} : memref<32x32xi32, #tpu.memory_space<vmem>>, vector<16xi32>,
    %gather3A_416 = tpu.vector_load_idx %arg11[%get3A_415] : memref<10000xi32, #tpu.memory_space<vmem>>[vector<16xi32>], vector<16xi32>,
    %swap3A_417 = arith.constant 21 : i32
    %swap3A_418 = arith.index_cast %swap3A_417 : i32 to index
    %swap3A_419 = arith.constant 16 : index
    %swap3A_420 = tpu.vector_load %arg15[%swap3A_418, %swap3A_419] {strides = array<i32>} : memref<32x32xi32, #tpu.memory_space<vmem>>, vector<16xi32>,
    tpu.vector_store %arg15[%swap3A_418, %swap3A_419], %gather3A_416 {strides = array<i32>} : memref<32x32xi32, #tpu.memory_space<vmem>>, vector<16xi32>,
    %get3A_421 = arith.constant 22 : i32
    %get3A_422 = arith.index_cast %get3A_421 : i32 to index
    %get3A_423 = arith.constant 0 : index
    %get3A_424 = tpu.vector_load %arg13[%get3A_422, %get3A_423] {strides = array<i32>} : memref<32x32xi32, #tpu.memory_space<vmem>>, vector<16xi32>,
    %gather3A_425 = tpu.vector_load_idx %arg11[%get3A_424] : memref<10000xi32, #tpu.memory_space<vmem>>[vector<16xi32>], vector<16xi32>,
    %swap3A_426 = arith.constant 22 : i32
    %swap3A_427 = arith.index_cast %swap3A_426 : i32 to index
    %swap3A_428 = arith.constant 0 : index
    %swap3A_429 = tpu.vector_load %arg15[%swap3A_427, %swap3A_428] {strides = array<i32>} : memref<32x32xi32, #tpu.memory_space<vmem>>, vector<16xi32>,
    tpu.vector_store %arg15[%swap3A_427, %swap3A_428], %gather3A_425 {strides = array<i32>} : memref<32x32xi32, #tpu.memory_space<vmem>>, vector<16xi32>,
    %get3A_430 = arith.constant 22 : i32
    %get3A_431 = arith.index_cast %get3A_430 : i32 to index
    %get3A_432 = arith.constant 16 : index
    %get3A_433 = tpu.vector_load %arg13[%get3A_431, %get3A_432] {strides = array<i32>} : memref<32x32xi32, #tpu.memory_space<vmem>>, vector<16xi32>,
    %gather3A_434 = tpu.vector_load_idx %arg11[%get3A_433] : memref<10000xi32, #tpu.memory_space<vmem>>[vector<16xi32>], vector<16xi32>,
    %swap3A_435 = arith.constant 22 : i32
    %swap3A_436 = arith.index_cast %swap3A_435 : i32 to index
    %swap3A_437 = arith.constant 16 : index
    %swap3A_438 = tpu.vector_load %arg15[%swap3A_436, %swap3A_437] {strides = array<i32>} : memref<32x32xi32, #tpu.memory_space<vmem>>, vector<16xi32>,
    tpu.vector_store %arg15[%swap3A_436, %swap3A_437], %gather3A_434 {strides = array<i32>} : memref<32x32xi32, #tpu.memory_space<vmem>>, vector<16xi32>,
    %get3A_439 = arith.constant 23 : i32
    %get3A_440 = arith.index_cast %get3A_439 : i32 to index
    %get3A_441 = arith.constant 0 : index
    %get3A_442 = tpu.vector_load %arg13[%get3A_440, %get3A_441] {strides = array<i32>} : memref<32x32xi32, #tpu.memory_space<vmem>>, vector<16xi32>,
    %gather3A_443 = tpu.vector_load_idx %arg11[%get3A_442] : memref<10000xi32, #tpu.memory_space<vmem>>[vector<16xi32>], vector<16xi32>,
    %swap3A_444 = arith.constant 23 : i32
    %swap3A_445 = arith.index_cast %swap3A_444 : i32 to index
    %swap3A_446 = arith.constant 0 : index
    %swap3A_447 = tpu.vector_load %arg15[%swap3A_445, %swap3A_446] {strides = array<i32>} : memref<32x32xi32, #tpu.memory_space<vmem>>, vector<16xi32>,
    tpu.vector_store %arg15[%swap3A_445, %swap3A_446], %gather3A_443 {strides = array<i32>} : memref<32x32xi32, #tpu.memory_space<vmem>>, vector<16xi32>,
    %get3A_448 = arith.constant 23 : i32
    %get3A_449 = arith.index_cast %get3A_448 : i32 to index
    %get3A_450 = arith.constant 16 : index
    %get3A_451 = tpu.vector_load %arg13[%get3A_449, %get3A_450] {strides = array<i32>} : memref<32x32xi32, #tpu.memory_space<vmem>>, vector<16xi32>,
    %gather3A_452 = tpu.vector_load_idx %arg11[%get3A_451] : memref<10000xi32, #tpu.memory_space<vmem>>[vector<16xi32>], vector<16xi32>,
    %swap3A_453 = arith.constant 23 : i32
    %swap3A_454 = arith.index_cast %swap3A_453 : i32 to index
    %swap3A_455 = arith.constant 16 : index
    %swap3A_456 = tpu.vector_load %arg15[%swap3A_454, %swap3A_455] {strides = array<i32>} : memref<32x32xi32, #tpu.memory_space<vmem>>, vector<16xi32>,
    tpu.vector_store %arg15[%swap3A_454, %swap3A_455], %gather3A_452 {strides = array<i32>} : memref<32x32xi32, #tpu.memory_space<vmem>>, vector<16xi32>,
    %get3A_457 = arith.constant 24 : i32
    %get3A_458 = arith.index_cast %get3A_457 : i32 to index
    %get3A_459 = arith.constant 0 : index
    %get3A_460 = tpu.vector_load %arg13[%get3A_458, %get3A_459] {strides = array<i32>} : memref<32x32xi32, #tpu.memory_space<vmem>>, vector<16xi32>,
    %gather3A_461 = tpu.vector_load_idx %arg11[%get3A_460] : memref<10000xi32, #tpu.memory_space<vmem>>[vector<16xi32>], vector<16xi32>,
    %swap3A_462 = arith.constant 24 : i32
    %swap3A_463 = arith.index_cast %swap3A_462 : i32 to index
    %swap3A_464 = arith.constant 0 : index
    %swap3A_465 = tpu.vector_load %arg15[%swap3A_463, %swap3A_464] {strides = array<i32>} : memref<32x32xi32, #tpu.memory_space<vmem>>, vector<16xi32>,
    tpu.vector_store %arg15[%swap3A_463, %swap3A_464], %gather3A_461 {strides = array<i32>} : memref<32x32xi32, #tpu.memory_space<vmem>>, vector<16xi32>,
    %get3A_466 = arith.constant 24 : i32
    %get3A_467 = arith.index_cast %get3A_466 : i32 to index
    %get3A_468 = arith.constant 16 : index
    %get3A_469 = tpu.vector_load %arg13[%get3A_467, %get3A_468] {strides = array<i32>} : memref<32x32xi32, #tpu.memory_space<vmem>>, vector<16xi32>,
    %gather3A_470 = tpu.vector_load_idx %arg11[%get3A_469] : memref<10000xi32, #tpu.memory_space<vmem>>[vector<16xi32>], vector<16xi32>,
    %swap3A_471 = arith.constant 24 : i32
    %swap3A_472 = arith.index_cast %swap3A_471 : i32 to index
    %swap3A_473 = arith.constant 16 : index
    %swap3A_474 = tpu.vector_load %arg15[%swap3A_472, %swap3A_473] {strides = array<i32>} : memref<32x32xi32, #tpu.memory_space<vmem>>, vector<16xi32>,
    tpu.vector_store %arg15[%swap3A_472, %swap3A_473], %gather3A_470 {strides = array<i32>} : memref<32x32xi32, #tpu.memory_space<vmem>>, vector<16xi32>,
    %get3A_475 = arith.constant 25 : i32
    %get3A_476 = arith.index_cast %get3A_475 : i32 to index
    %get3A_477 = arith.constant 0 : index
    %get3A_478 = tpu.vector_load %arg13[%get3A_476, %get3A_477] {strides = array<i32>} : memref<32x32xi32, #tpu.memory_space<vmem>>, vector<16xi32>,
    %gather3A_479 = tpu.vector_load_idx %arg11[%get3A_478] : memref<10000xi32, #tpu.memory_space<vmem>>[vector<16xi32>], vector<16xi32>,
    %swap3A_480 = arith.constant 25 : i32
    %swap3A_481 = arith.index_cast %swap3A_480 : i32 to index
    %swap3A_482 = arith.constant 0 : index
    %swap3A_483 = tpu.vector_load %arg15[%swap3A_481, %swap3A_482] {strides = array<i32>} : memref<32x32xi32, #tpu.memory_space<vmem>>, vector<16xi32>,
    tpu.vector_store %arg15[%swap3A_481, %swap3A_482], %gather3A_479 {strides = array<i32>} : memref<32x32xi32, #tpu.memory_space<vmem>>, vector<16xi32>,
    %get3A_484 = arith.constant 25 : i32
    %get3A_485 = arith.index_cast %get3A_484 : i32 to index
    %get3A_486 = arith.constant 16 : index
    %get3A_487 = tpu.vector_load %arg13[%get3A_485, %get3A_486] {strides = array<i32>} : memref<32x32xi32, #tpu.memory_space<vmem>>, vector<16xi32>,
    %gather3A_488 = tpu.vector_load_idx %arg11[%get3A_487] : memref<10000xi32, #tpu.memory_space<vmem>>[vector<16xi32>], vector<16xi32>,
    %swap3A_489 = arith.constant 25 : i32
    %swap3A_490 = arith.index_cast %swap3A_489 : i32 to index
    %swap3A_491 = arith.constant 16 : index
    %swap3A_492 = tpu.vector_load %arg15[%swap3A_490, %swap3A_491] {strides = array<i32>} : memref<32x32xi32, #tpu.memory_space<vmem>>, vector<16xi32>,
    tpu.vector_store %arg15[%swap3A_490, %swap3A_491], %gather3A_488 {strides = array<i32>} : memref<32x32xi32, #tpu.memory_space<vmem>>, vector<16xi32>,
    %get3A_493 = arith.constant 26 : i32
    %get3A_494 = arith.index_cast %get3A_493 : i32 to index
    %get3A_495 = arith.constant 0 : index
    %get3A_496 = tpu.vector_load %arg13[%get3A_494, %get3A_495] {strides = array<i32>} : memref<32x32xi32, #tpu.memory_space<vmem>>, vector<16xi32>,
    %gather3A_497 = tpu.vector_load_idx %arg11[%get3A_496] : memref<10000xi32, #tpu.memory_space<vmem>>[vector<16xi32>], vector<16xi32>,
    %swap3A_498 = arith.constant 26 : i32
    %swap3A_499 = arith.index_cast %swap3A_498 : i32 to index
    %swap3A_500 = arith.constant 0 : index
    %swap3A_501 = tpu.vector_load %arg15[%swap3A_499, %swap3A_500] {strides = array<i32>} : memref<32x32xi32, #tpu.memory_space<vmem>>, vector<16xi32>,
    tpu.vector_store %arg15[%swap3A_499, %swap3A_500], %gather3A_497 {strides = array<i32>} : memref<32x32xi32, #tpu.memory_space<vmem>>, vector<16xi32>,
    %get3A_502 = arith.constant 26 : i32
    %get3A_503 = arith.index_cast %get3A_502 : i32 to index
    %get3A_504 = arith.constant 16 : index
    %get3A_505 = tpu.vector_load %arg13[%get3A_503, %get3A_504] {strides = array<i32>} : memref<32x32xi32, #tpu.memory_space<vmem>>, vector<16xi32>,
    %gather3A_506 = tpu.vector_load_idx %arg11[%get3A_505] : memref<10000xi32, #tpu.memory_space<vmem>>[vector<16xi32>], vector<16xi32>,
    %swap3A_507 = arith.constant 26 : i32
    %swap3A_508 = arith.index_cast %swap3A_507 : i32 to index
    %swap3A_509 = arith.constant 16 : index
    %swap3A_510 = tpu.vector_load %arg15[%swap3A_508, %swap3A_509] {strides = array<i32>} : memref<32x32xi32, #tpu.memory_space<vmem>>, vector<16xi32>,
    tpu.vector_store %arg15[%swap3A_508, %swap3A_509], %gather3A_506 {strides = array<i32>} : memref<32x32xi32, #tpu.memory_space<vmem>>, vector<16xi32>,
    %get3A_511 = arith.constant 27 : i32
    %get3A_512 = arith.index_cast %get3A_511 : i32 to index
    %get3A_513 = arith.constant 0 : index
    %get3A_514 = tpu.vector_load %arg13[%get3A_512, %get3A_513] {strides = array<i32>} : memref<32x32xi32, #tpu.memory_space<vmem>>, vector<16xi32>,
    %gather3A_515 = tpu.vector_load_idx %arg11[%get3A_514] : memref<10000xi32, #tpu.memory_space<vmem>>[vector<16xi32>], vector<16xi32>,
    %swap3A_516 = arith.constant 27 : i32
    %swap3A_517 = arith.index_cast %swap3A_516 : i32 to index
    %swap3A_518 = arith.constant 0 : index
    %swap3A_519 = tpu.vector_load %arg15[%swap3A_517, %swap3A_518] {strides = array<i32>} : memref<32x32xi32, #tpu.memory_space<vmem>>, vector<16xi32>,
    tpu.vector_store %arg15[%swap3A_517, %swap3A_518], %gather3A_515 {strides = array<i32>} : memref<32x32xi32, #tpu.memory_space<vmem>>, vector<16xi32>,
    %get3A_520 = arith.constant 27 : i32
    %get3A_521 = arith.index_cast %get3A_520 : i32 to index
    %get3A_522 = arith.constant 16 : index
    %get3A_523 = tpu.vector_load %arg13[%get3A_521, %get3A_522] {strides = array<i32>} : memref<32x32xi32, #tpu.memory_space<vmem>>, vector<16xi32>,
    %gather3A_524 = tpu.vector_load_idx %arg11[%get3A_523] : memref<10000xi32, #tpu.memory_space<vmem>>[vector<16xi32>], vector<16xi32>,
    %swap3A_525 = arith.constant 27 : i32
    %swap3A_526 = arith.index_cast %swap3A_525 : i32 to index
    %swap3A_527 = arith.constant 16 : index
    %swap3A_528 = tpu.vector_load %arg15[%swap3A_526, %swap3A_527] {strides = array<i32>} : memref<32x32xi32, #tpu.memory_space<vmem>>, vector<16xi32>,
    tpu.vector_store %arg15[%swap3A_526, %swap3A_527], %gather3A_524 {strides = array<i32>} : memref<32x32xi32, #tpu.memory_space<vmem>>, vector<16xi32>,
    %get3A_529 = arith.constant 28 : i32
    %get3A_530 = arith.index_cast %get3A_529 : i32 to index
    %get3A_531 = arith.constant 0 : index
    %get3A_532 = tpu.vector_load %arg13[%get3A_530, %get3A_531] {strides = array<i32>} : memref<32x32xi32, #tpu.memory_space<vmem>>, vector<16xi32>,
    %gather3A_533 = tpu.vector_load_idx %arg11[%get3A_532] : memref<10000xi32, #tpu.memory_space<vmem>>[vector<16xi32>], vector<16xi32>,
    %swap3A_534 = arith.constant 28 : i32
    %swap3A_535 = arith.index_cast %swap3A_534 : i32 to index
    %swap3A_536 = arith.constant 0 : index
    %swap3A_537 = tpu.vector_load %arg15[%swap3A_535, %swap3A_536] {strides = array<i32>} : memref<32x32xi32, #tpu.memory_space<vmem>>, vector<16xi32>,
    tpu.vector_store %arg15[%swap3A_535, %swap3A_536], %gather3A_533 {strides = array<i32>} : memref<32x32xi32, #tpu.memory_space<vmem>>, vector<16xi32>,
    %get3A_538 = arith.constant 28 : i32
    %get3A_539 = arith.index_cast %get3A_538 : i32 to index
    %get3A_540 = arith.constant 16 : index
    %get3A_541 = tpu.vector_load %arg13[%get3A_539, %get3A_540] {strides = array<i32>} : memref<32x32xi32, #tpu.memory_space<vmem>>, vector<16xi32>,
    %gather3A_542 = tpu.vector_load_idx %arg11[%get3A_541] : memref<10000xi32, #tpu.memory_space<vmem>>[vector<16xi32>], vector<16xi32>,
    %swap3A_543 = arith.constant 28 : i32
    %swap3A_544 = arith.index_cast %swap3A_543 : i32 to index
    %swap3A_545 = arith.constant 16 : index
    %swap3A_546 = tpu.vector_load %arg15[%swap3A_544, %swap3A_545] {strides = array<i32>} : memref<32x32xi32, #tpu.memory_space<vmem>>, vector<16xi32>,
    tpu.vector_store %arg15[%swap3A_544, %swap3A_545], %gather3A_542 {strides = array<i32>} : memref<32x32xi32, #tpu.memory_space<vmem>>, vector<16xi32>,
    %get3A_547 = arith.constant 29 : i32
    %get3A_548 = arith.index_cast %get3A_547 : i32 to index
    %get3A_549 = arith.constant 0 : index
    %get3A_550 = tpu.vector_load %arg13[%get3A_548, %get3A_549] {strides = array<i32>} : memref<32x32xi32, #tpu.memory_space<vmem>>, vector<16xi32>,
    %gather3A_551 = tpu.vector_load_idx %arg11[%get3A_550] : memref<10000xi32, #tpu.memory_space<vmem>>[vector<16xi32>], vector<16xi32>,
    %swap3A_552 = arith.constant 29 : i32
    %swap3A_553 = arith.index_cast %swap3A_552 : i32 to index
    %swap3A_554 = arith.constant 0 : index
    %swap3A_555 = tpu.vector_load %arg15[%swap3A_553, %swap3A_554] {strides = array<i32>} : memref<32x32xi32, #tpu.memory_space<vmem>>, vector<16xi32>,
    tpu.vector_store %arg15[%swap3A_553, %swap3A_554], %gather3A_551 {strides = array<i32>} : memref<32x32xi32, #tpu.memory_space<vmem>>, vector<16xi32>,
    %get3A_556 = arith.constant 29 : i32
    %get3A_557 = arith.index_cast %get3A_556 : i32 to index
    %get3A_558 = arith.constant 16 : index
    %get3A_559 = tpu.vector_load %arg13[%get3A_557, %get3A_558] {strides = array<i32>} : memref<32x32xi32, #tpu.memory_space<vmem>>, vector<16xi32>,
    %gather3A_560 = tpu.vector_load_idx %arg11[%get3A_559] : memref<10000xi32, #tpu.memory_space<vmem>>[vector<16xi32>], vector<16xi32>,
    %swap3A_561 = arith.constant 29 : i32
    %swap3A_562 = arith.index_cast %swap3A_561 : i32 to index
    %swap3A_563 = arith.constant 16 : index
    %swap3A_564 = tpu.vector_load %arg15[%swap3A_562, %swap3A_563] {strides = array<i32>} : memref<32x32xi32, #tpu.memory_space<vmem>>, vector<16xi32>,
    tpu.vector_store %arg15[%swap3A_562, %swap3A_563], %gather3A_560 {strides = array<i32>} : memref<32x32xi32, #tpu.memory_space<vmem>>, vector<16xi32>,
    %get3A_565 = arith.constant 30 : i32
    %get3A_566 = arith.index_cast %get3A_565 : i32 to index
    %get3A_567 = arith.constant 0 : index
    %get3A_568 = tpu.vector_load %arg13[%get3A_566, %get3A_567] {strides = array<i32>} : memref<32x32xi32, #tpu.memory_space<vmem>>, vector<16xi32>,
    %gather3A_569 = tpu.vector_load_idx %arg11[%get3A_568] : memref<10000xi32, #tpu.memory_space<vmem>>[vector<16xi32>], vector<16xi32>,
    %swap3A_570 = arith.constant 30 : i32
    %swap3A_571 = arith.index_cast %swap3A_570 : i32 to index
    %swap3A_572 = arith.constant 0 : index
    %swap3A_573 = tpu.vector_load %arg15[%swap3A_571, %swap3A_572] {strides = array<i32>} : memref<32x32xi32, #tpu.memory_space<vmem>>, vector<16xi32>,
    tpu.vector_store %arg15[%swap3A_571, %swap3A_572], %gather3A_569 {strides = array<i32>} : memref<32x32xi32, #tpu.memory_space<vmem>>, vector<16xi32>,
    %get3A_574 = arith.constant 30 : i32
    %get3A_575 = arith.index_cast %get3A_574 : i32 to index
    %get3A_576 = arith.constant 16 : index
    %get3A_577 = tpu.vector_load %arg13[%get3A_575, %get3A_576] {strides = array<i32>} : memref<32x32xi32, #tpu.memory_space<vmem>>, vector<16xi32>,
    %gather3A_578 = tpu.vector_load_idx %arg11[%get3A_577] : memref<10000xi32, #tpu.memory_space<vmem>>[vector<16xi32>], vector<16xi32>,
    %swap3A_579 = arith.constant 30 : i32
    %swap3A_580 = arith.index_cast %swap3A_579 : i32 to index
    %swap3A_581 = arith.constant 16 : index
    %swap3A_582 = tpu.vector_load %arg15[%swap3A_580, %swap3A_581] {strides = array<i32>} : memref<32x32xi32, #tpu.memory_space<vmem>>, vector<16xi32>,
    tpu.vector_store %arg15[%swap3A_580, %swap3A_581], %gather3A_578 {strides = array<i32>} : memref<32x32xi32, #tpu.memory_space<vmem>>, vector<16xi32>,
    %get3A_583 = arith.constant 31 : i32
    %get3A_584 = arith.index_cast %get3A_583 : i32 to index
    %get3A_585 = arith.constant 0 : index
    %get3A_586 = tpu.vector_load %arg13[%get3A_584, %get3A_585] {strides = array<i32>} : memref<32x32xi32, #tpu.memory_space<vmem>>, vector<16xi32>,
    %gather3A_587 = tpu.vector_load_idx %arg11[%get3A_586] : memref<10000xi32, #tpu.memory_space<vmem>>[vector<16xi32>], vector<16xi32>,
    %swap3A_588 = arith.constant 31 : i32
    %swap3A_589 = arith.index_cast %swap3A_588 : i32 to index
    %swap3A_590 = arith.constant 0 : index
    %swap3A_591 = tpu.vector_load %arg15[%swap3A_589, %swap3A_590] {strides = array<i32>} : memref<32x32xi32, #tpu.memory_space<vmem>>, vector<16xi32>,
    tpu.vector_store %arg15[%swap3A_589, %swap3A_590], %gather3A_587 {strides = array<i32>} : memref<32x32xi32, #tpu.memory_space<vmem>>, vector<16xi32>,
    %get3A_592 = arith.constant 31 : i32
    %get3A_593 = arith.index_cast %get3A_592 : i32 to index
    %get3A_594 = arith.constant 16 : index
    %get3A_595 = tpu.vector_load %arg13[%get3A_593, %get3A_594] {strides = array<i32>} : memref<32x32xi32, #tpu.memory_space<vmem>>, vector<16xi32>,
    %gather3A_596 = tpu.vector_load_idx %arg11[%get3A_595] : memref<10000xi32, #tpu.memory_space<vmem>>[vector<16xi32>], vector<16xi32>,
    %swap3A_597 = arith.constant 31 : i32
    %swap3A_598 = arith.index_cast %swap3A_597 : i32 to index
    %swap3A_599 = arith.constant 16 : index
    %swap3A_600 = tpu.vector_load %arg15[%swap3A_598, %swap3A_599] {strides = array<i32>} : memref<32x32xi32, #tpu.memory_space<vmem>>, vector<16xi32>,
    tpu.vector_store %arg15[%swap3A_598, %swap3A_599], %gather3A_596 {strides = array<i32>} : memref<32x32xi32, #tpu.memory_space<vmem>>, vector<16xi32>,
    %get3A_601 = arith.constant 0 : i32
    %get3A_602 = arith.index_cast %get3A_601 : i32 to index
    %get3A_603 = arith.constant 0 : index
    %get3A_604 = tpu.vector_load %arg15[%get3A_602, %get3A_603] {strides = array<i32>} : memref<32x32xi32, #tpu.memory_space<vmem>>, vector<16xi32>,
    %gather3A_605 = tpu.vector_load_idx %arg12[%get3A_604] : memref<10000xf32, #tpu.memory_space<vmem>>[vector<16xi32>], vector<16xf32>,
    %add3A_606 = arith.constant 0 : i32
    %add3A_607 = vector.broadcast %add3A_606 : i32 to vector<16xi32>
    %add3A_608 = arith.addi %add3A_607, %iota3A : vector<16xi32>
    %add3A_609 = arith.constant 0 : i32
    %add3A_610 = vector.broadcast %add3A_609 : i32 to vector<16xi32>
    %add3A_611 = arith.addi %mul3A_27, %add3A_610 : vector<16xi32>
    tpu.vector_store_idx %arg14[%add3A_608, %add3A_611], %gather3A_605 : memref<32x32xf32, #tpu.memory_space<vmem>>[vector<16xi32>, vector<16xi32>], vector<16xf32>,
    %get3A_612 = arith.constant 0 : i32
    %get3A_613 = arith.index_cast %get3A_612 : i32 to index
    %get3A_614 = arith.constant 16 : index
    %get3A_615 = tpu.vector_load %arg15[%get3A_613, %get3A_614] {strides = array<i32>} : memref<32x32xi32, #tpu.memory_space<vmem>>, vector<16xi32>,
    %gather3A_616 = tpu.vector_load_idx %arg12[%get3A_615] : memref<10000xf32, #tpu.memory_space<vmem>>[vector<16xi32>], vector<16xf32>,
    %add3A_617 = arith.constant 16 : i32
    %add3A_618 = vector.broadcast %add3A_617 : i32 to vector<16xi32>
    %add3A_619 = arith.addi %add3A_618, %iota3A : vector<16xi32>
    %add3A_620 = arith.constant 0 : i32
    %add3A_621 = vector.broadcast %add3A_620 : i32 to vector<16xi32>
    %add3A_622 = arith.addi %mul3A_27, %add3A_621 : vector<16xi32>
    tpu.vector_store_idx %arg14[%add3A_619, %add3A_622], %gather3A_616 : memref<32x32xf32, #tpu.memory_space<vmem>>[vector<16xi32>, vector<16xi32>], vector<16xf32>,
    %get3A_623 = arith.constant 1 : i32
    %get3A_624 = arith.index_cast %get3A_623 : i32 to index
    %get3A_625 = arith.constant 0 : index
    %get3A_626 = tpu.vector_load %arg15[%get3A_624, %get3A_625] {strides = array<i32>} : memref<32x32xi32, #tpu.memory_space<vmem>>, vector<16xi32>,
    %gather3A_627 = tpu.vector_load_idx %arg12[%get3A_626] : memref<10000xf32, #tpu.memory_space<vmem>>[vector<16xi32>], vector<16xf32>,
    %add3A_628 = arith.constant 0 : i32
    %add3A_629 = vector.broadcast %add3A_628 : i32 to vector<16xi32>
    %add3A_630 = arith.addi %add3A_629, %iota3A : vector<16xi32>
    %add3A_631 = arith.constant 1 : i32
    %add3A_632 = vector.broadcast %add3A_631 : i32 to vector<16xi32>
    %add3A_633 = arith.addi %mul3A_27, %add3A_632 : vector<16xi32>
    tpu.vector_store_idx %arg14[%add3A_630, %add3A_633], %gather3A_627 : memref<32x32xf32, #tpu.memory_space<vmem>>[vector<16xi32>, vector<16xi32>], vector<16xf32>,
    %get3A_634 = arith.constant 1 : i32
    %get3A_635 = arith.index_cast %get3A_634 : i32 to index
    %get3A_636 = arith.constant 16 : index
    %get3A_637 = tpu.vector_load %arg15[%get3A_635, %get3A_636] {strides = array<i32>} : memref<32x32xi32, #tpu.memory_space<vmem>>, vector<16xi32>,
    %gather3A_638 = tpu.vector_load_idx %arg12[%get3A_637] : memref<10000xf32, #tpu.memory_space<vmem>>[vector<16xi32>], vector<16xf32>,
    %add3A_639 = arith.constant 16 : i32
    %add3A_640 = vector.broadcast %add3A_639 : i32 to vector<16xi32>
    %add3A_641 = arith.addi %add3A_640, %iota3A : vector<16xi32>
    %add3A_642 = arith.constant 1 : i32
    %add3A_643 = vector.broadcast %add3A_642 : i32 to vector<16xi32>
    %add3A_644 = arith.addi %mul3A_27, %add3A_643 : vector<16xi32>
    tpu.vector_store_idx %arg14[%add3A_641, %add3A_644], %gather3A_638 : memref<32x32xf32, #tpu.memory_space<vmem>>[vector<16xi32>, vector<16xi32>], vector<16xf32>,
    %get3A_645 = arith.constant 2 : i32
    %get3A_646 = arith.index_cast %get3A_645 : i32 to index
    %get3A_647 = arith.constant 0 : index
    %get3A_648 = tpu.vector_load %arg15[%get3A_646, %get3A_647] {strides = array<i32>} : memref<32x32xi32, #tpu.memory_space<vmem>>, vector<16xi32>,
    %gather3A_649 = tpu.vector_load_idx %arg12[%get3A_648] : memref<10000xf32, #tpu.memory_space<vmem>>[vector<16xi32>], vector<16xf32>,
    %add3A_650 = arith.constant 0 : i32
    %add3A_651 = vector.broadcast %add3A_650 : i32 to vector<16xi32>
    %add3A_652 = arith.addi %add3A_651, %iota3A : vector<16xi32>
    %add3A_653 = arith.constant 2 : i32
    %add3A_654 = vector.broadcast %add3A_653 : i32 to vector<16xi32>
    %add3A_655 = arith.addi %mul3A_27, %add3A_654 : vector<16xi32>
    tpu.vector_store_idx %arg14[%add3A_652, %add3A_655], %gather3A_649 : memref<32x32xf32, #tpu.memory_space<vmem>>[vector<16xi32>, vector<16xi32>], vector<16xf32>,
    %get3A_656 = arith.constant 2 : i32
    %get3A_657 = arith.index_cast %get3A_656 : i32 to index
    %get3A_658 = arith.constant 16 : index
    %get3A_659 = tpu.vector_load %arg15[%get3A_657, %get3A_658] {strides = array<i32>} : memref<32x32xi32, #tpu.memory_space<vmem>>, vector<16xi32>,
    %gather3A_660 = tpu.vector_load_idx %arg12[%get3A_659] : memref<10000xf32, #tpu.memory_space<vmem>>[vector<16xi32>], vector<16xf32>,
    %add3A_661 = arith.constant 16 : i32
    %add3A_662 = vector.broadcast %add3A_661 : i32 to vector<16xi32>
    %add3A_663 = arith.addi %add3A_662, %iota3A : vector<16xi32>
    %add3A_664 = arith.constant 2 : i32
    %add3A_665 = vector.broadcast %add3A_664 : i32 to vector<16xi32>
    %add3A_666 = arith.addi %mul3A_27, %add3A_665 : vector<16xi32>
    tpu.vector_store_idx %arg14[%add3A_663, %add3A_666], %gather3A_660 : memref<32x32xf32, #tpu.memory_space<vmem>>[vector<16xi32>, vector<16xi32>], vector<16xf32>,
    %get3A_667 = arith.constant 3 : i32
    %get3A_668 = arith.index_cast %get3A_667 : i32 to index
    %get3A_669 = arith.constant 0 : index
    %get3A_670 = tpu.vector_load %arg15[%get3A_668, %get3A_669] {strides = array<i32>} : memref<32x32xi32, #tpu.memory_space<vmem>>, vector<16xi32>,
    %gather3A_671 = tpu.vector_load_idx %arg12[%get3A_670] : memref<10000xf32, #tpu.memory_space<vmem>>[vector<16xi32>], vector<16xf32>,
    %add3A_672 = arith.constant 0 : i32
    %add3A_673 = vector.broadcast %add3A_672 : i32 to vector<16xi32>
    %add3A_674 = arith.addi %add3A_673, %iota3A : vector<16xi32>
    %add3A_675 = arith.constant 3 : i32
    %add3A_676 = vector.broadcast %add3A_675 : i32 to vector<16xi32>
    %add3A_677 = arith.addi %mul3A_27, %add3A_676 : vector<16xi32>
    tpu.vector_store_idx %arg14[%add3A_674, %add3A_677], %gather3A_671 : memref<32x32xf32, #tpu.memory_space<vmem>>[vector<16xi32>, vector<16xi32>], vector<16xf32>,
    %get3A_678 = arith.constant 3 : i32
    %get3A_679 = arith.index_cast %get3A_678 : i32 to index
    %get3A_680 = arith.constant 16 : index
    %get3A_681 = tpu.vector_load %arg15[%get3A_679, %get3A_680] {strides = array<i32>} : memref<32x32xi32, #tpu.memory_space<vmem>>, vector<16xi32>,
    %gather3A_682 = tpu.vector_load_idx %arg12[%get3A_681] : memref<10000xf32, #tpu.memory_space<vmem>>[vector<16xi32>], vector<16xf32>,
    %add3A_683 = arith.constant 16 : i32
    %add3A_684 = vector.broadcast %add3A_683 : i32 to vector<16xi32>
    %add3A_685 = arith.addi %add3A_684, %iota3A : vector<16xi32>
    %add3A_686 = arith.constant 3 : i32
    %add3A_687 = vector.broadcast %add3A_686 : i32 to vector<16xi32>
    %add3A_688 = arith.addi %mul3A_27, %add3A_687 : vector<16xi32>
    tpu.vector_store_idx %arg14[%add3A_685, %add3A_688], %gather3A_682 : memref<32x32xf32, #tpu.memory_space<vmem>>[vector<16xi32>, vector<16xi32>], vector<16xf32>,
    %get3A_689 = arith.constant 4 : i32
    %get3A_690 = arith.index_cast %get3A_689 : i32 to index
    %get3A_691 = arith.constant 0 : index
    %get3A_692 = tpu.vector_load %arg15[%get3A_690, %get3A_691] {strides = array<i32>} : memref<32x32xi32, #tpu.memory_space<vmem>>, vector<16xi32>,
    %gather3A_693 = tpu.vector_load_idx %arg12[%get3A_692] : memref<10000xf32, #tpu.memory_space<vmem>>[vector<16xi32>], vector<16xf32>,
    %add3A_694 = arith.constant 0 : i32
    %add3A_695 = vector.broadcast %add3A_694 : i32 to vector<16xi32>
    %add3A_696 = arith.addi %add3A_695, %iota3A : vector<16xi32>
    %add3A_697 = arith.constant 4 : i32
    %add3A_698 = vector.broadcast %add3A_697 : i32 to vector<16xi32>
    %add3A_699 = arith.addi %mul3A_27, %add3A_698 : vector<16xi32>
    tpu.vector_store_idx %arg14[%add3A_696, %add3A_699], %gather3A_693 : memref<32x32xf32, #tpu.memory_space<vmem>>[vector<16xi32>, vector<16xi32>], vector<16xf32>,
    %get3A_700 = arith.constant 4 : i32
    %get3A_701 = arith.index_cast %get3A_700 : i32 to index
    %get3A_702 = arith.constant 16 : index
    %get3A_703 = tpu.vector_load %arg15[%get3A_701, %get3A_702] {strides = array<i32>} : memref<32x32xi32, #tpu.memory_space<vmem>>, vector<16xi32>,
    %gather3A_704 = tpu.vector_load_idx %arg12[%get3A_703] : memref<10000xf32, #tpu.memory_space<vmem>>[vector<16xi32>], vector<16xf32>,
    %add3A_705 = arith.constant 16 : i32
    %add3A_706 = vector.broadcast %add3A_705 : i32 to vector<16xi32>
    %add3A_707 = arith.addi %add3A_706, %iota3A : vector<16xi32>
    %add3A_708 = arith.constant 4 : i32
    %add3A_709 = vector.broadcast %add3A_708 : i32 to vector<16xi32>
    %add3A_710 = arith.addi %mul3A_27, %add3A_709 : vector<16xi32>
    tpu.vector_store_idx %arg14[%add3A_707, %add3A_710], %gather3A_704 : memref<32x32xf32, #tpu.memory_space<vmem>>[vector<16xi32>, vector<16xi32>], vector<16xf32>,
    %get3A_711 = arith.constant 5 : i32
    %get3A_712 = arith.index_cast %get3A_711 : i32 to index
    %get3A_713 = arith.constant 0 : index
    %get3A_714 = tpu.vector_load %arg15[%get3A_712, %get3A_713] {strides = array<i32>} : memref<32x32xi32, #tpu.memory_space<vmem>>, vector<16xi32>,
    %gather3A_715 = tpu.vector_load_idx %arg12[%get3A_714] : memref<10000xf32, #tpu.memory_space<vmem>>[vector<16xi32>], vector<16xf32>,
    %add3A_716 = arith.constant 0 : i32
    %add3A_717 = vector.broadcast %add3A_716 : i32 to vector<16xi32>
    %add3A_718 = arith.addi %add3A_717, %iota3A : vector<16xi32>
    %add3A_719 = arith.constant 5 : i32
    %add3A_720 = vector.broadcast %add3A_719 : i32 to vector<16xi32>
    %add3A_721 = arith.addi %mul3A_27, %add3A_720 : vector<16xi32>
    tpu.vector_store_idx %arg14[%add3A_718, %add3A_721], %gather3A_715 : memref<32x32xf32, #tpu.memory_space<vmem>>[vector<16xi32>, vector<16xi32>], vector<16xf32>,
    %get3A_722 = arith.constant 5 : i32
    %get3A_723 = arith.index_cast %get3A_722 : i32 to index
    %get3A_724 = arith.constant 16 : index
    %get3A_725 = tpu.vector_load %arg15[%get3A_723, %get3A_724] {strides = array<i32>} : memref<32x32xi32, #tpu.memory_space<vmem>>, vector<16xi32>,
    %gather3A_726 = tpu.vector_load_idx %arg12[%get3A_725] : memref<10000xf32, #tpu.memory_space<vmem>>[vector<16xi32>], vector<16xf32>,
    %add3A_727 = arith.constant 16 : i32
    %add3A_728 = vector.broadcast %add3A_727 : i32 to vector<16xi32>
    %add3A_729 = arith.addi %add3A_728, %iota3A : vector<16xi32>
    %add3A_730 = arith.constant 5 : i32
    %add3A_731 = vector.broadcast %add3A_730 : i32 to vector<16xi32>
    %add3A_732 = arith.addi %mul3A_27, %add3A_731 : vector<16xi32>
    tpu.vector_store_idx %arg14[%add3A_729, %add3A_732], %gather3A_726 : memref<32x32xf32, #tpu.memory_space<vmem>>[vector<16xi32>, vector<16xi32>], vector<16xf32>,
    %get3A_733 = arith.constant 6 : i32
    %get3A_734 = arith.index_cast %get3A_733 : i32 to index
    %get3A_735 = arith.constant 0 : index
    %get3A_736 = tpu.vector_load %arg15[%get3A_734, %get3A_735] {strides = array<i32>} : memref<32x32xi32, #tpu.memory_space<vmem>>, vector<16xi32>,
    %gather3A_737 = tpu.vector_load_idx %arg12[%get3A_736] : memref<10000xf32, #tpu.memory_space<vmem>>[vector<16xi32>], vector<16xf32>,
    %add3A_738 = arith.constant 0 : i32
    %add3A_739 = vector.broadcast %add3A_738 : i32 to vector<16xi32>
    %add3A_740 = arith.addi %add3A_739, %iota3A : vector<16xi32>
    %add3A_741 = arith.constant 6 : i32
    %add3A_742 = vector.broadcast %add3A_741 : i32 to vector<16xi32>
    %add3A_743 = arith.addi %mul3A_27, %add3A_742 : vector<16xi32>
    tpu.vector_store_idx %arg14[%add3A_740, %add3A_743], %gather3A_737 : memref<32x32xf32, #tpu.memory_space<vmem>>[vector<16xi32>, vector<16xi32>], vector<16xf32>,
    %get3A_744 = arith.constant 6 : i32
    %get3A_745 = arith.index_cast %get3A_744 : i32 to index
    %get3A_746 = arith.constant 16 : index
    %get3A_747 = tpu.vector_load %arg15[%get3A_745, %get3A_746] {strides = array<i32>} : memref<32x32xi32, #tpu.memory_space<vmem>>, vector<16xi32>,
    %gather3A_748 = tpu.vector_load_idx %arg12[%get3A_747] : memref<10000xf32, #tpu.memory_space<vmem>>[vector<16xi32>], vector<16xf32>,
    %add3A_749 = arith.constant 16 : i32
    %add3A_750 = vector.broadcast %add3A_749 : i32 to vector<16xi32>
    %add3A_751 = arith.addi %add3A_750, %iota3A : vector<16xi32>
    %add3A_752 = arith.constant 6 : i32
    %add3A_753 = vector.broadcast %add3A_752 : i32 to vector<16xi32>
    %add3A_754 = arith.addi %mul3A_27, %add3A_753 : vector<16xi32>
    tpu.vector_store_idx %arg14[%add3A_751, %add3A_754], %gather3A_748 : memref<32x32xf32, #tpu.memory_space<vmem>>[vector<16xi32>, vector<16xi32>], vector<16xf32>,
    %get3A_755 = arith.constant 7 : i32
    %get3A_756 = arith.index_cast %get3A_755 : i32 to index
    %get3A_757 = arith.constant 0 : index
    %get3A_758 = tpu.vector_load %arg15[%get3A_756, %get3A_757] {strides = array<i32>} : memref<32x32xi32, #tpu.memory_space<vmem>>, vector<16xi32>,
    %gather3A_759 = tpu.vector_load_idx %arg12[%get3A_758] : memref<10000xf32, #tpu.memory_space<vmem>>[vector<16xi32>], vector<16xf32>,
    %add3A_760 = arith.constant 0 : i32
    %add3A_761 = vector.broadcast %add3A_760 : i32 to vector<16xi32>
    %add3A_762 = arith.addi %add3A_761, %iota3A : vector<16xi32>
    %add3A_763 = arith.constant 7 : i32
    %add3A_764 = vector.broadcast %add3A_763 : i32 to vector<16xi32>
    %add3A_765 = arith.addi %mul3A_27, %add3A_764 : vector<16xi32>
    tpu.vector_store_idx %arg14[%add3A_762, %add3A_765], %gather3A_759 : memref<32x32xf32, #tpu.memory_space<vmem>>[vector<16xi32>, vector<16xi32>], vector<16xf32>,
    %get3A_766 = arith.constant 7 : i32
    %get3A_767 = arith.index_cast %get3A_766 : i32 to index
    %get3A_768 = arith.constant 16 : index
    %get3A_769 = tpu.vector_load %arg15[%get3A_767, %get3A_768] {strides = array<i32>} : memref<32x32xi32, #tpu.memory_space<vmem>>, vector<16xi32>,
    %gather3A_770 = tpu.vector_load_idx %arg12[%get3A_769] : memref<10000xf32, #tpu.memory_space<vmem>>[vector<16xi32>], vector<16xf32>,
    %add3A_771 = arith.constant 16 : i32
    %add3A_772 = vector.broadcast %add3A_771 : i32 to vector<16xi32>
    %add3A_773 = arith.addi %add3A_772, %iota3A : vector<16xi32>
    %add3A_774 = arith.constant 7 : i32
    %add3A_775 = vector.broadcast %add3A_774 : i32 to vector<16xi32>
    %add3A_776 = arith.addi %mul3A_27, %add3A_775 : vector<16xi32>
    tpu.vector_store_idx %arg14[%add3A_773, %add3A_776], %gather3A_770 : memref<32x32xf32, #tpu.memory_space<vmem>>[vector<16xi32>, vector<16xi32>], vector<16xf32>,
    %get3A_777 = arith.constant 8 : i32
    %get3A_778 = arith.index_cast %get3A_777 : i32 to index
    %get3A_779 = arith.constant 0 : index
    %get3A_780 = tpu.vector_load %arg15[%get3A_778, %get3A_779] {strides = array<i32>} : memref<32x32xi32, #tpu.memory_space<vmem>>, vector<16xi32>,
    %gather3A_781 = tpu.vector_load_idx %arg12[%get3A_780] : memref<10000xf32, #tpu.memory_space<vmem>>[vector<16xi32>], vector<16xf32>,
    %add3A_782 = arith.constant 0 : i32
    %add3A_783 = vector.broadcast %add3A_782 : i32 to vector<16xi32>
    %add3A_784 = arith.addi %add3A_783, %iota3A : vector<16xi32>
    %add3A_785 = arith.constant 8 : i32
    %add3A_786 = vector.broadcast %add3A_785 : i32 to vector<16xi32>
    %add3A_787 = arith.addi %mul3A_27, %add3A_786 : vector<16xi32>
    tpu.vector_store_idx %arg14[%add3A_784, %add3A_787], %gather3A_781 : memref<32x32xf32, #tpu.memory_space<vmem>>[vector<16xi32>, vector<16xi32>], vector<16xf32>,
    %get3A_788 = arith.constant 8 : i32
    %get3A_789 = arith.index_cast %get3A_788 : i32 to index
    %get3A_790 = arith.constant 16 : index
    %get3A_791 = tpu.vector_load %arg15[%get3A_789, %get3A_790] {strides = array<i32>} : memref<32x32xi32, #tpu.memory_space<vmem>>, vector<16xi32>,
    %gather3A_792 = tpu.vector_load_idx %arg12[%get3A_791] : memref<10000xf32, #tpu.memory_space<vmem>>[vector<16xi32>], vector<16xf32>,
    %add3A_793 = arith.constant 16 : i32
    %add3A_794 = vector.broadcast %add3A_793 : i32 to vector<16xi32>
    %add3A_795 = arith.addi %add3A_794, %iota3A : vector<16xi32>
    %add3A_796 = arith.constant 8 : i32
    %add3A_797 = vector.broadcast %add3A_796 : i32 to vector<16xi32>
    %add3A_798 = arith.addi %mul3A_27, %add3A_797 : vector<16xi32>
    tpu.vector_store_idx %arg14[%add3A_795, %add3A_798], %gather3A_792 : memref<32x32xf32, #tpu.memory_space<vmem>>[vector<16xi32>, vector<16xi32>], vector<16xf32>,
    %get3A_799 = arith.constant 9 : i32
    %get3A_800 = arith.index_cast %get3A_799 : i32 to index
    %get3A_801 = arith.constant 0 : index
    %get3A_802 = tpu.vector_load %arg15[%get3A_800, %get3A_801] {strides = array<i32>} : memref<32x32xi32, #tpu.memory_space<vmem>>, vector<16xi32>,
    %gather3A_803 = tpu.vector_load_idx %arg12[%get3A_802] : memref<10000xf32, #tpu.memory_space<vmem>>[vector<16xi32>], vector<16xf32>,
    %add3A_804 = arith.constant 0 : i32
    %add3A_805 = vector.broadcast %add3A_804 : i32 to vector<16xi32>
    %add3A_806 = arith.addi %add3A_805, %iota3A : vector<16xi32>
    %add3A_807 = arith.constant 9 : i32
    %add3A_808 = vector.broadcast %add3A_807 : i32 to vector<16xi32>
    %add3A_809 = arith.addi %mul3A_27, %add3A_808 : vector<16xi32>
    tpu.vector_store_idx %arg14[%add3A_806, %add3A_809], %gather3A_803 : memref<32x32xf32, #tpu.memory_space<vmem>>[vector<16xi32>, vector<16xi32>], vector<16xf32>,
    %get3A_810 = arith.constant 9 : i32
    %get3A_811 = arith.index_cast %get3A_810 : i32 to index
    %get3A_812 = arith.constant 16 : index
    %get3A_813 = tpu.vector_load %arg15[%get3A_811, %get3A_812] {strides = array<i32>} : memref<32x32xi32, #tpu.memory_space<vmem>>, vector<16xi32>,
    %gather3A_814 = tpu.vector_load_idx %arg12[%get3A_813] : memref<10000xf32, #tpu.memory_space<vmem>>[vector<16xi32>], vector<16xf32>,
    %add3A_815 = arith.constant 16 : i32
    %add3A_816 = vector.broadcast %add3A_815 : i32 to vector<16xi32>
    %add3A_817 = arith.addi %add3A_816, %iota3A : vector<16xi32>
    %add3A_818 = arith.constant 9 : i32
    %add3A_819 = vector.broadcast %add3A_818 : i32 to vector<16xi32>
    %add3A_820 = arith.addi %mul3A_27, %add3A_819 : vector<16xi32>
    tpu.vector_store_idx %arg14[%add3A_817, %add3A_820], %gather3A_814 : memref<32x32xf32, #tpu.memory_space<vmem>>[vector<16xi32>, vector<16xi32>], vector<16xf32>,
    %get3A_821 = arith.constant 10 : i32
    %get3A_822 = arith.index_cast %get3A_821 : i32 to index
    %get3A_823 = arith.constant 0 : index
    %get3A_824 = tpu.vector_load %arg15[%get3A_822, %get3A_823] {strides = array<i32>} : memref<32x32xi32, #tpu.memory_space<vmem>>, vector<16xi32>,
    %gather3A_825 = tpu.vector_load_idx %arg12[%get3A_824] : memref<10000xf32, #tpu.memory_space<vmem>>[vector<16xi32>], vector<16xf32>,
    %add3A_826 = arith.constant 0 : i32
    %add3A_827 = vector.broadcast %add3A_826 : i32 to vector<16xi32>
    %add3A_828 = arith.addi %add3A_827, %iota3A : vector<16xi32>
    %add3A_829 = arith.constant 10 : i32
    %add3A_830 = vector.broadcast %add3A_829 : i32 to vector<16xi32>
    %add3A_831 = arith.addi %mul3A_27, %add3A_830 : vector<16xi32>
    tpu.vector_store_idx %arg14[%add3A_828, %add3A_831], %gather3A_825 : memref<32x32xf32, #tpu.memory_space<vmem>>[vector<16xi32>, vector<16xi32>], vector<16xf32>,
    %get3A_832 = arith.constant 10 : i32
    %get3A_833 = arith.index_cast %get3A_832 : i32 to index
    %get3A_834 = arith.constant 16 : index
    %get3A_835 = tpu.vector_load %arg15[%get3A_833, %get3A_834] {strides = array<i32>} : memref<32x32xi32, #tpu.memory_space<vmem>>, vector<16xi32>,
    %gather3A_836 = tpu.vector_load_idx %arg12[%get3A_835] : memref<10000xf32, #tpu.memory_space<vmem>>[vector<16xi32>], vector<16xf32>,
    %add3A_837 = arith.constant 16 : i32
    %add3A_838 = vector.broadcast %add3A_837 : i32 to vector<16xi32>
    %add3A_839 = arith.addi %add3A_838, %iota3A : vector<16xi32>
    %add3A_840 = arith.constant 10 : i32
    %add3A_841 = vector.broadcast %add3A_840 : i32 to vector<16xi32>
    %add3A_842 = arith.addi %mul3A_27, %add3A_841 : vector<16xi32>
    tpu.vector_store_idx %arg14[%add3A_839, %add3A_842], %gather3A_836 : memref<32x32xf32, #tpu.memory_space<vmem>>[vector<16xi32>, vector<16xi32>], vector<16xf32>,
    %get3A_843 = arith.constant 11 : i32
    %get3A_844 = arith.index_cast %get3A_843 : i32 to index
    %get3A_845 = arith.constant 0 : index
    %get3A_846 = tpu.vector_load %arg15[%get3A_844, %get3A_845] {strides = array<i32>} : memref<32x32xi32, #tpu.memory_space<vmem>>, vector<16xi32>,
    %gather3A_847 = tpu.vector_load_idx %arg12[%get3A_846] : memref<10000xf32, #tpu.memory_space<vmem>>[vector<16xi32>], vector<16xf32>,
    %add3A_848 = arith.constant 0 : i32
    %add3A_849 = vector.broadcast %add3A_848 : i32 to vector<16xi32>
    %add3A_850 = arith.addi %add3A_849, %iota3A : vector<16xi32>
    %add3A_851 = arith.constant 11 : i32
    %add3A_852 = vector.broadcast %add3A_851 : i32 to vector<16xi32>
    %add3A_853 = arith.addi %mul3A_27, %add3A_852 : vector<16xi32>
    tpu.vector_store_idx %arg14[%add3A_850, %add3A_853], %gather3A_847 : memref<32x32xf32, #tpu.memory_space<vmem>>[vector<16xi32>, vector<16xi32>], vector<16xf32>,
    %get3A_854 = arith.constant 11 : i32
    %get3A_855 = arith.index_cast %get3A_854 : i32 to index
    %get3A_856 = arith.constant 16 : index
    %get3A_857 = tpu.vector_load %arg15[%get3A_855, %get3A_856] {strides = array<i32>} : memref<32x32xi32, #tpu.memory_space<vmem>>, vector<16xi32>,
    %gather3A_858 = tpu.vector_load_idx %arg12[%get3A_857] : memref<10000xf32, #tpu.memory_space<vmem>>[vector<16xi32>], vector<16xf32>,
    %add3A_859 = arith.constant 16 : i32
    %add3A_860 = vector.broadcast %add3A_859 : i32 to vector<16xi32>
    %add3A_861 = arith.addi %add3A_860, %iota3A : vector<16xi32>
    %add3A_862 = arith.constant 11 : i32
    %add3A_863 = vector.broadcast %add3A_862 : i32 to vector<16xi32>
    %add3A_864 = arith.addi %mul3A_27, %add3A_863 : vector<16xi32>
    tpu.vector_store_idx %arg14[%add3A_861, %add3A_864], %gather3A_858 : memref<32x32xf32, #tpu.memory_space<vmem>>[vector<16xi32>, vector<16xi32>], vector<16xf32>,
    %get3A_865 = arith.constant 12 : i32
    %get3A_866 = arith.index_cast %get3A_865 : i32 to index
    %get3A_867 = arith.constant 0 : index
    %get3A_868 = tpu.vector_load %arg15[%get3A_866, %get3A_867] {strides = array<i32>} : memref<32x32xi32, #tpu.memory_space<vmem>>, vector<16xi32>,
    %gather3A_869 = tpu.vector_load_idx %arg12[%get3A_868] : memref<10000xf32, #tpu.memory_space<vmem>>[vector<16xi32>], vector<16xf32>,
    %add3A_870 = arith.constant 0 : i32
    %add3A_871 = vector.broadcast %add3A_870 : i32 to vector<16xi32>
    %add3A_872 = arith.addi %add3A_871, %iota3A : vector<16xi32>
    %add3A_873 = arith.constant 12 : i32
    %add3A_874 = vector.broadcast %add3A_873 : i32 to vector<16xi32>
    %add3A_875 = arith.addi %mul3A_27, %add3A_874 : vector<16xi32>
    tpu.vector_store_idx %arg14[%add3A_872, %add3A_875], %gather3A_869 : memref<32x32xf32, #tpu.memory_space<vmem>>[vector<16xi32>, vector<16xi32>], vector<16xf32>,
    %get3A_876 = arith.constant 12 : i32
    %get3A_877 = arith.index_cast %get3A_876 : i32 to index
    %get3A_878 = arith.constant 16 : index
    %get3A_879 = tpu.vector_load %arg15[%get3A_877, %get3A_878] {strides = array<i32>} : memref<32x32xi32, #tpu.memory_space<vmem>>, vector<16xi32>,
    %gather3A_880 = tpu.vector_load_idx %arg12[%get3A_879] : memref<10000xf32, #tpu.memory_space<vmem>>[vector<16xi32>], vector<16xf32>,
    %add3A_881 = arith.constant 16 : i32
    %add3A_882 = vector.broadcast %add3A_881 : i32 to vector<16xi32>
    %add3A_883 = arith.addi %add3A_882, %iota3A : vector<16xi32>
    %add3A_884 = arith.constant 12 : i32
    %add3A_885 = vector.broadcast %add3A_884 : i32 to vector<16xi32>
    %add3A_886 = arith.addi %mul3A_27, %add3A_885 : vector<16xi32>
    tpu.vector_store_idx %arg14[%add3A_883, %add3A_886], %gather3A_880 : memref<32x32xf32, #tpu.memory_space<vmem>>[vector<16xi32>, vector<16xi32>], vector<16xf32>,
    %get3A_887 = arith.constant 13 : i32
    %get3A_888 = arith.index_cast %get3A_887 : i32 to index
    %get3A_889 = arith.constant 0 : index
    %get3A_890 = tpu.vector_load %arg15[%get3A_888, %get3A_889] {strides = array<i32>} : memref<32x32xi32, #tpu.memory_space<vmem>>, vector<16xi32>,
    %gather3A_891 = tpu.vector_load_idx %arg12[%get3A_890] : memref<10000xf32, #tpu.memory_space<vmem>>[vector<16xi32>], vector<16xf32>,
    %add3A_892 = arith.constant 0 : i32
    %add3A_893 = vector.broadcast %add3A_892 : i32 to vector<16xi32>
    %add3A_894 = arith.addi %add3A_893, %iota3A : vector<16xi32>
    %add3A_895 = arith.constant 13 : i32
    %add3A_896 = vector.broadcast %add3A_895 : i32 to vector<16xi32>
    %add3A_897 = arith.addi %mul3A_27, %add3A_896 : vector<16xi32>
    tpu.vector_store_idx %arg14[%add3A_894, %add3A_897], %gather3A_891 : memref<32x32xf32, #tpu.memory_space<vmem>>[vector<16xi32>, vector<16xi32>], vector<16xf32>,
    %get3A_898 = arith.constant 13 : i32
    %get3A_899 = arith.index_cast %get3A_898 : i32 to index
    %get3A_900 = arith.constant 16 : index
    %get3A_901 = tpu.vector_load %arg15[%get3A_899, %get3A_900] {strides = array<i32>} : memref<32x32xi32, #tpu.memory_space<vmem>>, vector<16xi32>,
    %gather3A_902 = tpu.vector_load_idx %arg12[%get3A_901] : memref<10000xf32, #tpu.memory_space<vmem>>[vector<16xi32>], vector<16xf32>,
    %add3A_903 = arith.constant 16 : i32
    %add3A_904 = vector.broadcast %add3A_903 : i32 to vector<16xi32>
    %add3A_905 = arith.addi %add3A_904, %iota3A : vector<16xi32>
    %add3A_906 = arith.constant 13 : i32
    %add3A_907 = vector.broadcast %add3A_906 : i32 to vector<16xi32>
    %add3A_908 = arith.addi %mul3A_27, %add3A_907 : vector<16xi32>
    tpu.vector_store_idx %arg14[%add3A_905, %add3A_908], %gather3A_902 : memref<32x32xf32, #tpu.memory_space<vmem>>[vector<16xi32>, vector<16xi32>], vector<16xf32>,
    %get3A_909 = arith.constant 14 : i32
    %get3A_910 = arith.index_cast %get3A_909 : i32 to index
    %get3A_911 = arith.constant 0 : index
    %get3A_912 = tpu.vector_load %arg15[%get3A_910, %get3A_911] {strides = array<i32>} : memref<32x32xi32, #tpu.memory_space<vmem>>, vector<16xi32>,
    %gather3A_913 = tpu.vector_load_idx %arg12[%get3A_912] : memref<10000xf32, #tpu.memory_space<vmem>>[vector<16xi32>], vector<16xf32>,
    %add3A_914 = arith.constant 0 : i32
    %add3A_915 = vector.broadcast %add3A_914 : i32 to vector<16xi32>
    %add3A_916 = arith.addi %add3A_915, %iota3A : vector<16xi32>
    %add3A_917 = arith.constant 14 : i32
    %add3A_918 = vector.broadcast %add3A_917 : i32 to vector<16xi32>
    %add3A_919 = arith.addi %mul3A_27, %add3A_918 : vector<16xi32>
    tpu.vector_store_idx %arg14[%add3A_916, %add3A_919], %gather3A_913 : memref<32x32xf32, #tpu.memory_space<vmem>>[vector<16xi32>, vector<16xi32>], vector<16xf32>,
    %get3A_920 = arith.constant 14 : i32
    %get3A_921 = arith.index_cast %get3A_920 : i32 to index
    %get3A_922 = arith.constant 16 : index
    %get3A_923 = tpu.vector_load %arg15[%get3A_921, %get3A_922] {strides = array<i32>} : memref<32x32xi32, #tpu.memory_space<vmem>>, vector<16xi32>,
    %gather3A_924 = tpu.vector_load_idx %arg12[%get3A_923] : memref<10000xf32, #tpu.memory_space<vmem>>[vector<16xi32>], vector<16xf32>,
    %add3A_925 = arith.constant 16 : i32
    %add3A_926 = vector.broadcast %add3A_925 : i32 to vector<16xi32>
    %add3A_927 = arith.addi %add3A_926, %iota3A : vector<16xi32>
    %add3A_928 = arith.constant 14 : i32
    %add3A_929 = vector.broadcast %add3A_928 : i32 to vector<16xi32>
    %add3A_930 = arith.addi %mul3A_27, %add3A_929 : vector<16xi32>
    tpu.vector_store_idx %arg14[%add3A_927, %add3A_930], %gather3A_924 : memref<32x32xf32, #tpu.memory_space<vmem>>[vector<16xi32>, vector<16xi32>], vector<16xf32>,
    %get3A_931 = arith.constant 15 : i32
    %get3A_932 = arith.index_cast %get3A_931 : i32 to index
    %get3A_933 = arith.constant 0 : index
    %get3A_934 = tpu.vector_load %arg15[%get3A_932, %get3A_933] {strides = array<i32>} : memref<32x32xi32, #tpu.memory_space<vmem>>, vector<16xi32>,
    %gather3A_935 = tpu.vector_load_idx %arg12[%get3A_934] : memref<10000xf32, #tpu.memory_space<vmem>>[vector<16xi32>], vector<16xf32>,
    %add3A_936 = arith.constant 0 : i32
    %add3A_937 = vector.broadcast %add3A_936 : i32 to vector<16xi32>
    %add3A_938 = arith.addi %add3A_937, %iota3A : vector<16xi32>
    %add3A_939 = arith.constant 15 : i32
    %add3A_940 = vector.broadcast %add3A_939 : i32 to vector<16xi32>
    %add3A_941 = arith.addi %mul3A_27, %add3A_940 : vector<16xi32>
    tpu.vector_store_idx %arg14[%add3A_938, %add3A_941], %gather3A_935 : memref<32x32xf32, #tpu.memory_space<vmem>>[vector<16xi32>, vector<16xi32>], vector<16xf32>,
    %get3A_942 = arith.constant 15 : i32
    %get3A_943 = arith.index_cast %get3A_942 : i32 to index
    %get3A_944 = arith.constant 16 : index
    %get3A_945 = tpu.vector_load %arg15[%get3A_943, %get3A_944] {strides = array<i32>} : memref<32x32xi32, #tpu.memory_space<vmem>>, vector<16xi32>,
    %gather3A_946 = tpu.vector_load_idx %arg12[%get3A_945] : memref<10000xf32, #tpu.memory_space<vmem>>[vector<16xi32>], vector<16xf32>,
    %add3A_947 = arith.constant 16 : i32
    %add3A_948 = vector.broadcast %add3A_947 : i32 to vector<16xi32>
    %add3A_949 = arith.addi %add3A_948, %iota3A : vector<16xi32>
    %add3A_950 = arith.constant 15 : i32
    %add3A_951 = vector.broadcast %add3A_950 : i32 to vector<16xi32>
    %add3A_952 = arith.addi %mul3A_27, %add3A_951 : vector<16xi32>
    tpu.vector_store_idx %arg14[%add3A_949, %add3A_952], %gather3A_946 : memref<32x32xf32, #tpu.memory_space<vmem>>[vector<16xi32>, vector<16xi32>], vector<16xf32>,
    %get3A_953 = arith.constant 16 : i32
    %get3A_954 = arith.index_cast %get3A_953 : i32 to index
    %get3A_955 = arith.constant 0 : index
    %get3A_956 = tpu.vector_load %arg15[%get3A_954, %get3A_955] {strides = array<i32>} : memref<32x32xi32, #tpu.memory_space<vmem>>, vector<16xi32>,
    %gather3A_957 = tpu.vector_load_idx %arg12[%get3A_956] : memref<10000xf32, #tpu.memory_space<vmem>>[vector<16xi32>], vector<16xf32>,
    %add3A_958 = arith.constant 0 : i32
    %add3A_959 = vector.broadcast %add3A_958 : i32 to vector<16xi32>
    %add3A_960 = arith.addi %add3A_959, %iota3A : vector<16xi32>
    %add3A_961 = arith.constant 16 : i32
    %add3A_962 = vector.broadcast %add3A_961 : i32 to vector<16xi32>
    %add3A_963 = arith.addi %mul3A_27, %add3A_962 : vector<16xi32>
    tpu.vector_store_idx %arg14[%add3A_960, %add3A_963], %gather3A_957 : memref<32x32xf32, #tpu.memory_space<vmem>>[vector<16xi32>, vector<16xi32>], vector<16xf32>,
    %get3A_964 = arith.constant 16 : i32
    %get3A_965 = arith.index_cast %get3A_964 : i32 to index
    %get3A_966 = arith.constant 16 : index
    %get3A_967 = tpu.vector_load %arg15[%get3A_965, %get3A_966] {strides = array<i32>} : memref<32x32xi32, #tpu.memory_space<vmem>>, vector<16xi32>,
    %gather3A_968 = tpu.vector_load_idx %arg12[%get3A_967] : memref<10000xf32, #tpu.memory_space<vmem>>[vector<16xi32>], vector<16xf32>,
    %add3A_969 = arith.constant 16 : i32
    %add3A_970 = vector.broadcast %add3A_969 : i32 to vector<16xi32>
    %add3A_971 = arith.addi %add3A_970, %iota3A : vector<16xi32>
    %add3A_972 = arith.constant 16 : i32
    %add3A_973 = vector.broadcast %add3A_972 : i32 to vector<16xi32>
    %add3A_974 = arith.addi %mul3A_27, %add3A_973 : vector<16xi32>
    tpu.vector_store_idx %arg14[%add3A_971, %add3A_974], %gather3A_968 : memref<32x32xf32, #tpu.memory_space<vmem>>[vector<16xi32>, vector<16xi32>], vector<16xf32>,
    %get3A_975 = arith.constant 17 : i32
    %get3A_976 = arith.index_cast %get3A_975 : i32 to index
    %get3A_977 = arith.constant 0 : index
    %get3A_978 = tpu.vector_load %arg15[%get3A_976, %get3A_977] {strides = array<i32>} : memref<32x32xi32, #tpu.memory_space<vmem>>, vector<16xi32>,
    %gather3A_979 = tpu.vector_load_idx %arg12[%get3A_978] : memref<10000xf32, #tpu.memory_space<vmem>>[vector<16xi32>], vector<16xf32>,
    %add3A_980 = arith.constant 0 : i32
    %add3A_981 = vector.broadcast %add3A_980 : i32 to vector<16xi32>
    %add3A_982 = arith.addi %add3A_981, %iota3A : vector<16xi32>
    %add3A_983 = arith.constant 17 : i32
    %add3A_984 = vector.broadcast %add3A_983 : i32 to vector<16xi32>
    %add3A_985 = arith.addi %mul3A_27, %add3A_984 : vector<16xi32>
    tpu.vector_store_idx %arg14[%add3A_982, %add3A_985], %gather3A_979 : memref<32x32xf32, #tpu.memory_space<vmem>>[vector<16xi32>, vector<16xi32>], vector<16xf32>,
    %get3A_986 = arith.constant 17 : i32
    %get3A_987 = arith.index_cast %get3A_986 : i32 to index
    %get3A_988 = arith.constant 16 : index
    %get3A_989 = tpu.vector_load %arg15[%get3A_987, %get3A_988] {strides = array<i32>} : memref<32x32xi32, #tpu.memory_space<vmem>>, vector<16xi32>,
    %gather3A_990 = tpu.vector_load_idx %arg12[%get3A_989] : memref<10000xf32, #tpu.memory_space<vmem>>[vector<16xi32>], vector<16xf32>,
    %add3A_991 = arith.constant 16 : i32
    %add3A_992 = vector.broadcast %add3A_991 : i32 to vector<16xi32>
    %add3A_993 = arith.addi %add3A_992, %iota3A : vector<16xi32>
    %add3A_994 = arith.constant 17 : i32
    %add3A_995 = vector.broadcast %add3A_994 : i32 to vector<16xi32>
    %add3A_996 = arith.addi %mul3A_27, %add3A_995 : vector<16xi32>
    tpu.vector_store_idx %arg14[%add3A_993, %add3A_996], %gather3A_990 : memref<32x32xf32, #tpu.memory_space<vmem>>[vector<16xi32>, vector<16xi32>], vector<16xf32>,
    %get3A_997 = arith.constant 18 : i32
    %get3A_998 = arith.index_cast %get3A_997 : i32 to index
    %get3A_999 = arith.constant 0 : index
    %get3A_1000 = tpu.vector_load %arg15[%get3A_998, %get3A_999] {strides = array<i32>} : memref<32x32xi32, #tpu.memory_space<vmem>>, vector<16xi32>,
    %gather3A_1001 = tpu.vector_load_idx %arg12[%get3A_1000] : memref<10000xf32, #tpu.memory_space<vmem>>[vector<16xi32>], vector<16xf32>,
    %add3A_1002 = arith.constant 0 : i32
    %add3A_1003 = vector.broadcast %add3A_1002 : i32 to vector<16xi32>
    %add3A_1004 = arith.addi %add3A_1003, %iota3A : vector<16xi32>
    %add3A_1005 = arith.constant 18 : i32
    %add3A_1006 = vector.broadcast %add3A_1005 : i32 to vector<16xi32>
    %add3A_1007 = arith.addi %mul3A_27, %add3A_1006 : vector<16xi32>
    tpu.vector_store_idx %arg14[%add3A_1004, %add3A_1007], %gather3A_1001 : memref<32x32xf32, #tpu.memory_space<vmem>>[vector<16xi32>, vector<16xi32>], vector<16xf32>,
    %get3A_1008 = arith.constant 18 : i32
    %get3A_1009 = arith.index_cast %get3A_1008 : i32 to index
    %get3A_1010 = arith.constant 16 : index
    %get3A_1011 = tpu.vector_load %arg15[%get3A_1009, %get3A_1010] {strides = array<i32>} : memref<32x32xi32, #tpu.memory_space<vmem>>, vector<16xi32>,
    %gather3A_1012 = tpu.vector_load_idx %arg12[%get3A_1011] : memref<10000xf32, #tpu.memory_space<vmem>>[vector<16xi32>], vector<16xf32>,
    %add3A_1013 = arith.constant 16 : i32
    %add3A_1014 = vector.broadcast %add3A_1013 : i32 to vector<16xi32>
    %add3A_1015 = arith.addi %add3A_1014, %iota3A : vector<16xi32>
    %add3A_1016 = arith.constant 18 : i32
    %add3A_1017 = vector.broadcast %add3A_1016 : i32 to vector<16xi32>
    %add3A_1018 = arith.addi %mul3A_27, %add3A_1017 : vector<16xi32>
    tpu.vector_store_idx %arg14[%add3A_1015, %add3A_1018], %gather3A_1012 : memref<32x32xf32, #tpu.memory_space<vmem>>[vector<16xi32>, vector<16xi32>], vector<16xf32>,
    %get3A_1019 = arith.constant 19 : i32
    %get3A_1020 = arith.index_cast %get3A_1019 : i32 to index
    %get3A_1021 = arith.constant 0 : index
    %get3A_1022 = tpu.vector_load %arg15[%get3A_1020, %get3A_1021] {strides = array<i32>} : memref<32x32xi32, #tpu.memory_space<vmem>>, vector<16xi32>,
    %gather3A_1023 = tpu.vector_load_idx %arg12[%get3A_1022] : memref<10000xf32, #tpu.memory_space<vmem>>[vector<16xi32>], vector<16xf32>,
    %add3A_1024 = arith.constant 0 : i32
    %add3A_1025 = vector.broadcast %add3A_1024 : i32 to vector<16xi32>
    %add3A_1026 = arith.addi %add3A_1025, %iota3A : vector<16xi32>
    %add3A_1027 = arith.constant 19 : i32
    %add3A_1028 = vector.broadcast %add3A_1027 : i32 to vector<16xi32>
    %add3A_1029 = arith.addi %mul3A_27, %add3A_1028 : vector<16xi32>
    tpu.vector_store_idx %arg14[%add3A_1026, %add3A_1029], %gather3A_1023 : memref<32x32xf32, #tpu.memory_space<vmem>>[vector<16xi32>, vector<16xi32>], vector<16xf32>,
    %get3A_1030 = arith.constant 19 : i32
    %get3A_1031 = arith.index_cast %get3A_1030 : i32 to index
    %get3A_1032 = arith.constant 16 : index
    %get3A_1033 = tpu.vector_load %arg15[%get3A_1031, %get3A_1032] {strides = array<i32>} : memref<32x32xi32, #tpu.memory_space<vmem>>, vector<16xi32>,
    %gather3A_1034 = tpu.vector_load_idx %arg12[%get3A_1033] : memref<10000xf32, #tpu.memory_space<vmem>>[vector<16xi32>], vector<16xf32>,
    %add3A_1035 = arith.constant 16 : i32
    %add3A_1036 = vector.broadcast %add3A_1035 : i32 to vector<16xi32>
    %add3A_1037 = arith.addi %add3A_1036, %iota3A : vector<16xi32>
    %add3A_1038 = arith.constant 19 : i32
    %add3A_1039 = vector.broadcast %add3A_1038 : i32 to vector<16xi32>
    %add3A_1040 = arith.addi %mul3A_27, %add3A_1039 : vector<16xi32>
    tpu.vector_store_idx %arg14[%add3A_1037, %add3A_1040], %gather3A_1034 : memref<32x32xf32, #tpu.memory_space<vmem>>[vector<16xi32>, vector<16xi32>], vector<16xf32>,
    %get3A_1041 = arith.constant 20 : i32
    %get3A_1042 = arith.index_cast %get3A_1041 : i32 to index
    %get3A_1043 = arith.constant 0 : index
    %get3A_1044 = tpu.vector_load %arg15[%get3A_1042, %get3A_1043] {strides = array<i32>} : memref<32x32xi32, #tpu.memory_space<vmem>>, vector<16xi32>,
    %gather3A_1045 = tpu.vector_load_idx %arg12[%get3A_1044] : memref<10000xf32, #tpu.memory_space<vmem>>[vector<16xi32>], vector<16xf32>,
    %add3A_1046 = arith.constant 0 : i32
    %add3A_1047 = vector.broadcast %add3A_1046 : i32 to vector<16xi32>
    %add3A_1048 = arith.addi %add3A_1047, %iota3A : vector<16xi32>
    %add3A_1049 = arith.constant 20 : i32
    %add3A_1050 = vector.broadcast %add3A_1049 : i32 to vector<16xi32>
    %add3A_1051 = arith.addi %mul3A_27, %add3A_1050 : vector<16xi32>
    tpu.vector_store_idx %arg14[%add3A_1048, %add3A_1051], %gather3A_1045 : memref<32x32xf32, #tpu.memory_space<vmem>>[vector<16xi32>, vector<16xi32>], vector<16xf32>,
    %get3A_1052 = arith.constant 20 : i32
    %get3A_1053 = arith.index_cast %get3A_1052 : i32 to index
    %get3A_1054 = arith.constant 16 : index
    %get3A_1055 = tpu.vector_load %arg15[%get3A_1053, %get3A_1054] {strides = array<i32>} : memref<32x32xi32, #tpu.memory_space<vmem>>, vector<16xi32>,
    %gather3A_1056 = tpu.vector_load_idx %arg12[%get3A_1055] : memref<10000xf32, #tpu.memory_space<vmem>>[vector<16xi32>], vector<16xf32>,
    %add3A_1057 = arith.constant 16 : i32
    %add3A_1058 = vector.broadcast %add3A_1057 : i32 to vector<16xi32>
    %add3A_1059 = arith.addi %add3A_1058, %iota3A : vector<16xi32>
    %add3A_1060 = arith.constant 20 : i32
    %add3A_1061 = vector.broadcast %add3A_1060 : i32 to vector<16xi32>
    %add3A_1062 = arith.addi %mul3A_27, %add3A_1061 : vector<16xi32>
    tpu.vector_store_idx %arg14[%add3A_1059, %add3A_1062], %gather3A_1056 : memref<32x32xf32, #tpu.memory_space<vmem>>[vector<16xi32>, vector<16xi32>], vector<16xf32>,
    %get3A_1063 = arith.constant 21 : i32
    %get3A_1064 = arith.index_cast %get3A_1063 : i32 to index
    %get3A_1065 = arith.constant 0 : index
    %get3A_1066 = tpu.vector_load %arg15[%get3A_1064, %get3A_1065] {strides = array<i32>} : memref<32x32xi32, #tpu.memory_space<vmem>>, vector<16xi32>,
    %gather3A_1067 = tpu.vector_load_idx %arg12[%get3A_1066] : memref<10000xf32, #tpu.memory_space<vmem>>[vector<16xi32>], vector<16xf32>,
    %add3A_1068 = arith.constant 0 : i32
    %add3A_1069 = vector.broadcast %add3A_1068 : i32 to vector<16xi32>
    %add3A_1070 = arith.addi %add3A_1069, %iota3A : vector<16xi32>
    %add3A_1071 = arith.constant 21 : i32
    %add3A_1072 = vector.broadcast %add3A_1071 : i32 to vector<16xi32>
    %add3A_1073 = arith.addi %mul3A_27, %add3A_1072 : vector<16xi32>
    tpu.vector_store_idx %arg14[%add3A_1070, %add3A_1073], %gather3A_1067 : memref<32x32xf32, #tpu.memory_space<vmem>>[vector<16xi32>, vector<16xi32>], vector<16xf32>,
    %get3A_1074 = arith.constant 21 : i32
    %get3A_1075 = arith.index_cast %get3A_1074 : i32 to index
    %get3A_1076 = arith.constant 16 : index
    %get3A_1077 = tpu.vector_load %arg15[%get3A_1075, %get3A_1076] {strides = array<i32>} : memref<32x32xi32, #tpu.memory_space<vmem>>, vector<16xi32>,
    %gather3A_1078 = tpu.vector_load_idx %arg12[%get3A_1077] : memref<10000xf32, #tpu.memory_space<vmem>>[vector<16xi32>], vector<16xf32>,
    %add3A_1079 = arith.constant 16 : i32
    %add3A_1080 = vector.broadcast %add3A_1079 : i32 to vector<16xi32>
    %add3A_1081 = arith.addi %add3A_1080, %iota3A : vector<16xi32>
    %add3A_1082 = arith.constant 21 : i32
    %add3A_1083 = vector.broadcast %add3A_1082 : i32 to vector<16xi32>
    %add3A_1084 = arith.addi %mul3A_27, %add3A_1083 : vector<16xi32>
    tpu.vector_store_idx %arg14[%add3A_1081, %add3A_1084], %gather3A_1078 : memref<32x32xf32, #tpu.memory_space<vmem>>[vector<16xi32>, vector<16xi32>], vector<16xf32>,
    %get3A_1085 = arith.constant 22 : i32
    %get3A_1086 = arith.index_cast %get3A_1085 : i32 to index
    %get3A_1087 = arith.constant 0 : index
    %get3A_1088 = tpu.vector_load %arg15[%get3A_1086, %get3A_1087] {strides = array<i32>} : memref<32x32xi32, #tpu.memory_space<vmem>>, vector<16xi32>,
    %gather3A_1089 = tpu.vector_load_idx %arg12[%get3A_1088] : memref<10000xf32, #tpu.memory_space<vmem>>[vector<16xi32>], vector<16xf32>,
    %add3A_1090 = arith.constant 0 : i32
    %add3A_1091 = vector.broadcast %add3A_1090 : i32 to vector<16xi32>
    %add3A_1092 = arith.addi %add3A_1091, %iota3A : vector<16xi32>
    %add3A_1093 = arith.constant 22 : i32
    %add3A_1094 = vector.broadcast %add3A_1093 : i32 to vector<16xi32>
    %add3A_1095 = arith.addi %mul3A_27, %add3A_1094 : vector<16xi32>
    tpu.vector_store_idx %arg14[%add3A_1092, %add3A_1095], %gather3A_1089 : memref<32x32xf32, #tpu.memory_space<vmem>>[vector<16xi32>, vector<16xi32>], vector<16xf32>,
    %get3A_1096 = arith.constant 22 : i32
    %get3A_1097 = arith.index_cast %get3A_1096 : i32 to index
    %get3A_1098 = arith.constant 16 : index
    %get3A_1099 = tpu.vector_load %arg15[%get3A_1097, %get3A_1098] {strides = array<i32>} : memref<32x32xi32, #tpu.memory_space<vmem>>, vector<16xi32>,
    %gather3A_1100 = tpu.vector_load_idx %arg12[%get3A_1099] : memref<10000xf32, #tpu.memory_space<vmem>>[vector<16xi32>], vector<16xf32>,
    %add3A_1101 = arith.constant 16 : i32
    %add3A_1102 = vector.broadcast %add3A_1101 : i32 to vector<16xi32>
    %add3A_1103 = arith.addi %add3A_1102, %iota3A : vector<16xi32>
    %add3A_1104 = arith.constant 22 : i32
    %add3A_1105 = vector.broadcast %add3A_1104 : i32 to vector<16xi32>
    %add3A_1106 = arith.addi %mul3A_27, %add3A_1105 : vector<16xi32>
    tpu.vector_store_idx %arg14[%add3A_1103, %add3A_1106], %gather3A_1100 : memref<32x32xf32, #tpu.memory_space<vmem>>[vector<16xi32>, vector<16xi32>], vector<16xf32>,
    %get3A_1107 = arith.constant 23 : i32
    %get3A_1108 = arith.index_cast %get3A_1107 : i32 to index
    %get3A_1109 = arith.constant 0 : index
    %get3A_1110 = tpu.vector_load %arg15[%get3A_1108, %get3A_1109] {strides = array<i32>} : memref<32x32xi32, #tpu.memory_space<vmem>>, vector<16xi32>,
    %gather3A_1111 = tpu.vector_load_idx %arg12[%get3A_1110] : memref<10000xf32, #tpu.memory_space<vmem>>[vector<16xi32>], vector<16xf32>,
    %add3A_1112 = arith.constant 0 : i32
    %add3A_1113 = vector.broadcast %add3A_1112 : i32 to vector<16xi32>
    %add3A_1114 = arith.addi %add3A_1113, %iota3A : vector<16xi32>
    %add3A_1115 = arith.constant 23 : i32
    %add3A_1116 = vector.broadcast %add3A_1115 : i32 to vector<16xi32>
    %add3A_1117 = arith.addi %mul3A_27, %add3A_1116 : vector<16xi32>
    tpu.vector_store_idx %arg14[%add3A_1114, %add3A_1117], %gather3A_1111 : memref<32x32xf32, #tpu.memory_space<vmem>>[vector<16xi32>, vector<16xi32>], vector<16xf32>,
    %get3A_1118 = arith.constant 23 : i32
    %get3A_1119 = arith.index_cast %get3A_1118 : i32 to index
    %get3A_1120 = arith.constant 16 : index
    %get3A_1121 = tpu.vector_load %arg15[%get3A_1119, %get3A_1120] {strides = array<i32>} : memref<32x32xi32, #tpu.memory_space<vmem>>, vector<16xi32>,
    %gather3A_1122 = tpu.vector_load_idx %arg12[%get3A_1121] : memref<10000xf32, #tpu.memory_space<vmem>>[vector<16xi32>], vector<16xf32>,
    %add3A_1123 = arith.constant 16 : i32
    %add3A_1124 = vector.broadcast %add3A_1123 : i32 to vector<16xi32>
    %add3A_1125 = arith.addi %add3A_1124, %iota3A : vector<16xi32>
    %add3A_1126 = arith.constant 23 : i32
    %add3A_1127 = vector.broadcast %add3A_1126 : i32 to vector<16xi32>
    %add3A_1128 = arith.addi %mul3A_27, %add3A_1127 : vector<16xi32>
    tpu.vector_store_idx %arg14[%add3A_1125, %add3A_1128], %gather3A_1122 : memref<32x32xf32, #tpu.memory_space<vmem>>[vector<16xi32>, vector<16xi32>], vector<16xf32>,
    %get3A_1129 = arith.constant 24 : i32
    %get3A_1130 = arith.index_cast %get3A_1129 : i32 to index
    %get3A_1131 = arith.constant 0 : index
    %get3A_1132 = tpu.vector_load %arg15[%get3A_1130, %get3A_1131] {strides = array<i32>} : memref<32x32xi32, #tpu.memory_space<vmem>>, vector<16xi32>,
    %gather3A_1133 = tpu.vector_load_idx %arg12[%get3A_1132] : memref<10000xf32, #tpu.memory_space<vmem>>[vector<16xi32>], vector<16xf32>,
    %add3A_1134 = arith.constant 0 : i32
    %add3A_1135 = vector.broadcast %add3A_1134 : i32 to vector<16xi32>
    %add3A_1136 = arith.addi %add3A_1135, %iota3A : vector<16xi32>
    %add3A_1137 = arith.constant 24 : i32
    %add3A_1138 = vector.broadcast %add3A_1137 : i32 to vector<16xi32>
    %add3A_1139 = arith.addi %mul3A_27, %add3A_1138 : vector<16xi32>
    tpu.vector_store_idx %arg14[%add3A_1136, %add3A_1139], %gather3A_1133 : memref<32x32xf32, #tpu.memory_space<vmem>>[vector<16xi32>, vector<16xi32>], vector<16xf32>,
    %get3A_1140 = arith.constant 24 : i32
    %get3A_1141 = arith.index_cast %get3A_1140 : i32 to index
    %get3A_1142 = arith.constant 16 : index
    %get3A_1143 = tpu.vector_load %arg15[%get3A_1141, %get3A_1142] {strides = array<i32>} : memref<32x32xi32, #tpu.memory_space<vmem>>, vector<16xi32>,
    %gather3A_1144 = tpu.vector_load_idx %arg12[%get3A_1143] : memref<10000xf32, #tpu.memory_space<vmem>>[vector<16xi32>], vector<16xf32>,
    %add3A_1145 = arith.constant 16 : i32
    %add3A_1146 = vector.broadcast %add3A_1145 : i32 to vector<16xi32>
    %add3A_1147 = arith.addi %add3A_1146, %iota3A : vector<16xi32>
    %add3A_1148 = arith.constant 24 : i32
    %add3A_1149 = vector.broadcast %add3A_1148 : i32 to vector<16xi32>
    %add3A_1150 = arith.addi %mul3A_27, %add3A_1149 : vector<16xi32>
    tpu.vector_store_idx %arg14[%add3A_1147, %add3A_1150], %gather3A_1144 : memref<32x32xf32, #tpu.memory_space<vmem>>[vector<16xi32>, vector<16xi32>], vector<16xf32>,
    %get3A_1151 = arith.constant 25 : i32
    %get3A_1152 = arith.index_cast %get3A_1151 : i32 to index
    %get3A_1153 = arith.constant 0 : index
    %get3A_1154 = tpu.vector_load %arg15[%get3A_1152, %get3A_1153] {strides = array<i32>} : memref<32x32xi32, #tpu.memory_space<vmem>>, vector<16xi32>,
    %gather3A_1155 = tpu.vector_load_idx %arg12[%get3A_1154] : memref<10000xf32, #tpu.memory_space<vmem>>[vector<16xi32>], vector<16xf32>,
    %add3A_1156 = arith.constant 0 : i32
    %add3A_1157 = vector.broadcast %add3A_1156 : i32 to vector<16xi32>
    %add3A_1158 = arith.addi %add3A_1157, %iota3A : vector<16xi32>
    %add3A_1159 = arith.constant 25 : i32
    %add3A_1160 = vector.broadcast %add3A_1159 : i32 to vector<16xi32>
    %add3A_1161 = arith.addi %mul3A_27, %add3A_1160 : vector<16xi32>
    tpu.vector_store_idx %arg14[%add3A_1158, %add3A_1161], %gather3A_1155 : memref<32x32xf32, #tpu.memory_space<vmem>>[vector<16xi32>, vector<16xi32>], vector<16xf32>,
    %get3A_1162 = arith.constant 25 : i32
    %get3A_1163 = arith.index_cast %get3A_1162 : i32 to index
    %get3A_1164 = arith.constant 16 : index
    %get3A_1165 = tpu.vector_load %arg15[%get3A_1163, %get3A_1164] {strides = array<i32>} : memref<32x32xi32, #tpu.memory_space<vmem>>, vector<16xi32>,
    %gather3A_1166 = tpu.vector_load_idx %arg12[%get3A_1165] : memref<10000xf32, #tpu.memory_space<vmem>>[vector<16xi32>], vector<16xf32>,
    %add3A_1167 = arith.constant 16 : i32
    %add3A_1168 = vector.broadcast %add3A_1167 : i32 to vector<16xi32>
    %add3A_1169 = arith.addi %add3A_1168, %iota3A : vector<16xi32>
    %add3A_1170 = arith.constant 25 : i32
    %add3A_1171 = vector.broadcast %add3A_1170 : i32 to vector<16xi32>
    %add3A_1172 = arith.addi %mul3A_27, %add3A_1171 : vector<16xi32>
    tpu.vector_store_idx %arg14[%add3A_1169, %add3A_1172], %gather3A_1166 : memref<32x32xf32, #tpu.memory_space<vmem>>[vector<16xi32>, vector<16xi32>], vector<16xf32>,
    %get3A_1173 = arith.constant 26 : i32
    %get3A_1174 = arith.index_cast %get3A_1173 : i32 to index
    %get3A_1175 = arith.constant 0 : index
    %get3A_1176 = tpu.vector_load %arg15[%get3A_1174, %get3A_1175] {strides = array<i32>} : memref<32x32xi32, #tpu.memory_space<vmem>>, vector<16xi32>,
    %gather3A_1177 = tpu.vector_load_idx %arg12[%get3A_1176] : memref<10000xf32, #tpu.memory_space<vmem>>[vector<16xi32>], vector<16xf32>,
    %add3A_1178 = arith.constant 0 : i32
    %add3A_1179 = vector.broadcast %add3A_1178 : i32 to vector<16xi32>
    %add3A_1180 = arith.addi %add3A_1179, %iota3A : vector<16xi32>
    %add3A_1181 = arith.constant 26 : i32
    %add3A_1182 = vector.broadcast %add3A_1181 : i32 to vector<16xi32>
    %add3A_1183 = arith.addi %mul3A_27, %add3A_1182 : vector<16xi32>
    tpu.vector_store_idx %arg14[%add3A_1180, %add3A_1183], %gather3A_1177 : memref<32x32xf32, #tpu.memory_space<vmem>>[vector<16xi32>, vector<16xi32>], vector<16xf32>,
    %get3A_1184 = arith.constant 26 : i32
    %get3A_1185 = arith.index_cast %get3A_1184 : i32 to index
    %get3A_1186 = arith.constant 16 : index
    %get3A_1187 = tpu.vector_load %arg15[%get3A_1185, %get3A_1186] {strides = array<i32>} : memref<32x32xi32, #tpu.memory_space<vmem>>, vector<16xi32>,
    %gather3A_1188 = tpu.vector_load_idx %arg12[%get3A_1187] : memref<10000xf32, #tpu.memory_space<vmem>>[vector<16xi32>], vector<16xf32>,
    %add3A_1189 = arith.constant 16 : i32
    %add3A_1190 = vector.broadcast %add3A_1189 : i32 to vector<16xi32>
    %add3A_1191 = arith.addi %add3A_1190, %iota3A : vector<16xi32>
    %add3A_1192 = arith.constant 26 : i32
    %add3A_1193 = vector.broadcast %add3A_1192 : i32 to vector<16xi32>
    %add3A_1194 = arith.addi %mul3A_27, %add3A_1193 : vector<16xi32>
    tpu.vector_store_idx %arg14[%add3A_1191, %add3A_1194], %gather3A_1188 : memref<32x32xf32, #tpu.memory_space<vmem>>[vector<16xi32>, vector<16xi32>], vector<16xf32>,
    %get3A_1195 = arith.constant 27 : i32
    %get3A_1196 = arith.index_cast %get3A_1195 : i32 to index
    %get3A_1197 = arith.constant 0 : index
    %get3A_1198 = tpu.vector_load %arg15[%get3A_1196, %get3A_1197] {strides = array<i32>} : memref<32x32xi32, #tpu.memory_space<vmem>>, vector<16xi32>,
    %gather3A_1199 = tpu.vector_load_idx %arg12[%get3A_1198] : memref<10000xf32, #tpu.memory_space<vmem>>[vector<16xi32>], vector<16xf32>,
    %add3A_1200 = arith.constant 0 : i32
    %add3A_1201 = vector.broadcast %add3A_1200 : i32 to vector<16xi32>
    %add3A_1202 = arith.addi %add3A_1201, %iota3A : vector<16xi32>
    %add3A_1203 = arith.constant 27 : i32
    %add3A_1204 = vector.broadcast %add3A_1203 : i32 to vector<16xi32>
    %add3A_1205 = arith.addi %mul3A_27, %add3A_1204 : vector<16xi32>
    tpu.vector_store_idx %arg14[%add3A_1202, %add3A_1205], %gather3A_1199 : memref<32x32xf32, #tpu.memory_space<vmem>>[vector<16xi32>, vector<16xi32>], vector<16xf32>,
    %get3A_1206 = arith.constant 27 : i32
    %get3A_1207 = arith.index_cast %get3A_1206 : i32 to index
    %get3A_1208 = arith.constant 16 : index
    %get3A_1209 = tpu.vector_load %arg15[%get3A_1207, %get3A_1208] {strides = array<i32>} : memref<32x32xi32, #tpu.memory_space<vmem>>, vector<16xi32>,
    %gather3A_1210 = tpu.vector_load_idx %arg12[%get3A_1209] : memref<10000xf32, #tpu.memory_space<vmem>>[vector<16xi32>], vector<16xf32>,
    %add3A_1211 = arith.constant 16 : i32
    %add3A_1212 = vector.broadcast %add3A_1211 : i32 to vector<16xi32>
    %add3A_1213 = arith.addi %add3A_1212, %iota3A : vector<16xi32>
    %add3A_1214 = arith.constant 27 : i32
    %add3A_1215 = vector.broadcast %add3A_1214 : i32 to vector<16xi32>
    %add3A_1216 = arith.addi %mul3A_27, %add3A_1215 : vector<16xi32>
    tpu.vector_store_idx %arg14[%add3A_1213, %add3A_1216], %gather3A_1210 : memref<32x32xf32, #tpu.memory_space<vmem>>[vector<16xi32>, vector<16xi32>], vector<16xf32>,
    %get3A_1217 = arith.constant 28 : i32
    %get3A_1218 = arith.index_cast %get3A_1217 : i32 to index
    %get3A_1219 = arith.constant 0 : index
    %get3A_1220 = tpu.vector_load %arg15[%get3A_1218, %get3A_1219] {strides = array<i32>} : memref<32x32xi32, #tpu.memory_space<vmem>>, vector<16xi32>,
    %gather3A_1221 = tpu.vector_load_idx %arg12[%get3A_1220] : memref<10000xf32, #tpu.memory_space<vmem>>[vector<16xi32>], vector<16xf32>,
    %add3A_1222 = arith.constant 0 : i32
    %add3A_1223 = vector.broadcast %add3A_1222 : i32 to vector<16xi32>
    %add3A_1224 = arith.addi %add3A_1223, %iota3A : vector<16xi32>
    %add3A_1225 = arith.constant 28 : i32
    %add3A_1226 = vector.broadcast %add3A_1225 : i32 to vector<16xi32>
    %add3A_1227 = arith.addi %mul3A_27, %add3A_1226 : vector<16xi32>
    tpu.vector_store_idx %arg14[%add3A_1224, %add3A_1227], %gather3A_1221 : memref<32x32xf32, #tpu.memory_space<vmem>>[vector<16xi32>, vector<16xi32>], vector<16xf32>,
    %get3A_1228 = arith.constant 28 : i32
    %get3A_1229 = arith.index_cast %get3A_1228 : i32 to index
    %get3A_1230 = arith.constant 16 : index
    %get3A_1231 = tpu.vector_load %arg15[%get3A_1229, %get3A_1230] {strides = array<i32>} : memref<32x32xi32, #tpu.memory_space<vmem>>, vector<16xi32>,
    %gather3A_1232 = tpu.vector_load_idx %arg12[%get3A_1231] : memref<10000xf32, #tpu.memory_space<vmem>>[vector<16xi32>], vector<16xf32>,
    %add3A_1233 = arith.constant 16 : i32
    %add3A_1234 = vector.broadcast %add3A_1233 : i32 to vector<16xi32>
    %add3A_1235 = arith.addi %add3A_1234, %iota3A : vector<16xi32>
    %add3A_1236 = arith.constant 28 : i32
    %add3A_1237 = vector.broadcast %add3A_1236 : i32 to vector<16xi32>
    %add3A_1238 = arith.addi %mul3A_27, %add3A_1237 : vector<16xi32>
    tpu.vector_store_idx %arg14[%add3A_1235, %add3A_1238], %gather3A_1232 : memref<32x32xf32, #tpu.memory_space<vmem>>[vector<16xi32>, vector<16xi32>], vector<16xf32>,
    %get3A_1239 = arith.constant 29 : i32
    %get3A_1240 = arith.index_cast %get3A_1239 : i32 to index
    %get3A_1241 = arith.constant 0 : index
    %get3A_1242 = tpu.vector_load %arg15[%get3A_1240, %get3A_1241] {strides = array<i32>} : memref<32x32xi32, #tpu.memory_space<vmem>>, vector<16xi32>,
    %gather3A_1243 = tpu.vector_load_idx %arg12[%get3A_1242] : memref<10000xf32, #tpu.memory_space<vmem>>[vector<16xi32>], vector<16xf32>,
    %add3A_1244 = arith.constant 0 : i32
    %add3A_1245 = vector.broadcast %add3A_1244 : i32 to vector<16xi32>
    %add3A_1246 = arith.addi %add3A_1245, %iota3A : vector<16xi32>
    %add3A_1247 = arith.constant 29 : i32
    %add3A_1248 = vector.broadcast %add3A_1247 : i32 to vector<16xi32>
    %add3A_1249 = arith.addi %mul3A_27, %add3A_1248 : vector<16xi32>
    tpu.vector_store_idx %arg14[%add3A_1246, %add3A_1249], %gather3A_1243 : memref<32x32xf32, #tpu.memory_space<vmem>>[vector<16xi32>, vector<16xi32>], vector<16xf32>,
    %get3A_1250 = arith.constant 29 : i32
    %get3A_1251 = arith.index_cast %get3A_1250 : i32 to index
    %get3A_1252 = arith.constant 16 : index
    %get3A_1253 = tpu.vector_load %arg15[%get3A_1251, %get3A_1252] {strides = array<i32>} : memref<32x32xi32, #tpu.memory_space<vmem>>, vector<16xi32>,
    %gather3A_1254 = tpu.vector_load_idx %arg12[%get3A_1253] : memref<10000xf32, #tpu.memory_space<vmem>>[vector<16xi32>], vector<16xf32>,
    %add3A_1255 = arith.constant 16 : i32
    %add3A_1256 = vector.broadcast %add3A_1255 : i32 to vector<16xi32>
    %add3A_1257 = arith.addi %add3A_1256, %iota3A : vector<16xi32>
    %add3A_1258 = arith.constant 29 : i32
    %add3A_1259 = vector.broadcast %add3A_1258 : i32 to vector<16xi32>
    %add3A_1260 = arith.addi %mul3A_27, %add3A_1259 : vector<16xi32>
    tpu.vector_store_idx %arg14[%add3A_1257, %add3A_1260], %gather3A_1254 : memref<32x32xf32, #tpu.memory_space<vmem>>[vector<16xi32>, vector<16xi32>], vector<16xf32>,
    %get3A_1261 = arith.constant 30 : i32
    %get3A_1262 = arith.index_cast %get3A_1261 : i32 to index
    %get3A_1263 = arith.constant 0 : index
    %get3A_1264 = tpu.vector_load %arg15[%get3A_1262, %get3A_1263] {strides = array<i32>} : memref<32x32xi32, #tpu.memory_space<vmem>>, vector<16xi32>,
    %gather3A_1265 = tpu.vector_load_idx %arg12[%get3A_1264] : memref<10000xf32, #tpu.memory_space<vmem>>[vector<16xi32>], vector<16xf32>,
    %add3A_1266 = arith.constant 0 : i32
    %add3A_1267 = vector.broadcast %add3A_1266 : i32 to vector<16xi32>
    %add3A_1268 = arith.addi %add3A_1267, %iota3A : vector<16xi32>
    %add3A_1269 = arith.constant 30 : i32
    %add3A_1270 = vector.broadcast %add3A_1269 : i32 to vector<16xi32>
    %add3A_1271 = arith.addi %mul3A_27, %add3A_1270 : vector<16xi32>
    tpu.vector_store_idx %arg14[%add3A_1268, %add3A_1271], %gather3A_1265 : memref<32x32xf32, #tpu.memory_space<vmem>>[vector<16xi32>, vector<16xi32>], vector<16xf32>,
    %get3A_1272 = arith.constant 30 : i32
    %get3A_1273 = arith.index_cast %get3A_1272 : i32 to index
    %get3A_1274 = arith.constant 16 : index
    %get3A_1275 = tpu.vector_load %arg15[%get3A_1273, %get3A_1274] {strides = array<i32>} : memref<32x32xi32, #tpu.memory_space<vmem>>, vector<16xi32>,
    %gather3A_1276 = tpu.vector_load_idx %arg12[%get3A_1275] : memref<10000xf32, #tpu.memory_space<vmem>>[vector<16xi32>], vector<16xf32>,
    %add3A_1277 = arith.constant 16 : i32
    %add3A_1278 = vector.broadcast %add3A_1277 : i32 to vector<16xi32>
    %add3A_1279 = arith.addi %add3A_1278, %iota3A : vector<16xi32>
    %add3A_1280 = arith.constant 30 : i32
    %add3A_1281 = vector.broadcast %add3A_1280 : i32 to vector<16xi32>
    %add3A_1282 = arith.addi %mul3A_27, %add3A_1281 : vector<16xi32>
    tpu.vector_store_idx %arg14[%add3A_1279, %add3A_1282], %gather3A_1276 : memref<32x32xf32, #tpu.memory_space<vmem>>[vector<16xi32>, vector<16xi32>], vector<16xf32>,
    %get3A_1283 = arith.constant 31 : i32
    %get3A_1284 = arith.index_cast %get3A_1283 : i32 to index
    %get3A_1285 = arith.constant 0 : index
    %get3A_1286 = tpu.vector_load %arg15[%get3A_1284, %get3A_1285] {strides = array<i32>} : memref<32x32xi32, #tpu.memory_space<vmem>>, vector<16xi32>,
    %gather3A_1287 = tpu.vector_load_idx %arg12[%get3A_1286] : memref<10000xf32, #tpu.memory_space<vmem>>[vector<16xi32>], vector<16xf32>,
    %add3A_1288 = arith.constant 0 : i32
    %add3A_1289 = vector.broadcast %add3A_1288 : i32 to vector<16xi32>
    %add3A_1290 = arith.addi %add3A_1289, %iota3A : vector<16xi32>
    %add3A_1291 = arith.constant 31 : i32
    %add3A_1292 = vector.broadcast %add3A_1291 : i32 to vector<16xi32>
    %add3A_1293 = arith.addi %mul3A_27, %add3A_1292 : vector<16xi32>
    tpu.vector_store_idx %arg14[%add3A_1290, %add3A_1293], %gather3A_1287 : memref<32x32xf32, #tpu.memory_space<vmem>>[vector<16xi32>, vector<16xi32>], vector<16xf32>,
    %get3A_1294 = arith.constant 31 : i32
    %get3A_1295 = arith.index_cast %get3A_1294 : i32 to index
    %get3A_1296 = arith.constant 16 : index
    %get3A_1297 = tpu.vector_load %arg15[%get3A_1295, %get3A_1296] {strides = array<i32>} : memref<32x32xi32, #tpu.memory_space<vmem>>, vector<16xi32>,
    %gather3A_1298 = tpu.vector_load_idx %arg12[%get3A_1297] : memref<10000xf32, #tpu.memory_space<vmem>>[vector<16xi32>], vector<16xf32>,
    %add3A_1299 = arith.constant 16 : i32
    %add3A_1300 = vector.broadcast %add3A_1299 : i32 to vector<16xi32>
    %add3A_1301 = arith.addi %add3A_1300, %iota3A : vector<16xi32>
    %add3A_1302 = arith.constant 31 : i32
    %add3A_1303 = vector.broadcast %add3A_1302 : i32 to vector<16xi32>
    %add3A_1304 = arith.addi %mul3A_27, %add3A_1303 : vector<16xi32>
    tpu.vector_store_idx %arg14[%add3A_1301, %add3A_1304], %gather3A_1298 : memref<32x32xf32, #tpu.memory_space<vmem>>[vector<16xi32>, vector<16xi32>], vector<16xf32>,
    "tpu.region"() ({
      %run_scoped3A = tpu.sem_alloc : memref<!tpu.dma_semaphore, #tpu.memory_space<semaphore_mem>>
      %dma_start3A_1313 = arith.constant 0 : i32
      %dma_start3A_1314 = tpu.memref_slice %arg8[%dma_start3A_1313, %mul3A_2] : memref<32x1024xf32, #tpu.memory_space<hbm>> -> memref<32x32xf32, #tpu.memory_space<hbm>>
      %dma_start3A_1315 = arith.constant 0 : i32
      %dma_start3A_1316 = tpu.memref_slice %arg8[%dma_start3A_1315, %mul3A_2] : memref<32x1024xf32, #tpu.memory_space<hbm>> -> memref<32x32xf32, #tpu.memory_space<hbm>>
      tpu.enqueue_dma source(%arg14 : memref<32x32xf32, #tpu.memory_space<vmem>>) target(%dma_start3A_1316 : memref<32x32xf32, #tpu.memory_space<hbm>>) target_semaphore(%run_scoped3A : memref<!tpu.dma_semaphore, #tpu.memory_space<semaphore_mem>>)
      %dma_wait3A_1317 = arith.constant 0 : i32
      %dma_wait3A_1318 = tpu.memref_slice %arg8[%dma_wait3A_1317, %mul3A_2] : memref<32x1024xf32, #tpu.memory_space<hbm>> -> memref<32x32xf32, #tpu.memory_space<hbm>>
      %dma_wait3A_1319 = arith.constant 0 : i32
      %dma_wait3A_1320 = tpu.memref_slice %arg8[%dma_wait3A_1319, %mul3A_2] : memref<32x1024xf32, #tpu.memory_space<hbm>> -> memref<32x32xf32, #tpu.memory_space<hbm>>
      tpu.wait_dma2 semaphore(%run_scoped3A : memref<!tpu.dma_semaphore, #tpu.memory_space<semaphore_mem>>) src(%arg14 : memref<32x32xf32, #tpu.memory_space<vmem>>) dst(%dma_wait3A_1320 : memref<32x32xf32, #tpu.memory_space<hbm>>)
      tpu.yield
    }) : () -> ()
    %dma_wait3A_1305 = arith.constant 0 : i32
    %dma_wait3A_1306 = arith.constant 0 : i32
    %dma_wait3A_1307 = tpu.memref_slice %arg7[%dma_wait3A_1305, %dma_wait3A_1306] : memref<10000x128xf32, #tpu.memory_space<hbm>> -> memref<10000x128xf32, #tpu.memory_space<hbm>>
    tpu.wait_indirect_dma semaphore(%arg25 : memref<!tpu.dma_semaphore, #tpu.memory_space<semaphore_mem>>) src(%dma_wait3A_1307 : memref<10000x128xf32, #tpu.memory_space<hbm>>) dst(%arg17 : memref<16x128xf32, #tpu.memory_space<vmem>>)
    %mul3A_1308 = arith.constant 16 : i32
    %mul3A_1309 = arith.muli %add3A, %mul3A_1308 : i32
    "tpu.region"() ({
      %run_scoped3A = tpu.sem_alloc : memref<!tpu.dma_semaphore, #tpu.memory_space<semaphore_mem>>
      %dma_start3A_1313 = arith.constant 0 : i32
      %dma_start3A_1314 = tpu.memref_slice %arg9[%mul3A_1309, %dma_start3A_1313] : memref<512x128xf32, #tpu.memory_space<hbm>> -> memref<16x128xf32, #tpu.memory_space<hbm>>
      %dma_start3A_1315 = arith.constant 0 : i32
      %dma_start3A_1316 = tpu.memref_slice %arg9[%mul3A_1309, %dma_start3A_1315] : memref<512x128xf32, #tpu.memory_space<hbm>> -> memref<16x128xf32, #tpu.memory_space<hbm>>
      tpu.enqueue_dma source(%arg17 : memref<16x128xf32, #tpu.memory_space<vmem>>) target(%dma_start3A_1316 : memref<16x128xf32, #tpu.memory_space<hbm>>) target_semaphore(%run_scoped3A : memref<!tpu.dma_semaphore, #tpu.memory_space<semaphore_mem>>)
      %dma_wait3A_1317 = arith.constant 0 : i32
      %dma_wait3A_1318 = tpu.memref_slice %arg9[%mul3A_1309, %dma_wait3A_1317] : memref<512x128xf32, #tpu.memory_space<hbm>> -> memref<16x128xf32, #tpu.memory_space<hbm>>
      %dma_wait3A_1319 = arith.constant 0 : i32
      %dma_wait3A_1320 = tpu.memref_slice %arg9[%mul3A_1309, %dma_wait3A_1319] : memref<512x128xf32, #tpu.memory_space<hbm>> -> memref<16x128xf32, #tpu.memory_space<hbm>>
      tpu.wait_dma2 semaphore(%run_scoped3A : memref<!tpu.dma_semaphore, #tpu.memory_space<semaphore_mem>>) src(%arg17 : memref<16x128xf32, #tpu.memory_space<vmem>>) dst(%dma_wait3A_1320 : memref<16x128xf32, #tpu.memory_space<hbm>>)
      tpu.yield
    }) : () -> ()
    %dma_wait3A_1310 = arith.constant 0 : i32
    %dma_wait3A_1311 = arith.constant 0 : i32
    %dma_wait3A_1312 = tpu.memref_slice %arg7[%dma_wait3A_1310, %dma_wait3A_1311] : memref<10000x128xf32, #tpu.memory_space<hbm>> -> memref<10000x128xf32, #tpu.memory_space<hbm>>
    tpu.wait_indirect_dma semaphore(%arg26 : memref<!tpu.dma_semaphore, #tpu.memory_space<semaphore_mem>>) src(%dma_wait3A_1312 : memref<10000x128xf32, #tpu.memory_space<hbm>>) dst(%arg19 : memref<32x128xf32, #tpu.memory_space<vmem>>)
    "tpu.region"() ({
      %run_scoped3A = tpu.sem_alloc : memref<!tpu.dma_semaphore, #tpu.memory_space<semaphore_mem>>
      %dma_start3A_1313 = arith.constant 0 : i32
      %dma_start3A_1314 = tpu.memref_slice %arg10[%mul3A_2, %dma_start3A_1313] : memref<1024x128xf32, #tpu.memory_space<hbm>> -> memref<32x128xf32, #tpu.memory_space<hbm>>
      %dma_start3A_1315 = arith.constant 0 : i32
      %dma_start3A_1316 = tpu.memref_slice %arg10[%mul3A_2, %dma_start3A_1315] : memref<1024x128xf32, #tpu.memory_space<hbm>> -> memref<32x128xf32, #tpu.memory_space<hbm>>
      tpu.enqueue_dma source(%arg19 : memref<32x128xf32, #tpu.memory_space<vmem>>) target(%dma_start3A_1316 : memref<32x128xf32, #tpu.memory_space<hbm>>) target_semaphore(%run_scoped3A : memref<!tpu.dma_semaphore, #tpu.memory_space<semaphore_mem>>)
      %dma_wait3A_1317 = arith.constant 0 : i32
      %dma_wait3A_1318 = tpu.memref_slice %arg10[%mul3A_2, %dma_wait3A_1317] : memref<1024x128xf32, #tpu.memory_space<hbm>> -> memref<32x128xf32, #tpu.memory_space<hbm>>
      %dma_wait3A_1319 = arith.constant 0 : i32
      %dma_wait3A_1320 = tpu.memref_slice %arg10[%mul3A_2, %dma_wait3A_1319] : memref<1024x128xf32, #tpu.memory_space<hbm>> -> memref<32x128xf32, #tpu.memory_space<hbm>>
      tpu.wait_dma2 semaphore(%run_scoped3A : memref<!tpu.dma_semaphore, #tpu.memory_space<semaphore_mem>>) src(%arg19 : memref<32x128xf32, #tpu.memory_space<vmem>>) dst(%dma_wait3A_1320 : memref<32x128xf32, #tpu.memory_space<hbm>>)
      tpu.yield
    }) : () -> ()
    return
  }
}

module attributes {stable_mosaic.version = 14 : i64} {
  func.func @_tc_maskp_body(%arg0: memref<1024x2xf32, #tpu.memory_space<vmem>>, %arg1: memref<512x2xf32, #tpu.memory_space<vmem>>, %arg2: memref<1024xi32, #tpu.memory_space<vmem>>, %arg3: memref<1024x512xf32, #tpu.memory_space<vmem>>, %arg4: memref<1x1024xf32, #tpu.memory_space<vmem>>, %arg5: memref<1024x1xf32, #tpu.memory_space<vmem>>) attributes {dimension_semantics = [], scalar_prefetch = 0 : i64, scratch_operands = 0 : i64, tpu.core_type = #tpu.core_type<tc>} {
    %get3A = arith.constant 0 : index
    %get3A_0 = arith.constant 0 : index
    %get3A_1 = vector.load %arg0[%get3A, %get3A_0] : memref<1024x2xf32, #tpu.memory_space<vmem>>, vector<1024x1xf32>
    %get3A_2 = arith.constant 0 : index
    %get3A_3 = arith.constant 0 : index
    %get3A_4 = vector.load %arg1[%get3A_2, %get3A_3] : memref<512x2xf32, #tpu.memory_space<vmem>>, vector<512x1xf32>
    %iota3A = tpu.iota {dimensions = array<i32: 0>} : vector<1024x1024xi32>
    %iota3A_5 = tpu.iota {dimensions = array<i32: 1>} : vector<1024x1024xi32>
    %eq3A = arith.cmpi eq, %iota3A, %iota3A_5 : vector<1024x1024xi32>
    %convert_element_type3A = arith.extui %eq3A : vector<1024x1024xi1> to vector<1024x1024xi32>
    %convert_element_type3A_6 = arith.sitofp %convert_element_type3A : vector<1024x1024xi32> to vector<1024x1024xf32>
    %dot_general3A = arith.constant dense<0.000000e+00> : vector<1x1024xf32>
    %dot_general3A_7 = tpu.matmul %get3A_1, %convert_element_type3A_6, %dot_general3A {dimension_numbers = #tpu.dot_dimension_numbers<[0], [0], [1], [1], [0, 1, 1, 1], [], []>, precision = #tpu.contract_precision<fp32>, transpose_lhs_hint = false} : vector<1024x1xf32>, vector<1024x1024xf32>, vector<1x1024xf32> -> vector<1x1024xf32>
    %swap3A = arith.constant 0 : index
    %swap3A_8 = arith.constant 0 : index
    %swap3A_9 = vector.load %arg4[%swap3A, %swap3A_8] : memref<1x1024xf32, #tpu.memory_space<vmem>>, vector<1x1024xf32>
    tpu.vector_store %arg4[%swap3A, %swap3A_8], %dot_general3A_7 {strides = array<i32>} : memref<1x1024xf32, #tpu.memory_space<vmem>>, vector<1x1024xf32>,
    %get3A_10 = arith.constant 0 : index
    %get3A_11 = vector.load %arg2[%get3A_10] : memref<1024xi32, #tpu.memory_space<vmem>>, vector<1024xi32>
    %convert_element_type3A_12 = arith.sitofp %get3A_11 : vector<1024xi32> to vector<1024xf32>
    %reshape3A = vector.shape_cast %convert_element_type3A_12 : vector<1024xf32> to vector<1x1024xf32>
    %dot_general3A_13 = arith.constant dense<0.000000e+00> : vector<1024x1xf32>
    %dot_general3A_14 = tpu.matmul %convert_element_type3A_6, %reshape3A, %dot_general3A_13 {dimension_numbers = #tpu.dot_dimension_numbers<[1], [1], [0], [0], [0, 0, 1, 0], [], []>, precision = #tpu.contract_precision<fp32>, transpose_lhs_hint = false} : vector<1024x1024xf32>, vector<1x1024xf32>, vector<1024x1xf32> -> vector<1024x1xf32>
    %swap3A_15 = arith.constant 0 : index
    %swap3A_16 = arith.constant 0 : index
    %swap3A_17 = vector.load %arg5[%swap3A_15, %swap3A_16] : memref<1024x1xf32, #tpu.memory_space<vmem>>, vector<1024x1xf32>
    tpu.vector_store %arg5[%swap3A_15, %swap3A_16], %dot_general3A_14 {strides = array<i32>} : memref<1024x1xf32, #tpu.memory_space<vmem>>, vector<1024x1xf32>,
    %iota3A_18 = tpu.iota {dimensions = array<i32: 0>} : vector<512x512xi32>
    %iota3A_19 = tpu.iota {dimensions = array<i32: 1>} : vector<512x512xi32>
    %eq3A_20 = arith.cmpi eq, %iota3A_18, %iota3A_19 : vector<512x512xi32>
    %convert_element_type3A_21 = arith.extui %eq3A_20 : vector<512x512xi1> to vector<512x512xi32>
    %convert_element_type3A_22 = arith.sitofp %convert_element_type3A_21 : vector<512x512xi32> to vector<512x512xf32>
    %dot_general3A_23 = arith.constant dense<0.000000e+00> : vector<1x512xf32>
    %dot_general3A_24 = tpu.matmul %get3A_4, %convert_element_type3A_22, %dot_general3A_23 {dimension_numbers = #tpu.dot_dimension_numbers<[0], [0], [1], [1], [0, 1, 1, 1], [], []>, precision = #tpu.contract_precision<fp32>, transpose_lhs_hint = false} : vector<512x1xf32>, vector<512x512xf32>, vector<1x512xf32> -> vector<1x512xf32>
    %lt3A = vector.broadcast %dot_general3A_24 : vector<1x512xf32> to vector<512x512xf32>
    %lt3A_25 = vector.broadcast %get3A_4 : vector<512x1xf32> to vector<512x512xf32>
    %lt3A_26 = arith.cmpf olt, %lt3A, %lt3A_25 : vector<512x512xf32>
    %eq3A_27 = vector.broadcast %dot_general3A_24 : vector<1x512xf32> to vector<512x512xf32>
    %eq3A_28 = vector.broadcast %get3A_4 : vector<512x1xf32> to vector<512x512xf32>
    %eq3A_29 = arith.cmpf oeq, %eq3A_27, %eq3A_28 : vector<512x512xf32>
    %lt3A_30 = arith.cmpi slt, %iota3A_19, %iota3A_18 : vector<512x512xi32>
    %and3A = arith.andi %eq3A_29, %lt3A_30 : vector<512x512xi1>
    %or3A = arith.ori %lt3A_26, %and3A : vector<512x512xi1>
    %convert_element_type3A_31 = arith.extui %or3A : vector<512x512xi1> to vector<512x512xi32>
    %reduce_sum3A = arith.constant dense<0> : vector<512xi32>
    %reduce_sum3A_32 = vector.multi_reduction <add>, %convert_element_type3A_31, %reduce_sum3A [1] : vector<512x512xi32> to vector<512xi32>
    %broadcast_in_dim3A = vector.shape_cast %reduce_sum3A_32 : vector<512xi32> to vector<512x1xi32>
    %eq3A_33 = vector.broadcast %broadcast_in_dim3A : vector<512x1xi32> to vector<512x512xi32>
    %eq3A_34 = arith.cmpi eq, %eq3A_33, %iota3A_19 : vector<512x512xi32>
    %convert_element_type3A_35 = arith.extui %eq3A_34 : vector<512x512xi1> to vector<512x512xi32>
    %convert_element_type3A_36 = arith.sitofp %convert_element_type3A_35 : vector<512x512xi32> to vector<512x512xf32>
    %dot_general3A_37 = arith.constant dense<0.000000e+00> : vector<1x512xf32>
    %dot_general3A_38 = tpu.matmul %get3A_4, %convert_element_type3A_36, %dot_general3A_37 {dimension_numbers = #tpu.dot_dimension_numbers<[0], [0], [1], [1], [0, 1, 1, 1], [], []>, precision = #tpu.contract_precision<fp32>, transpose_lhs_hint = false} : vector<512x1xf32>, vector<512x512xf32>, vector<1x512xf32> -> vector<1x512xf32>
    %sub3A = vector.broadcast %dot_general3A_38 : vector<1x512xf32> to vector<1024x512xf32>
    %sub3A_39 = vector.broadcast %get3A_1 : vector<1024x1xf32> to vector<1024x512xf32>
    %sub3A_40 = arith.subf %sub3A, %sub3A_39 : vector<1024x512xf32>
    %abs3A = math.absf %sub3A_40 : vector<1024x512xf32>
    %roll3A = arith.constant 496 : i32
    %roll3A_41 = tpu.dynamic_rotate %abs3A by %roll3A dim 1 : vector<1024x512xf32>, i32 -> vector<1024x512xf32>
    %iota3A_42 = tpu.iota {dimensions = array<i32: 1>} : vector<1024x512xi32>
    %lt3A_43 = arith.constant 496 : i32
    %lt3A_44 = vector.broadcast %lt3A_43 : i32 to vector<1024x512xi32>
    %lt3A_45 = arith.cmpi slt, %iota3A_42, %lt3A_44 : vector<1024x512xi32>
    %max3A = arith.maximumf %abs3A, %roll3A_41 : vector<1024x512xf32>
    %jit3A = arith.constant 0x7F800000 : f32
    %broadcast_in_dim3A_46 = vector.broadcast %jit3A : f32 to vector<1024x512xf32>
    %select_n3A = arith.select %lt3A_45, %max3A, %broadcast_in_dim3A_46 : vector<1024x512xi1>, vector<1024x512xf32>
    %reduce_min3A = arith.constant dense<0x7F800000> : vector<1024xf32>
    %reduce_min3A_47 = vector.multi_reduction <minimumf>, %select_n3A, %reduce_min3A [1] : vector<1024x512xf32> to vector<1024xf32>
    %broadcast_in_dim3A_48 = vector.shape_cast %reduce_min3A_47 : vector<1024xf32> to vector<1024x1xf32>
    %sub3A_49 = vector.broadcast %dot_general3A_24 : vector<1x512xf32> to vector<1024x512xf32>
    %sub3A_50 = vector.broadcast %get3A_1 : vector<1024x1xf32> to vector<1024x512xf32>
    %sub3A_51 = arith.subf %sub3A_49, %sub3A_50 : vector<1024x512xf32>
    %abs3A_52 = math.absf %sub3A_51 : vector<1024x512xf32>
    %lt3A_53 = vector.broadcast %broadcast_in_dim3A_48 : vector<1024x1xf32> to vector<1024x512xf32>
    %lt3A_54 = arith.cmpf olt, %abs3A_52, %lt3A_53 : vector<1024x512xf32>
    %eq3A_55 = vector.broadcast %broadcast_in_dim3A_48 : vector<1024x1xf32> to vector<1024x512xf32>
    %eq3A_56 = arith.cmpf oeq, %abs3A_52, %eq3A_55 : vector<1024x512xf32>
    %convert_element_type3A_57 = arith.extui %lt3A_54 : vector<1024x512xi1> to vector<1024x512xi32>
    %reduce_sum3A_58 = arith.constant dense<0> : vector<1024xi32>
    %reduce_sum3A_59 = vector.multi_reduction <add>, %convert_element_type3A_57, %reduce_sum3A_58 [1] : vector<1024x512xi32> to vector<1024xi32>
    %broadcast_in_dim3A_60 = vector.shape_cast %reduce_sum3A_59 : vector<1024xi32> to vector<1024x1xi32>
    %sub3A_61 = arith.constant 17 : i32
    %sub3A_62 = vector.broadcast %sub3A_61 : i32 to vector<1024x1xi32>
    %sub3A_63 = arith.subi %sub3A_62, %broadcast_in_dim3A_60 : vector<1024x1xi32>
    %convert_element_type3A_64 = arith.sitofp %sub3A_63 : vector<1024x1xi32> to vector<1024x1xf32>
    %lt3A_65 = arith.cmpi slt, %iota3A_18, %iota3A_19 : vector<512x512xi32>
    %convert_element_type3A_66 = arith.extui %lt3A_65 : vector<512x512xi1> to vector<512x512xi32>
    %convert_element_type3A_67 = arith.sitofp %convert_element_type3A_66 : vector<512x512xi32> to vector<512x512xf32>
    %convert_element_type3A_68 = arith.truncf %convert_element_type3A_67 : vector<512x512xf32> to vector<512x512xbf16>
    %convert_element_type3A_69 = arith.extui %eq3A_56 : vector<1024x512xi1> to vector<1024x512xi32>
    %convert_element_type3A_70 = arith.sitofp %convert_element_type3A_69 : vector<1024x512xi32> to vector<1024x512xf32>
    %convert_element_type3A_71 = arith.truncf %convert_element_type3A_70 : vector<1024x512xf32> to vector<1024x512xbf16>
    %dot_general3A_72 = arith.constant dense<0.000000e+00> : vector<1024x512xf32>
    %dot_general3A_73 = tpu.matmul %convert_element_type3A_71, %convert_element_type3A_68, %dot_general3A_72 {dimension_numbers = #tpu.dot_dimension_numbers<[1], [0], [0], [1], [0, 0, 1, 1], [], []>, transpose_lhs_hint = false} : vector<1024x512xbf16>, vector<512x512xbf16>, vector<1024x512xf32> -> vector<1024x512xf32>
    %lt3A_74 = vector.broadcast %convert_element_type3A_64 : vector<1024x1xf32> to vector<1024x512xf32>
    %lt3A_75 = arith.cmpf olt, %dot_general3A_73, %lt3A_74 : vector<1024x512xf32>
    %and3A_76 = arith.andi %eq3A_56, %lt3A_75 : vector<1024x512xi1>
    %or3A_77 = arith.ori %lt3A_54, %and3A_76 : vector<1024x512xi1>
    %convert_element_type3A_78 = arith.extui %or3A_77 : vector<1024x512xi1> to vector<1024x512xi32>
    %convert_element_type3A_79 = arith.sitofp %convert_element_type3A_78 : vector<1024x512xi32> to vector<1024x512xf32>
    %swap3A_80 = arith.constant 0 : index
    %swap3A_81 = arith.constant 0 : index
    %swap3A_82 = vector.load %arg3[%swap3A_80, %swap3A_81] : memref<1024x512xf32, #tpu.memory_space<vmem>>, vector<1024x512xf32>
    tpu.vector_store %arg3[%swap3A_80, %swap3A_81], %convert_element_type3A_79 {strides = array<i32>} : memref<1024x512xf32, #tpu.memory_space<vmem>>, vector<1024x512xf32>,
    return
  }
}

module attributes {stable_mosaic.version = 14 : i64} {
  func.func @_tc_body(%arg0: memref<32x1024xf32, #tpu.memory_space<vmem>>, %arg1: memref<1x1024xf32, #tpu.memory_space<vmem>>, %arg2: memref<1024x1xf32, #tpu.memory_space<vmem>>, %arg3: memref<1024x512xf32, #tpu.memory_space<vmem>>, %arg4: memref<512x128xf32, #tpu.memory_space<vmem>>, %arg5: memref<1024x128xf32, #tpu.memory_space<vmem>>, %arg6: memref<128x256xf32, #tpu.memory_space<vmem>>, %arg7: memref<128xf32, #tpu.memory_space<vmem>>, %arg8: memref<1024x128xf32, #tpu.memory_space<vmem>>) attributes {dimension_semantics = [], scalar_prefetch = 0 : i64, scratch_operands = 0 : i64, tpu.core_type = #tpu.core_type<tc>} {
    %get3A = arith.constant 0 : index
    %get3A_0 = arith.constant 0 : index
    %get3A_1 = vector.load %arg3[%get3A, %get3A_0] : memref<1024x512xf32, #tpu.memory_space<vmem>>, vector<1024x512xf32>
    %get3A_2 = arith.constant 0 : index
    %get3A_3 = arith.constant 0 : index
    %get3A_4 = vector.load %arg4[%get3A_2, %get3A_3] : memref<512x128xf32, #tpu.memory_space<vmem>>, vector<512x128xf32>
    %dot_general3A = arith.constant dense<0.000000e+00> : vector<1024x128xf32>
    %dot_general3A_5 = tpu.matmul %get3A_1, %get3A_4, %dot_general3A {dimension_numbers = #tpu.dot_dimension_numbers<[1], [0], [0], [1], [0, 0, 1, 1], [], []>, transpose_lhs_hint = false} : vector<1024x512xf32>, vector<512x128xf32>, vector<1024x128xf32> -> vector<1024x128xf32>
    %get3A_6 = arith.constant 0 : index
    %get3A_7 = arith.constant 0 : index
    %get3A_8 = vector.load %arg0[%get3A_6, %get3A_7] : memref<32x1024xf32, #tpu.memory_space<vmem>>, vector<32x1024xf32>
    %get3A_9 = arith.constant 0 : index
    %get3A_10 = arith.constant 0 : index
    %get3A_11 = vector.load %arg1[%get3A_9, %get3A_10] : memref<1x1024xf32, #tpu.memory_space<vmem>>, vector<1x1024xf32>
    %sub3A = vector.broadcast %get3A_11 : vector<1x1024xf32> to vector<32x1024xf32>
    %sub3A_12 = arith.subf %get3A_8, %sub3A : vector<32x1024xf32>
    %abs3A = math.absf %sub3A_12 : vector<32x1024xf32>
    %bitcast_convert_type3A = tpu.bitcast %abs3A : vector<32x1024xf32> -> vector<32x1024xi32>
    %broadcast_in_dim3A = arith.constant 0 : i32
    %broadcast_in_dim3A_13 = vector.broadcast %broadcast_in_dim3A : i32 to vector<1x1024xi32>
    %or3A = arith.constant 1073741824 : i32
    %or3A_14 = vector.broadcast %or3A : i32 to vector<1x1024xi32>
    %or3A_15 = arith.ori %broadcast_in_dim3A_13, %or3A_14 : vector<1x1024xi32>
    %lt3A = vector.broadcast %or3A_15 : vector<1x1024xi32> to vector<32x1024xi32>
    %lt3A_16 = arith.cmpi slt, %bitcast_convert_type3A, %lt3A : vector<32x1024xi32>
    %convert_element_type3A = arith.extui %lt3A_16 : vector<32x1024xi1> to vector<32x1024xi32>
    %reduce_sum3A = arith.constant dense<0> : vector<1024xi32>
    %reduce_sum3A_17 = vector.multi_reduction <add>, %convert_element_type3A, %reduce_sum3A [0] : vector<32x1024xi32> to vector<1024xi32>
    %broadcast_in_dim3A_18 = vector.shape_cast %reduce_sum3A_17 : vector<1024xi32> to vector<1x1024xi32>
    %lt3A_19 = arith.constant 17 : i32
    %lt3A_20 = vector.broadcast %lt3A_19 : i32 to vector<1x1024xi32>
    %lt3A_21 = arith.cmpi slt, %broadcast_in_dim3A_18, %lt3A_20 : vector<1x1024xi32>
    %select_n3A = arith.select %lt3A_21, %or3A_15, %broadcast_in_dim3A_13 : vector<1x1024xi1>, vector<1x1024xi32>
    %or3A_22 = arith.constant 536870912 : i32
    %or3A_23 = vector.broadcast %or3A_22 : i32 to vector<1x1024xi32>
    %or3A_24 = arith.ori %select_n3A, %or3A_23 : vector<1x1024xi32>
    %lt3A_25 = vector.broadcast %or3A_24 : vector<1x1024xi32> to vector<32x1024xi32>
    %lt3A_26 = arith.cmpi slt, %bitcast_convert_type3A, %lt3A_25 : vector<32x1024xi32>
    %convert_element_type3A_27 = arith.extui %lt3A_26 : vector<32x1024xi1> to vector<32x1024xi32>
    %reduce_sum3A_28 = arith.constant dense<0> : vector<1024xi32>
    %reduce_sum3A_29 = vector.multi_reduction <add>, %convert_element_type3A_27, %reduce_sum3A_28 [0] : vector<32x1024xi32> to vector<1024xi32>
    %broadcast_in_dim3A_30 = vector.shape_cast %reduce_sum3A_29 : vector<1024xi32> to vector<1x1024xi32>
    %lt3A_31 = arith.constant 17 : i32
    %lt3A_32 = vector.broadcast %lt3A_31 : i32 to vector<1x1024xi32>
    %lt3A_33 = arith.cmpi slt, %broadcast_in_dim3A_30, %lt3A_32 : vector<1x1024xi32>
    %select_n3A_34 = arith.select %lt3A_33, %or3A_24, %select_n3A : vector<1x1024xi1>, vector<1x1024xi32>
    %or3A_35 = arith.constant 268435456 : i32
    %or3A_36 = vector.broadcast %or3A_35 : i32 to vector<1x1024xi32>
    %or3A_37 = arith.ori %select_n3A_34, %or3A_36 : vector<1x1024xi32>
    %lt3A_38 = vector.broadcast %or3A_37 : vector<1x1024xi32> to vector<32x1024xi32>
    %lt3A_39 = arith.cmpi slt, %bitcast_convert_type3A, %lt3A_38 : vector<32x1024xi32>
    %convert_element_type3A_40 = arith.extui %lt3A_39 : vector<32x1024xi1> to vector<32x1024xi32>
    %reduce_sum3A_41 = arith.constant dense<0> : vector<1024xi32>
    %reduce_sum3A_42 = vector.multi_reduction <add>, %convert_element_type3A_40, %reduce_sum3A_41 [0] : vector<32x1024xi32> to vector<1024xi32>
    %broadcast_in_dim3A_43 = vector.shape_cast %reduce_sum3A_42 : vector<1024xi32> to vector<1x1024xi32>
    %lt3A_44 = arith.constant 17 : i32
    %lt3A_45 = vector.broadcast %lt3A_44 : i32 to vector<1x1024xi32>
    %lt3A_46 = arith.cmpi slt, %broadcast_in_dim3A_43, %lt3A_45 : vector<1x1024xi32>
    %select_n3A_47 = arith.select %lt3A_46, %or3A_37, %select_n3A_34 : vector<1x1024xi1>, vector<1x1024xi32>
    %or3A_48 = arith.constant 134217728 : i32
    %or3A_49 = vector.broadcast %or3A_48 : i32 to vector<1x1024xi32>
    %or3A_50 = arith.ori %select_n3A_47, %or3A_49 : vector<1x1024xi32>
    %lt3A_51 = vector.broadcast %or3A_50 : vector<1x1024xi32> to vector<32x1024xi32>
    %lt3A_52 = arith.cmpi slt, %bitcast_convert_type3A, %lt3A_51 : vector<32x1024xi32>
    %convert_element_type3A_53 = arith.extui %lt3A_52 : vector<32x1024xi1> to vector<32x1024xi32>
    %reduce_sum3A_54 = arith.constant dense<0> : vector<1024xi32>
    %reduce_sum3A_55 = vector.multi_reduction <add>, %convert_element_type3A_53, %reduce_sum3A_54 [0] : vector<32x1024xi32> to vector<1024xi32>
    %broadcast_in_dim3A_56 = vector.shape_cast %reduce_sum3A_55 : vector<1024xi32> to vector<1x1024xi32>
    %lt3A_57 = arith.constant 17 : i32
    %lt3A_58 = vector.broadcast %lt3A_57 : i32 to vector<1x1024xi32>
    %lt3A_59 = arith.cmpi slt, %broadcast_in_dim3A_56, %lt3A_58 : vector<1x1024xi32>
    %select_n3A_60 = arith.select %lt3A_59, %or3A_50, %select_n3A_47 : vector<1x1024xi1>, vector<1x1024xi32>
    %or3A_61 = arith.constant 67108864 : i32
    %or3A_62 = vector.broadcast %or3A_61 : i32 to vector<1x1024xi32>
    %or3A_63 = arith.ori %select_n3A_60, %or3A_62 : vector<1x1024xi32>
    %lt3A_64 = vector.broadcast %or3A_63 : vector<1x1024xi32> to vector<32x1024xi32>
    %lt3A_65 = arith.cmpi slt, %bitcast_convert_type3A, %lt3A_64 : vector<32x1024xi32>
    %convert_element_type3A_66 = arith.extui %lt3A_65 : vector<32x1024xi1> to vector<32x1024xi32>
    %reduce_sum3A_67 = arith.constant dense<0> : vector<1024xi32>
    %reduce_sum3A_68 = vector.multi_reduction <add>, %convert_element_type3A_66, %reduce_sum3A_67 [0] : vector<32x1024xi32> to vector<1024xi32>
    %broadcast_in_dim3A_69 = vector.shape_cast %reduce_sum3A_68 : vector<1024xi32> to vector<1x1024xi32>
    %lt3A_70 = arith.constant 17 : i32
    %lt3A_71 = vector.broadcast %lt3A_70 : i32 to vector<1x1024xi32>
    %lt3A_72 = arith.cmpi slt, %broadcast_in_dim3A_69, %lt3A_71 : vector<1x1024xi32>
    %select_n3A_73 = arith.select %lt3A_72, %or3A_63, %select_n3A_60 : vector<1x1024xi1>, vector<1x1024xi32>
    %or3A_74 = arith.constant 33554432 : i32
    %or3A_75 = vector.broadcast %or3A_74 : i32 to vector<1x1024xi32>
    %or3A_76 = arith.ori %select_n3A_73, %or3A_75 : vector<1x1024xi32>
    %lt3A_77 = vector.broadcast %or3A_76 : vector<1x1024xi32> to vector<32x1024xi32>
    %lt3A_78 = arith.cmpi slt, %bitcast_convert_type3A, %lt3A_77 : vector<32x1024xi32>
    %convert_element_type3A_79 = arith.extui %lt3A_78 : vector<32x1024xi1> to vector<32x1024xi32>
    %reduce_sum3A_80 = arith.constant dense<0> : vector<1024xi32>
    %reduce_sum3A_81 = vector.multi_reduction <add>, %convert_element_type3A_79, %reduce_sum3A_80 [0] : vector<32x1024xi32> to vector<1024xi32>
    %broadcast_in_dim3A_82 = vector.shape_cast %reduce_sum3A_81 : vector<1024xi32> to vector<1x1024xi32>
    %lt3A_83 = arith.constant 17 : i32
    %lt3A_84 = vector.broadcast %lt3A_83 : i32 to vector<1x1024xi32>
    %lt3A_85 = arith.cmpi slt, %broadcast_in_dim3A_82, %lt3A_84 : vector<1x1024xi32>
    %select_n3A_86 = arith.select %lt3A_85, %or3A_76, %select_n3A_73 : vector<1x1024xi1>, vector<1x1024xi32>
    %or3A_87 = arith.constant 16777216 : i32
    %or3A_88 = vector.broadcast %or3A_87 : i32 to vector<1x1024xi32>
    %or3A_89 = arith.ori %select_n3A_86, %or3A_88 : vector<1x1024xi32>
    %lt3A_90 = vector.broadcast %or3A_89 : vector<1x1024xi32> to vector<32x1024xi32>
    %lt3A_91 = arith.cmpi slt, %bitcast_convert_type3A, %lt3A_90 : vector<32x1024xi32>
    %convert_element_type3A_92 = arith.extui %lt3A_91 : vector<32x1024xi1> to vector<32x1024xi32>
    %reduce_sum3A_93 = arith.constant dense<0> : vector<1024xi32>
    %reduce_sum3A_94 = vector.multi_reduction <add>, %convert_element_type3A_92, %reduce_sum3A_93 [0] : vector<32x1024xi32> to vector<1024xi32>
    %broadcast_in_dim3A_95 = vector.shape_cast %reduce_sum3A_94 : vector<1024xi32> to vector<1x1024xi32>
    %lt3A_96 = arith.constant 17 : i32
    %lt3A_97 = vector.broadcast %lt3A_96 : i32 to vector<1x1024xi32>
    %lt3A_98 = arith.cmpi slt, %broadcast_in_dim3A_95, %lt3A_97 : vector<1x1024xi32>
    %select_n3A_99 = arith.select %lt3A_98, %or3A_89, %select_n3A_86 : vector<1x1024xi1>, vector<1x1024xi32>
    %or3A_100 = arith.constant 8388608 : i32
    %or3A_101 = vector.broadcast %or3A_100 : i32 to vector<1x1024xi32>
    %or3A_102 = arith.ori %select_n3A_99, %or3A_101 : vector<1x1024xi32>
    %lt3A_103 = vector.broadcast %or3A_102 : vector<1x1024xi32> to vector<32x1024xi32>
    %lt3A_104 = arith.cmpi slt, %bitcast_convert_type3A, %lt3A_103 : vector<32x1024xi32>
    %convert_element_type3A_105 = arith.extui %lt3A_104 : vector<32x1024xi1> to vector<32x1024xi32>
    %reduce_sum3A_106 = arith.constant dense<0> : vector<1024xi32>
    %reduce_sum3A_107 = vector.multi_reduction <add>, %convert_element_type3A_105, %reduce_sum3A_106 [0] : vector<32x1024xi32> to vector<1024xi32>
    %broadcast_in_dim3A_108 = vector.shape_cast %reduce_sum3A_107 : vector<1024xi32> to vector<1x1024xi32>
    %lt3A_109 = arith.constant 17 : i32
    %lt3A_110 = vector.broadcast %lt3A_109 : i32 to vector<1x1024xi32>
    %lt3A_111 = arith.cmpi slt, %broadcast_in_dim3A_108, %lt3A_110 : vector<1x1024xi32>
    %select_n3A_112 = arith.select %lt3A_111, %or3A_102, %select_n3A_99 : vector<1x1024xi1>, vector<1x1024xi32>
    %or3A_113 = arith.constant 4194304 : i32
    %or3A_114 = vector.broadcast %or3A_113 : i32 to vector<1x1024xi32>
    %or3A_115 = arith.ori %select_n3A_112, %or3A_114 : vector<1x1024xi32>
    %lt3A_116 = vector.broadcast %or3A_115 : vector<1x1024xi32> to vector<32x1024xi32>
    %lt3A_117 = arith.cmpi slt, %bitcast_convert_type3A, %lt3A_116 : vector<32x1024xi32>
    %convert_element_type3A_118 = arith.extui %lt3A_117 : vector<32x1024xi1> to vector<32x1024xi32>
    %reduce_sum3A_119 = arith.constant dense<0> : vector<1024xi32>
    %reduce_sum3A_120 = vector.multi_reduction <add>, %convert_element_type3A_118, %reduce_sum3A_119 [0] : vector<32x1024xi32> to vector<1024xi32>
    %broadcast_in_dim3A_121 = vector.shape_cast %reduce_sum3A_120 : vector<1024xi32> to vector<1x1024xi32>
    %lt3A_122 = arith.constant 17 : i32
    %lt3A_123 = vector.broadcast %lt3A_122 : i32 to vector<1x1024xi32>
    %lt3A_124 = arith.cmpi slt, %broadcast_in_dim3A_121, %lt3A_123 : vector<1x1024xi32>
    %select_n3A_125 = arith.select %lt3A_124, %or3A_115, %select_n3A_112 : vector<1x1024xi1>, vector<1x1024xi32>
    %or3A_126 = arith.constant 2097152 : i32
    %or3A_127 = vector.broadcast %or3A_126 : i32 to vector<1x1024xi32>
    %or3A_128 = arith.ori %select_n3A_125, %or3A_127 : vector<1x1024xi32>
    %lt3A_129 = vector.broadcast %or3A_128 : vector<1x1024xi32> to vector<32x1024xi32>
    %lt3A_130 = arith.cmpi slt, %bitcast_convert_type3A, %lt3A_129 : vector<32x1024xi32>
    %convert_element_type3A_131 = arith.extui %lt3A_130 : vector<32x1024xi1> to vector<32x1024xi32>
    %reduce_sum3A_132 = arith.constant dense<0> : vector<1024xi32>
    %reduce_sum3A_133 = vector.multi_reduction <add>, %convert_element_type3A_131, %reduce_sum3A_132 [0] : vector<32x1024xi32> to vector<1024xi32>
    %broadcast_in_dim3A_134 = vector.shape_cast %reduce_sum3A_133 : vector<1024xi32> to vector<1x1024xi32>
    %lt3A_135 = arith.constant 17 : i32
    %lt3A_136 = vector.broadcast %lt3A_135 : i32 to vector<1x1024xi32>
    %lt3A_137 = arith.cmpi slt, %broadcast_in_dim3A_134, %lt3A_136 : vector<1x1024xi32>
    %select_n3A_138 = arith.select %lt3A_137, %or3A_128, %select_n3A_125 : vector<1x1024xi1>, vector<1x1024xi32>
    %or3A_139 = arith.constant 1048576 : i32
    %or3A_140 = vector.broadcast %or3A_139 : i32 to vector<1x1024xi32>
    %or3A_141 = arith.ori %select_n3A_138, %or3A_140 : vector<1x1024xi32>
    %lt3A_142 = vector.broadcast %or3A_141 : vector<1x1024xi32> to vector<32x1024xi32>
    %lt3A_143 = arith.cmpi slt, %bitcast_convert_type3A, %lt3A_142 : vector<32x1024xi32>
    %convert_element_type3A_144 = arith.extui %lt3A_143 : vector<32x1024xi1> to vector<32x1024xi32>
    %reduce_sum3A_145 = arith.constant dense<0> : vector<1024xi32>
    %reduce_sum3A_146 = vector.multi_reduction <add>, %convert_element_type3A_144, %reduce_sum3A_145 [0] : vector<32x1024xi32> to vector<1024xi32>
    %broadcast_in_dim3A_147 = vector.shape_cast %reduce_sum3A_146 : vector<1024xi32> to vector<1x1024xi32>
    %lt3A_148 = arith.constant 17 : i32
    %lt3A_149 = vector.broadcast %lt3A_148 : i32 to vector<1x1024xi32>
    %lt3A_150 = arith.cmpi slt, %broadcast_in_dim3A_147, %lt3A_149 : vector<1x1024xi32>
    %select_n3A_151 = arith.select %lt3A_150, %or3A_141, %select_n3A_138 : vector<1x1024xi1>, vector<1x1024xi32>
    %or3A_152 = arith.constant 524288 : i32
    %or3A_153 = vector.broadcast %or3A_152 : i32 to vector<1x1024xi32>
    %or3A_154 = arith.ori %select_n3A_151, %or3A_153 : vector<1x1024xi32>
    %lt3A_155 = vector.broadcast %or3A_154 : vector<1x1024xi32> to vector<32x1024xi32>
    %lt3A_156 = arith.cmpi slt, %bitcast_convert_type3A, %lt3A_155 : vector<32x1024xi32>
    %convert_element_type3A_157 = arith.extui %lt3A_156 : vector<32x1024xi1> to vector<32x1024xi32>
    %reduce_sum3A_158 = arith.constant dense<0> : vector<1024xi32>
    %reduce_sum3A_159 = vector.multi_reduction <add>, %convert_element_type3A_157, %reduce_sum3A_158 [0] : vector<32x1024xi32> to vector<1024xi32>
    %broadcast_in_dim3A_160 = vector.shape_cast %reduce_sum3A_159 : vector<1024xi32> to vector<1x1024xi32>
    %lt3A_161 = arith.constant 17 : i32
    %lt3A_162 = vector.broadcast %lt3A_161 : i32 to vector<1x1024xi32>
    %lt3A_163 = arith.cmpi slt, %broadcast_in_dim3A_160, %lt3A_162 : vector<1x1024xi32>
    %select_n3A_164 = arith.select %lt3A_163, %or3A_154, %select_n3A_151 : vector<1x1024xi1>, vector<1x1024xi32>
    %or3A_165 = arith.constant 262144 : i32
    %or3A_166 = vector.broadcast %or3A_165 : i32 to vector<1x1024xi32>
    %or3A_167 = arith.ori %select_n3A_164, %or3A_166 : vector<1x1024xi32>
    %lt3A_168 = vector.broadcast %or3A_167 : vector<1x1024xi32> to vector<32x1024xi32>
    %lt3A_169 = arith.cmpi slt, %bitcast_convert_type3A, %lt3A_168 : vector<32x1024xi32>
    %convert_element_type3A_170 = arith.extui %lt3A_169 : vector<32x1024xi1> to vector<32x1024xi32>
    %reduce_sum3A_171 = arith.constant dense<0> : vector<1024xi32>
    %reduce_sum3A_172 = vector.multi_reduction <add>, %convert_element_type3A_170, %reduce_sum3A_171 [0] : vector<32x1024xi32> to vector<1024xi32>
    %broadcast_in_dim3A_173 = vector.shape_cast %reduce_sum3A_172 : vector<1024xi32> to vector<1x1024xi32>
    %lt3A_174 = arith.constant 17 : i32
    %lt3A_175 = vector.broadcast %lt3A_174 : i32 to vector<1x1024xi32>
    %lt3A_176 = arith.cmpi slt, %broadcast_in_dim3A_173, %lt3A_175 : vector<1x1024xi32>
    %select_n3A_177 = arith.select %lt3A_176, %or3A_167, %select_n3A_164 : vector<1x1024xi1>, vector<1x1024xi32>
    %or3A_178 = arith.constant 131072 : i32
    %or3A_179 = vector.broadcast %or3A_178 : i32 to vector<1x1024xi32>
    %or3A_180 = arith.ori %select_n3A_177, %or3A_179 : vector<1x1024xi32>
    %lt3A_181 = vector.broadcast %or3A_180 : vector<1x1024xi32> to vector<32x1024xi32>
    %lt3A_182 = arith.cmpi slt, %bitcast_convert_type3A, %lt3A_181 : vector<32x1024xi32>
    %convert_element_type3A_183 = arith.extui %lt3A_182 : vector<32x1024xi1> to vector<32x1024xi32>
    %reduce_sum3A_184 = arith.constant dense<0> : vector<1024xi32>
    %reduce_sum3A_185 = vector.multi_reduction <add>, %convert_element_type3A_183, %reduce_sum3A_184 [0] : vector<32x1024xi32> to vector<1024xi32>
    %broadcast_in_dim3A_186 = vector.shape_cast %reduce_sum3A_185 : vector<1024xi32> to vector<1x1024xi32>
    %lt3A_187 = arith.constant 17 : i32
    %lt3A_188 = vector.broadcast %lt3A_187 : i32 to vector<1x1024xi32>
    %lt3A_189 = arith.cmpi slt, %broadcast_in_dim3A_186, %lt3A_188 : vector<1x1024xi32>
    %select_n3A_190 = arith.select %lt3A_189, %or3A_180, %select_n3A_177 : vector<1x1024xi1>, vector<1x1024xi32>
    %or3A_191 = arith.constant 65536 : i32
    %or3A_192 = vector.broadcast %or3A_191 : i32 to vector<1x1024xi32>
    %or3A_193 = arith.ori %select_n3A_190, %or3A_192 : vector<1x1024xi32>
    %lt3A_194 = vector.broadcast %or3A_193 : vector<1x1024xi32> to vector<32x1024xi32>
    %lt3A_195 = arith.cmpi slt, %bitcast_convert_type3A, %lt3A_194 : vector<32x1024xi32>
    %convert_element_type3A_196 = arith.extui %lt3A_195 : vector<32x1024xi1> to vector<32x1024xi32>
    %reduce_sum3A_197 = arith.constant dense<0> : vector<1024xi32>
    %reduce_sum3A_198 = vector.multi_reduction <add>, %convert_element_type3A_196, %reduce_sum3A_197 [0] : vector<32x1024xi32> to vector<1024xi32>
    %broadcast_in_dim3A_199 = vector.shape_cast %reduce_sum3A_198 : vector<1024xi32> to vector<1x1024xi32>
    %lt3A_200 = arith.constant 17 : i32
    %lt3A_201 = vector.broadcast %lt3A_200 : i32 to vector<1x1024xi32>
    %lt3A_202 = arith.cmpi slt, %broadcast_in_dim3A_199, %lt3A_201 : vector<1x1024xi32>
    %select_n3A_203 = arith.select %lt3A_202, %or3A_193, %select_n3A_190 : vector<1x1024xi1>, vector<1x1024xi32>
    %or3A_204 = arith.constant 32768 : i32
    %or3A_205 = vector.broadcast %or3A_204 : i32 to vector<1x1024xi32>
    %or3A_206 = arith.ori %select_n3A_203, %or3A_205 : vector<1x1024xi32>
    %lt3A_207 = vector.broadcast %or3A_206 : vector<1x1024xi32> to vector<32x1024xi32>
    %lt3A_208 = arith.cmpi slt, %bitcast_convert_type3A, %lt3A_207 : vector<32x1024xi32>
    %convert_element_type3A_209 = arith.extui %lt3A_208 : vector<32x1024xi1> to vector<32x1024xi32>
    %reduce_sum3A_210 = arith.constant dense<0> : vector<1024xi32>
    %reduce_sum3A_211 = vector.multi_reduction <add>, %convert_element_type3A_209, %reduce_sum3A_210 [0] : vector<32x1024xi32> to vector<1024xi32>
    %broadcast_in_dim3A_212 = vector.shape_cast %reduce_sum3A_211 : vector<1024xi32> to vector<1x1024xi32>
    %lt3A_213 = arith.constant 17 : i32
    %lt3A_214 = vector.broadcast %lt3A_213 : i32 to vector<1x1024xi32>
    %lt3A_215 = arith.cmpi slt, %broadcast_in_dim3A_212, %lt3A_214 : vector<1x1024xi32>
    %select_n3A_216 = arith.select %lt3A_215, %or3A_206, %select_n3A_203 : vector<1x1024xi1>, vector<1x1024xi32>
    %or3A_217 = arith.constant 16384 : i32
    %or3A_218 = vector.broadcast %or3A_217 : i32 to vector<1x1024xi32>
    %or3A_219 = arith.ori %select_n3A_216, %or3A_218 : vector<1x1024xi32>
    %lt3A_220 = vector.broadcast %or3A_219 : vector<1x1024xi32> to vector<32x1024xi32>
    %lt3A_221 = arith.cmpi slt, %bitcast_convert_type3A, %lt3A_220 : vector<32x1024xi32>
    %convert_element_type3A_222 = arith.extui %lt3A_221 : vector<32x1024xi1> to vector<32x1024xi32>
    %reduce_sum3A_223 = arith.constant dense<0> : vector<1024xi32>
    %reduce_sum3A_224 = vector.multi_reduction <add>, %convert_element_type3A_222, %reduce_sum3A_223 [0] : vector<32x1024xi32> to vector<1024xi32>
    %broadcast_in_dim3A_225 = vector.shape_cast %reduce_sum3A_224 : vector<1024xi32> to vector<1x1024xi32>
    %lt3A_226 = arith.constant 17 : i32
    %lt3A_227 = vector.broadcast %lt3A_226 : i32 to vector<1x1024xi32>
    %lt3A_228 = arith.cmpi slt, %broadcast_in_dim3A_225, %lt3A_227 : vector<1x1024xi32>
    %select_n3A_229 = arith.select %lt3A_228, %or3A_219, %select_n3A_216 : vector<1x1024xi1>, vector<1x1024xi32>
    %or3A_230 = arith.constant 8192 : i32
    %or3A_231 = vector.broadcast %or3A_230 : i32 to vector<1x1024xi32>
    %or3A_232 = arith.ori %select_n3A_229, %or3A_231 : vector<1x1024xi32>
    %lt3A_233 = vector.broadcast %or3A_232 : vector<1x1024xi32> to vector<32x1024xi32>
    %lt3A_234 = arith.cmpi slt, %bitcast_convert_type3A, %lt3A_233 : vector<32x1024xi32>
    %convert_element_type3A_235 = arith.extui %lt3A_234 : vector<32x1024xi1> to vector<32x1024xi32>
    %reduce_sum3A_236 = arith.constant dense<0> : vector<1024xi32>
    %reduce_sum3A_237 = vector.multi_reduction <add>, %convert_element_type3A_235, %reduce_sum3A_236 [0] : vector<32x1024xi32> to vector<1024xi32>
    %broadcast_in_dim3A_238 = vector.shape_cast %reduce_sum3A_237 : vector<1024xi32> to vector<1x1024xi32>
    %lt3A_239 = arith.constant 17 : i32
    %lt3A_240 = vector.broadcast %lt3A_239 : i32 to vector<1x1024xi32>
    %lt3A_241 = arith.cmpi slt, %broadcast_in_dim3A_238, %lt3A_240 : vector<1x1024xi32>
    %select_n3A_242 = arith.select %lt3A_241, %or3A_232, %select_n3A_229 : vector<1x1024xi1>, vector<1x1024xi32>
    %or3A_243 = arith.constant 4096 : i32
    %or3A_244 = vector.broadcast %or3A_243 : i32 to vector<1x1024xi32>
    %or3A_245 = arith.ori %select_n3A_242, %or3A_244 : vector<1x1024xi32>
    %lt3A_246 = vector.broadcast %or3A_245 : vector<1x1024xi32> to vector<32x1024xi32>
    %lt3A_247 = arith.cmpi slt, %bitcast_convert_type3A, %lt3A_246 : vector<32x1024xi32>
    %convert_element_type3A_248 = arith.extui %lt3A_247 : vector<32x1024xi1> to vector<32x1024xi32>
    %reduce_sum3A_249 = arith.constant dense<0> : vector<1024xi32>
    %reduce_sum3A_250 = vector.multi_reduction <add>, %convert_element_type3A_248, %reduce_sum3A_249 [0] : vector<32x1024xi32> to vector<1024xi32>
    %broadcast_in_dim3A_251 = vector.shape_cast %reduce_sum3A_250 : vector<1024xi32> to vector<1x1024xi32>
    %lt3A_252 = arith.constant 17 : i32
    %lt3A_253 = vector.broadcast %lt3A_252 : i32 to vector<1x1024xi32>
    %lt3A_254 = arith.cmpi slt, %broadcast_in_dim3A_251, %lt3A_253 : vector<1x1024xi32>
    %select_n3A_255 = arith.select %lt3A_254, %or3A_245, %select_n3A_242 : vector<1x1024xi1>, vector<1x1024xi32>
    %or3A_256 = arith.constant 2048 : i32
    %or3A_257 = vector.broadcast %or3A_256 : i32 to vector<1x1024xi32>
    %or3A_258 = arith.ori %select_n3A_255, %or3A_257 : vector<1x1024xi32>
    %lt3A_259 = vector.broadcast %or3A_258 : vector<1x1024xi32> to vector<32x1024xi32>
    %lt3A_260 = arith.cmpi slt, %bitcast_convert_type3A, %lt3A_259 : vector<32x1024xi32>
    %convert_element_type3A_261 = arith.extui %lt3A_260 : vector<32x1024xi1> to vector<32x1024xi32>
    %reduce_sum3A_262 = arith.constant dense<0> : vector<1024xi32>
    %reduce_sum3A_263 = vector.multi_reduction <add>, %convert_element_type3A_261, %reduce_sum3A_262 [0] : vector<32x1024xi32> to vector<1024xi32>
    %broadcast_in_dim3A_264 = vector.shape_cast %reduce_sum3A_263 : vector<1024xi32> to vector<1x1024xi32>
    %lt3A_265 = arith.constant 17 : i32
    %lt3A_266 = vector.broadcast %lt3A_265 : i32 to vector<1x1024xi32>
    %lt3A_267 = arith.cmpi slt, %broadcast_in_dim3A_264, %lt3A_266 : vector<1x1024xi32>
    %select_n3A_268 = arith.select %lt3A_267, %or3A_258, %select_n3A_255 : vector<1x1024xi1>, vector<1x1024xi32>
    %or3A_269 = arith.constant 1024 : i32
    %or3A_270 = vector.broadcast %or3A_269 : i32 to vector<1x1024xi32>
    %or3A_271 = arith.ori %select_n3A_268, %or3A_270 : vector<1x1024xi32>
    %lt3A_272 = vector.broadcast %or3A_271 : vector<1x1024xi32> to vector<32x1024xi32>
    %lt3A_273 = arith.cmpi slt, %bitcast_convert_type3A, %lt3A_272 : vector<32x1024xi32>
    %convert_element_type3A_274 = arith.extui %lt3A_273 : vector<32x1024xi1> to vector<32x1024xi32>
    %reduce_sum3A_275 = arith.constant dense<0> : vector<1024xi32>
    %reduce_sum3A_276 = vector.multi_reduction <add>, %convert_element_type3A_274, %reduce_sum3A_275 [0] : vector<32x1024xi32> to vector<1024xi32>
    %broadcast_in_dim3A_277 = vector.shape_cast %reduce_sum3A_276 : vector<1024xi32> to vector<1x1024xi32>
    %lt3A_278 = arith.constant 17 : i32
    %lt3A_279 = vector.broadcast %lt3A_278 : i32 to vector<1x1024xi32>
    %lt3A_280 = arith.cmpi slt, %broadcast_in_dim3A_277, %lt3A_279 : vector<1x1024xi32>
    %select_n3A_281 = arith.select %lt3A_280, %or3A_271, %select_n3A_268 : vector<1x1024xi1>, vector<1x1024xi32>
    %or3A_282 = arith.constant 512 : i32
    %or3A_283 = vector.broadcast %or3A_282 : i32 to vector<1x1024xi32>
    %or3A_284 = arith.ori %select_n3A_281, %or3A_283 : vector<1x1024xi32>
    %lt3A_285 = vector.broadcast %or3A_284 : vector<1x1024xi32> to vector<32x1024xi32>
    %lt3A_286 = arith.cmpi slt, %bitcast_convert_type3A, %lt3A_285 : vector<32x1024xi32>
    %convert_element_type3A_287 = arith.extui %lt3A_286 : vector<32x1024xi1> to vector<32x1024xi32>
    %reduce_sum3A_288 = arith.constant dense<0> : vector<1024xi32>
    %reduce_sum3A_289 = vector.multi_reduction <add>, %convert_element_type3A_287, %reduce_sum3A_288 [0] : vector<32x1024xi32> to vector<1024xi32>
    %broadcast_in_dim3A_290 = vector.shape_cast %reduce_sum3A_289 : vector<1024xi32> to vector<1x1024xi32>
    %lt3A_291 = arith.constant 17 : i32
    %lt3A_292 = vector.broadcast %lt3A_291 : i32 to vector<1x1024xi32>
    %lt3A_293 = arith.cmpi slt, %broadcast_in_dim3A_290, %lt3A_292 : vector<1x1024xi32>
    %select_n3A_294 = arith.select %lt3A_293, %or3A_284, %select_n3A_281 : vector<1x1024xi1>, vector<1x1024xi32>
    %or3A_295 = arith.constant 256 : i32
    %or3A_296 = vector.broadcast %or3A_295 : i32 to vector<1x1024xi32>
    %or3A_297 = arith.ori %select_n3A_294, %or3A_296 : vector<1x1024xi32>
    %lt3A_298 = vector.broadcast %or3A_297 : vector<1x1024xi32> to vector<32x1024xi32>
    %lt3A_299 = arith.cmpi slt, %bitcast_convert_type3A, %lt3A_298 : vector<32x1024xi32>
    %convert_element_type3A_300 = arith.extui %lt3A_299 : vector<32x1024xi1> to vector<32x1024xi32>
    %reduce_sum3A_301 = arith.constant dense<0> : vector<1024xi32>
    %reduce_sum3A_302 = vector.multi_reduction <add>, %convert_element_type3A_300, %reduce_sum3A_301 [0] : vector<32x1024xi32> to vector<1024xi32>
    %broadcast_in_dim3A_303 = vector.shape_cast %reduce_sum3A_302 : vector<1024xi32> to vector<1x1024xi32>
    %lt3A_304 = arith.constant 17 : i32
    %lt3A_305 = vector.broadcast %lt3A_304 : i32 to vector<1x1024xi32>
    %lt3A_306 = arith.cmpi slt, %broadcast_in_dim3A_303, %lt3A_305 : vector<1x1024xi32>
    %select_n3A_307 = arith.select %lt3A_306, %or3A_297, %select_n3A_294 : vector<1x1024xi1>, vector<1x1024xi32>
    %or3A_308 = arith.constant 128 : i32
    %or3A_309 = vector.broadcast %or3A_308 : i32 to vector<1x1024xi32>
    %or3A_310 = arith.ori %select_n3A_307, %or3A_309 : vector<1x1024xi32>
    %lt3A_311 = vector.broadcast %or3A_310 : vector<1x1024xi32> to vector<32x1024xi32>
    %lt3A_312 = arith.cmpi slt, %bitcast_convert_type3A, %lt3A_311 : vector<32x1024xi32>
    %convert_element_type3A_313 = arith.extui %lt3A_312 : vector<32x1024xi1> to vector<32x1024xi32>
    %reduce_sum3A_314 = arith.constant dense<0> : vector<1024xi32>
    %reduce_sum3A_315 = vector.multi_reduction <add>, %convert_element_type3A_313, %reduce_sum3A_314 [0] : vector<32x1024xi32> to vector<1024xi32>
    %broadcast_in_dim3A_316 = vector.shape_cast %reduce_sum3A_315 : vector<1024xi32> to vector<1x1024xi32>
    %lt3A_317 = arith.constant 17 : i32
    %lt3A_318 = vector.broadcast %lt3A_317 : i32 to vector<1x1024xi32>
    %lt3A_319 = arith.cmpi slt, %broadcast_in_dim3A_316, %lt3A_318 : vector<1x1024xi32>
    %select_n3A_320 = arith.select %lt3A_319, %or3A_310, %select_n3A_307 : vector<1x1024xi1>, vector<1x1024xi32>
    %or3A_321 = arith.constant 64 : i32
    %or3A_322 = vector.broadcast %or3A_321 : i32 to vector<1x1024xi32>
    %or3A_323 = arith.ori %select_n3A_320, %or3A_322 : vector<1x1024xi32>
    %lt3A_324 = vector.broadcast %or3A_323 : vector<1x1024xi32> to vector<32x1024xi32>
    %lt3A_325 = arith.cmpi slt, %bitcast_convert_type3A, %lt3A_324 : vector<32x1024xi32>
    %convert_element_type3A_326 = arith.extui %lt3A_325 : vector<32x1024xi1> to vector<32x1024xi32>
    %reduce_sum3A_327 = arith.constant dense<0> : vector<1024xi32>
    %reduce_sum3A_328 = vector.multi_reduction <add>, %convert_element_type3A_326, %reduce_sum3A_327 [0] : vector<32x1024xi32> to vector<1024xi32>
    %broadcast_in_dim3A_329 = vector.shape_cast %reduce_sum3A_328 : vector<1024xi32> to vector<1x1024xi32>
    %lt3A_330 = arith.constant 17 : i32
    %lt3A_331 = vector.broadcast %lt3A_330 : i32 to vector<1x1024xi32>
    %lt3A_332 = arith.cmpi slt, %broadcast_in_dim3A_329, %lt3A_331 : vector<1x1024xi32>
    %select_n3A_333 = arith.select %lt3A_332, %or3A_323, %select_n3A_320 : vector<1x1024xi1>, vector<1x1024xi32>
    %or3A_334 = arith.constant 32 : i32
    %or3A_335 = vector.broadcast %or3A_334 : i32 to vector<1x1024xi32>
    %or3A_336 = arith.ori %select_n3A_333, %or3A_335 : vector<1x1024xi32>
    %lt3A_337 = vector.broadcast %or3A_336 : vector<1x1024xi32> to vector<32x1024xi32>
    %lt3A_338 = arith.cmpi slt, %bitcast_convert_type3A, %lt3A_337 : vector<32x1024xi32>
    %convert_element_type3A_339 = arith.extui %lt3A_338 : vector<32x1024xi1> to vector<32x1024xi32>
    %reduce_sum3A_340 = arith.constant dense<0> : vector<1024xi32>
    %reduce_sum3A_341 = vector.multi_reduction <add>, %convert_element_type3A_339, %reduce_sum3A_340 [0] : vector<32x1024xi32> to vector<1024xi32>
    %broadcast_in_dim3A_342 = vector.shape_cast %reduce_sum3A_341 : vector<1024xi32> to vector<1x1024xi32>
    %lt3A_343 = arith.constant 17 : i32
    %lt3A_344 = vector.broadcast %lt3A_343 : i32 to vector<1x1024xi32>
    %lt3A_345 = arith.cmpi slt, %broadcast_in_dim3A_342, %lt3A_344 : vector<1x1024xi32>
    %select_n3A_346 = arith.select %lt3A_345, %or3A_336, %select_n3A_333 : vector<1x1024xi1>, vector<1x1024xi32>
    %or3A_347 = arith.constant 16 : i32
    %or3A_348 = vector.broadcast %or3A_347 : i32 to vector<1x1024xi32>
    %or3A_349 = arith.ori %select_n3A_346, %or3A_348 : vector<1x1024xi32>
    %lt3A_350 = vector.broadcast %or3A_349 : vector<1x1024xi32> to vector<32x1024xi32>
    %lt3A_351 = arith.cmpi slt, %bitcast_convert_type3A, %lt3A_350 : vector<32x1024xi32>
    %convert_element_type3A_352 = arith.extui %lt3A_351 : vector<32x1024xi1> to vector<32x1024xi32>
    %reduce_sum3A_353 = arith.constant dense<0> : vector<1024xi32>
    %reduce_sum3A_354 = vector.multi_reduction <add>, %convert_element_type3A_352, %reduce_sum3A_353 [0] : vector<32x1024xi32> to vector<1024xi32>
    %broadcast_in_dim3A_355 = vector.shape_cast %reduce_sum3A_354 : vector<1024xi32> to vector<1x1024xi32>
    %lt3A_356 = arith.constant 17 : i32
    %lt3A_357 = vector.broadcast %lt3A_356 : i32 to vector<1x1024xi32>
    %lt3A_358 = arith.cmpi slt, %broadcast_in_dim3A_355, %lt3A_357 : vector<1x1024xi32>
    %select_n3A_359 = arith.select %lt3A_358, %or3A_349, %select_n3A_346 : vector<1x1024xi1>, vector<1x1024xi32>
    %or3A_360 = arith.constant 8 : i32
    %or3A_361 = vector.broadcast %or3A_360 : i32 to vector<1x1024xi32>
    %or3A_362 = arith.ori %select_n3A_359, %or3A_361 : vector<1x1024xi32>
    %lt3A_363 = vector.broadcast %or3A_362 : vector<1x1024xi32> to vector<32x1024xi32>
    %lt3A_364 = arith.cmpi slt, %bitcast_convert_type3A, %lt3A_363 : vector<32x1024xi32>
    %convert_element_type3A_365 = arith.extui %lt3A_364 : vector<32x1024xi1> to vector<32x1024xi32>
    %reduce_sum3A_366 = arith.constant dense<0> : vector<1024xi32>
    %reduce_sum3A_367 = vector.multi_reduction <add>, %convert_element_type3A_365, %reduce_sum3A_366 [0] : vector<32x1024xi32> to vector<1024xi32>
    %broadcast_in_dim3A_368 = vector.shape_cast %reduce_sum3A_367 : vector<1024xi32> to vector<1x1024xi32>
    %lt3A_369 = arith.constant 17 : i32
    %lt3A_370 = vector.broadcast %lt3A_369 : i32 to vector<1x1024xi32>
    %lt3A_371 = arith.cmpi slt, %broadcast_in_dim3A_368, %lt3A_370 : vector<1x1024xi32>
    %select_n3A_372 = arith.select %lt3A_371, %or3A_362, %select_n3A_359 : vector<1x1024xi1>, vector<1x1024xi32>
    %or3A_373 = arith.constant 4 : i32
    %or3A_374 = vector.broadcast %or3A_373 : i32 to vector<1x1024xi32>
    %or3A_375 = arith.ori %select_n3A_372, %or3A_374 : vector<1x1024xi32>
    %lt3A_376 = vector.broadcast %or3A_375 : vector<1x1024xi32> to vector<32x1024xi32>
    %lt3A_377 = arith.cmpi slt, %bitcast_convert_type3A, %lt3A_376 : vector<32x1024xi32>
    %convert_element_type3A_378 = arith.extui %lt3A_377 : vector<32x1024xi1> to vector<32x1024xi32>
    %reduce_sum3A_379 = arith.constant dense<0> : vector<1024xi32>
    %reduce_sum3A_380 = vector.multi_reduction <add>, %convert_element_type3A_378, %reduce_sum3A_379 [0] : vector<32x1024xi32> to vector<1024xi32>
    %broadcast_in_dim3A_381 = vector.shape_cast %reduce_sum3A_380 : vector<1024xi32> to vector<1x1024xi32>
    %lt3A_382 = arith.constant 17 : i32
    %lt3A_383 = vector.broadcast %lt3A_382 : i32 to vector<1x1024xi32>
    %lt3A_384 = arith.cmpi slt, %broadcast_in_dim3A_381, %lt3A_383 : vector<1x1024xi32>
    %select_n3A_385 = arith.select %lt3A_384, %or3A_375, %select_n3A_372 : vector<1x1024xi1>, vector<1x1024xi32>
    %or3A_386 = arith.constant 2 : i32
    %or3A_387 = vector.broadcast %or3A_386 : i32 to vector<1x1024xi32>
    %or3A_388 = arith.ori %select_n3A_385, %or3A_387 : vector<1x1024xi32>
    %lt3A_389 = vector.broadcast %or3A_388 : vector<1x1024xi32> to vector<32x1024xi32>
    %lt3A_390 = arith.cmpi slt, %bitcast_convert_type3A, %lt3A_389 : vector<32x1024xi32>
    %convert_element_type3A_391 = arith.extui %lt3A_390 : vector<32x1024xi1> to vector<32x1024xi32>
    %reduce_sum3A_392 = arith.constant dense<0> : vector<1024xi32>
    %reduce_sum3A_393 = vector.multi_reduction <add>, %convert_element_type3A_391, %reduce_sum3A_392 [0] : vector<32x1024xi32> to vector<1024xi32>
    %broadcast_in_dim3A_394 = vector.shape_cast %reduce_sum3A_393 : vector<1024xi32> to vector<1x1024xi32>
    %lt3A_395 = arith.constant 17 : i32
    %lt3A_396 = vector.broadcast %lt3A_395 : i32 to vector<1x1024xi32>
    %lt3A_397 = arith.cmpi slt, %broadcast_in_dim3A_394, %lt3A_396 : vector<1x1024xi32>
    %select_n3A_398 = arith.select %lt3A_397, %or3A_388, %select_n3A_385 : vector<1x1024xi1>, vector<1x1024xi32>
    %or3A_399 = arith.constant 1 : i32
    %or3A_400 = vector.broadcast %or3A_399 : i32 to vector<1x1024xi32>
    %or3A_401 = arith.ori %select_n3A_398, %or3A_400 : vector<1x1024xi32>
    %lt3A_402 = vector.broadcast %or3A_401 : vector<1x1024xi32> to vector<32x1024xi32>
    %lt3A_403 = arith.cmpi slt, %bitcast_convert_type3A, %lt3A_402 : vector<32x1024xi32>
    %convert_element_type3A_404 = arith.extui %lt3A_403 : vector<32x1024xi1> to vector<32x1024xi32>
    %reduce_sum3A_405 = arith.constant dense<0> : vector<1024xi32>
    %reduce_sum3A_406 = vector.multi_reduction <add>, %convert_element_type3A_404, %reduce_sum3A_405 [0] : vector<32x1024xi32> to vector<1024xi32>
    %broadcast_in_dim3A_407 = vector.shape_cast %reduce_sum3A_406 : vector<1024xi32> to vector<1x1024xi32>
    %lt3A_408 = arith.constant 17 : i32
    %lt3A_409 = vector.broadcast %lt3A_408 : i32 to vector<1x1024xi32>
    %lt3A_410 = arith.cmpi slt, %broadcast_in_dim3A_407, %lt3A_409 : vector<1x1024xi32>
    %select_n3A_411 = arith.select %lt3A_410, %or3A_401, %select_n3A_398 : vector<1x1024xi1>, vector<1x1024xi32>
    %lt3A_412 = vector.broadcast %select_n3A_411 : vector<1x1024xi32> to vector<32x1024xi32>
    %lt3A_413 = arith.cmpi slt, %bitcast_convert_type3A, %lt3A_412 : vector<32x1024xi32>
    %convert_element_type3A_414 = arith.extui %lt3A_413 : vector<32x1024xi1> to vector<32x1024xi32>
    %reduce_sum3A_415 = arith.constant dense<0> : vector<1024xi32>
    %reduce_sum3A_416 = vector.multi_reduction <add>, %convert_element_type3A_414, %reduce_sum3A_415 [0] : vector<32x1024xi32> to vector<1024xi32>
    %broadcast_in_dim3A_417 = vector.shape_cast %reduce_sum3A_416 : vector<1024xi32> to vector<1x1024xi32>
    %sub3A_418 = arith.constant 17 : i32
    %sub3A_419 = vector.broadcast %sub3A_418 : i32 to vector<1x1024xi32>
    %sub3A_420 = arith.subi %sub3A_419, %broadcast_in_dim3A_417 : vector<1x1024xi32>
    %eq3A = vector.broadcast %select_n3A_411 : vector<1x1024xi32> to vector<32x1024xi32>
    %eq3A_421 = arith.cmpi eq, %bitcast_convert_type3A, %eq3A : vector<32x1024xi32>
    %iota3A = tpu.iota {dimensions = array<i32: 0>} : vector<32x1024xi32>
    %broadcast_in_dim3A_422 = arith.constant 0 : i32
    %broadcast_in_dim3A_423 = vector.broadcast %broadcast_in_dim3A_422 : i32 to vector<1x1024xi32>
    %or3A_424 = arith.constant 16 : i32
    %or3A_425 = vector.broadcast %or3A_424 : i32 to vector<1x1024xi32>
    %or3A_426 = arith.ori %broadcast_in_dim3A_423, %or3A_425 : vector<1x1024xi32>
    %lt3A_427 = vector.broadcast %or3A_426 : vector<1x1024xi32> to vector<32x1024xi32>
    %lt3A_428 = arith.cmpi slt, %iota3A, %lt3A_427 : vector<32x1024xi32>
    %and3A = arith.andi %eq3A_421, %lt3A_428 : vector<32x1024xi1>
    %convert_element_type3A_429 = arith.extui %and3A : vector<32x1024xi1> to vector<32x1024xi32>
    %reduce_sum3A_430 = arith.constant dense<0> : vector<1024xi32>
    %reduce_sum3A_431 = vector.multi_reduction <add>, %convert_element_type3A_429, %reduce_sum3A_430 [0] : vector<32x1024xi32> to vector<1024xi32>
    %broadcast_in_dim3A_432 = vector.shape_cast %reduce_sum3A_431 : vector<1024xi32> to vector<1x1024xi32>
    %lt3A_433 = arith.cmpi slt, %broadcast_in_dim3A_432, %sub3A_420 : vector<1x1024xi32>
    %select_n3A_434 = arith.select %lt3A_433, %or3A_426, %broadcast_in_dim3A_423 : vector<1x1024xi1>, vector<1x1024xi32>
    %or3A_435 = arith.constant 8 : i32
    %or3A_436 = vector.broadcast %or3A_435 : i32 to vector<1x1024xi32>
    %or3A_437 = arith.ori %select_n3A_434, %or3A_436 : vector<1x1024xi32>
    %lt3A_438 = vector.broadcast %or3A_437 : vector<1x1024xi32> to vector<32x1024xi32>
    %lt3A_439 = arith.cmpi slt, %iota3A, %lt3A_438 : vector<32x1024xi32>
    %and3A_440 = arith.andi %eq3A_421, %lt3A_439 : vector<32x1024xi1>
    %convert_element_type3A_441 = arith.extui %and3A_440 : vector<32x1024xi1> to vector<32x1024xi32>
    %reduce_sum3A_442 = arith.constant dense<0> : vector<1024xi32>
    %reduce_sum3A_443 = vector.multi_reduction <add>, %convert_element_type3A_441, %reduce_sum3A_442 [0] : vector<32x1024xi32> to vector<1024xi32>
    %broadcast_in_dim3A_444 = vector.shape_cast %reduce_sum3A_443 : vector<1024xi32> to vector<1x1024xi32>
    %lt3A_445 = arith.cmpi slt, %broadcast_in_dim3A_444, %sub3A_420 : vector<1x1024xi32>
    %select_n3A_446 = arith.select %lt3A_445, %or3A_437, %select_n3A_434 : vector<1x1024xi1>, vector<1x1024xi32>
    %or3A_447 = arith.constant 4 : i32
    %or3A_448 = vector.broadcast %or3A_447 : i32 to vector<1x1024xi32>
    %or3A_449 = arith.ori %select_n3A_446, %or3A_448 : vector<1x1024xi32>
    %lt3A_450 = vector.broadcast %or3A_449 : vector<1x1024xi32> to vector<32x1024xi32>
    %lt3A_451 = arith.cmpi slt, %iota3A, %lt3A_450 : vector<32x1024xi32>
    %and3A_452 = arith.andi %eq3A_421, %lt3A_451 : vector<32x1024xi1>
    %convert_element_type3A_453 = arith.extui %and3A_452 : vector<32x1024xi1> to vector<32x1024xi32>
    %reduce_sum3A_454 = arith.constant dense<0> : vector<1024xi32>
    %reduce_sum3A_455 = vector.multi_reduction <add>, %convert_element_type3A_453, %reduce_sum3A_454 [0] : vector<32x1024xi32> to vector<1024xi32>
    %broadcast_in_dim3A_456 = vector.shape_cast %reduce_sum3A_455 : vector<1024xi32> to vector<1x1024xi32>
    %lt3A_457 = arith.cmpi slt, %broadcast_in_dim3A_456, %sub3A_420 : vector<1x1024xi32>
    %select_n3A_458 = arith.select %lt3A_457, %or3A_449, %select_n3A_446 : vector<1x1024xi1>, vector<1x1024xi32>
    %or3A_459 = arith.constant 2 : i32
    %or3A_460 = vector.broadcast %or3A_459 : i32 to vector<1x1024xi32>
    %or3A_461 = arith.ori %select_n3A_458, %or3A_460 : vector<1x1024xi32>
    %lt3A_462 = vector.broadcast %or3A_461 : vector<1x1024xi32> to vector<32x1024xi32>
    %lt3A_463 = arith.cmpi slt, %iota3A, %lt3A_462 : vector<32x1024xi32>
    %and3A_464 = arith.andi %eq3A_421, %lt3A_463 : vector<32x1024xi1>
    %convert_element_type3A_465 = arith.extui %and3A_464 : vector<32x1024xi1> to vector<32x1024xi32>
    %reduce_sum3A_466 = arith.constant dense<0> : vector<1024xi32>
    %reduce_sum3A_467 = vector.multi_reduction <add>, %convert_element_type3A_465, %reduce_sum3A_466 [0] : vector<32x1024xi32> to vector<1024xi32>
    %broadcast_in_dim3A_468 = vector.shape_cast %reduce_sum3A_467 : vector<1024xi32> to vector<1x1024xi32>
    %lt3A_469 = arith.cmpi slt, %broadcast_in_dim3A_468, %sub3A_420 : vector<1x1024xi32>
    %select_n3A_470 = arith.select %lt3A_469, %or3A_461, %select_n3A_458 : vector<1x1024xi1>, vector<1x1024xi32>
    %or3A_471 = arith.constant 1 : i32
    %or3A_472 = vector.broadcast %or3A_471 : i32 to vector<1x1024xi32>
    %or3A_473 = arith.ori %select_n3A_470, %or3A_472 : vector<1x1024xi32>
    %lt3A_474 = vector.broadcast %or3A_473 : vector<1x1024xi32> to vector<32x1024xi32>
    %lt3A_475 = arith.cmpi slt, %iota3A, %lt3A_474 : vector<32x1024xi32>
    %and3A_476 = arith.andi %eq3A_421, %lt3A_475 : vector<32x1024xi1>
    %convert_element_type3A_477 = arith.extui %and3A_476 : vector<32x1024xi1> to vector<32x1024xi32>
    %reduce_sum3A_478 = arith.constant dense<0> : vector<1024xi32>
    %reduce_sum3A_479 = vector.multi_reduction <add>, %convert_element_type3A_477, %reduce_sum3A_478 [0] : vector<32x1024xi32> to vector<1024xi32>
    %broadcast_in_dim3A_480 = vector.shape_cast %reduce_sum3A_479 : vector<1024xi32> to vector<1x1024xi32>
    %lt3A_481 = arith.cmpi slt, %broadcast_in_dim3A_480, %sub3A_420 : vector<1x1024xi32>
    %select_n3A_482 = arith.select %lt3A_481, %or3A_473, %select_n3A_470 : vector<1x1024xi1>, vector<1x1024xi32>
    %lt3A_483 = vector.broadcast %select_n3A_411 : vector<1x1024xi32> to vector<32x1024xi32>
    %lt3A_484 = arith.cmpi slt, %bitcast_convert_type3A, %lt3A_483 : vector<32x1024xi32>
    %le3A = vector.broadcast %select_n3A_482 : vector<1x1024xi32> to vector<32x1024xi32>
    %le3A_485 = arith.cmpi sle, %iota3A, %le3A : vector<32x1024xi32>
    %and3A_486 = arith.andi %eq3A_421, %le3A_485 : vector<32x1024xi1>
    %or3A_487 = arith.ori %lt3A_484, %and3A_486 : vector<32x1024xi1>
    %get3A_488 = arith.constant 0 : index
    %get3A_489 = arith.constant 0 : index
    %get3A_490 = vector.load %arg5[%get3A_488, %get3A_489] : memref<1024x128xf32, #tpu.memory_space<vmem>>, vector<32x128xf32>
    %convert_element_type3A_491 = arith.extui %or3A_487 : vector<32x1024xi1> to vector<32x1024xi32>
    %convert_element_type3A_492 = arith.sitofp %convert_element_type3A_491 : vector<32x1024xi32> to vector<32x1024xf32>
    %dot_general3A_493 = arith.constant dense<0.000000e+00> : vector<1024x128xf32>
    %dot_general3A_494 = tpu.matmul %convert_element_type3A_492, %get3A_490, %dot_general3A_493 {dimension_numbers = #tpu.dot_dimension_numbers<[0], [0], [1], [1], [0, 1, 1, 1], [], []>, transpose_lhs_hint = false} : vector<32x1024xf32>, vector<32x128xf32>, vector<1024x128xf32> -> vector<1024x128xf32>
    %get3A_495 = arith.constant 0 : index
    %get3A_496 = arith.constant 0 : index
    %get3A_497 = vector.load %arg2[%get3A_495, %get3A_496] : memref<1024x1xf32, #tpu.memory_space<vmem>>, vector<1024x1xf32>
    %eq3A_498 = arith.constant 1.000000e+00 : f32
    %eq3A_499 = vector.broadcast %eq3A_498 : f32 to vector<1024x1xf32>
    %eq3A_500 = arith.cmpf oeq, %get3A_497, %eq3A_499 : vector<1024x1xf32>
    %add3A = arith.addf %dot_general3A_494, %dot_general3A_5 : vector<1024x128xf32>
    %div3A = arith.constant 3.400000e+01 : f32
    %div3A_501 = vector.broadcast %div3A : f32 to vector<1024x128xf32>
    %div3A_502 = arith.divf %add3A, %div3A_501 : vector<1024x128xf32>
    %div3A_503 = arith.constant 1.700000e+01 : f32
    %div3A_504 = vector.broadcast %div3A_503 : f32 to vector<1024x128xf32>
    %div3A_505 = arith.divf %dot_general3A_494, %div3A_504 : vector<1024x128xf32>
    %broadcast_in_dim3A_506 = vector.shape_cast %eq3A_500 : vector<1024x1xi1> to vector<1024x1xi1>
    %broadcast_in_dim3A_507 = vector.broadcast %broadcast_in_dim3A_506 : vector<1024x1xi1> to vector<1024x128xi1>
    %select_n3A_508 = arith.select %broadcast_in_dim3A_507, %div3A_502, %div3A_505 : vector<1024x128xi1>, vector<1024x128xf32>
    %get3A_509 = arith.constant 0 : index
    %get3A_510 = arith.constant 0 : index
    %get3A_511 = vector.load %arg6[%get3A_509, %get3A_510] : memref<128x256xf32, #tpu.memory_space<vmem>>, vector<128x128xf32>
    %get3A_512 = arith.constant 0 : index
    %get3A_513 = arith.constant 128 : index
    %get3A_514 = vector.load %arg6[%get3A_512, %get3A_513] : memref<128x256xf32, #tpu.memory_space<vmem>>, vector<128x128xf32>
    %get3A_515 = arith.constant 0 : index
    %get3A_516 = arith.constant 0 : index
    %get3A_517 = vector.load %arg5[%get3A_515, %get3A_516] : memref<1024x128xf32, #tpu.memory_space<vmem>>, vector<1024x128xf32>
    %dot_general3A_518 = arith.constant dense<0.000000e+00> : vector<1024x128xf32>
    %dot_general3A_519 = tpu.matmul %get3A_517, %get3A_511, %dot_general3A_518 {dimension_numbers = #tpu.dot_dimension_numbers<[1], [1], [0], [0], [0, 0, 1, 0], [], []>, transpose_lhs_hint = false} : vector<1024x128xf32>, vector<128x128xf32>, vector<1024x128xf32> -> vector<1024x128xf32>
    %dot_general3A_520 = arith.constant dense<0.000000e+00> : vector<1024x128xf32>
    %dot_general3A_521 = tpu.matmul %select_n3A_508, %get3A_514, %dot_general3A_520 {dimension_numbers = #tpu.dot_dimension_numbers<[1], [1], [0], [0], [0, 0, 1, 0], [], []>, transpose_lhs_hint = false} : vector<1024x128xf32>, vector<128x128xf32>, vector<1024x128xf32> -> vector<1024x128xf32>
    %add3A_522 = arith.addf %dot_general3A_519, %dot_general3A_521 : vector<1024x128xf32>
    %get3A_523 = arith.constant 0 : index
    %get3A_524 = vector.load %arg7[%get3A_523] : memref<128xf32, #tpu.memory_space<vmem>>, vector<128xf32>
    %reshape3A = vector.shape_cast %get3A_524 : vector<128xf32> to vector<1x128xf32>
    %add3A_525 = vector.broadcast %reshape3A : vector<1x128xf32> to vector<1024x128xf32>
    %add3A_526 = arith.addf %add3A_522, %add3A_525 : vector<1024x128xf32>
    %max3A = arith.constant 0.000000e+00 : f32
    %max3A_527 = vector.broadcast %max3A : f32 to vector<1024x128xf32>
    %max3A_528 = arith.maximumf %add3A_526, %max3A_527 : vector<1024x128xf32>
    %swap3A = arith.constant 0 : index
    %swap3A_529 = arith.constant 0 : index
    %swap3A_530 = vector.load %arg8[%swap3A, %swap3A_529] : memref<1024x128xf32, #tpu.memory_space<vmem>>, vector<1024x128xf32>
    tpu.vector_store %arg8[%swap3A, %swap3A_529], %max3A_528 {strides = array<i32>} : memref<1024x128xf32, #tpu.memory_space<vmem>>, vector<1024x128xf32>,
    return
  }
}

</mosaic_0001>

<sc_bundles>
// kernel: kernel.5.cloned.1.call-start
scs
__scs_entry_jumppad:
0x0: {  	(pc) =	sbr.rel $0x88, $3  }
0x1: {  	(tag) =	ssettag $0x0;
	lr =	simm.s32 $0x1  }
0x2: {  	[smem:$0x3F96] =	sst lr;
	_ =	strace $0xD0000000  }
0x3: {  	_ = 	snop  }
0x4: {  	_ = 	snop  }
0x5: {  	_ = 	snop  }
0x6: {  	_ = 	snop  }
0x7: {  	_ = 	snop  }
__scs_overlays_trampoline_lowered:
0x8: {  	[smem:$0x3FA5] =	sst s0  }
0x9: {  	[smem:$0x3FA6] =	sst s1  }
0xa: {  	[smem:$0x3FA7] =	sst s2  }
0xb: {  	[smem:$0x3FA8] =	sst s3  }
0xc: {  	[smem:$0x3FA9] =	sst s4  }
0xd: {  	[smem:$0x3FAA] =	sst s5  }
0xe: {  	[smem:$0x3FAB] =	sst s6  }
0xf: {  	[smem:$0x3FAC] =	sst s7  }
0x10: {  	[smem:$0x3FAD] =	sst s8  }
0x11: {  	[smem:$0x3FAE] =	sst s9;
	s0 =	simm.s32 @!p0 $0x0  }
0x12: {  	s1 =	sld [smem:$0x3F94];
	s0 =	simm.s32 @p0 $0x1  }
0x13: {  	[smem:$0x3FAF] =	sst s0;
	s0 =	simm.s32 @!p1 $0x0  }
0x14: {  	s2 =	sld [smem:$0x3F93];
	s0 =	simm.s32 @p1 $0x1  }
0x15: {  	[smem:$0x3FB0] =	sst s0;
	s0 =	simm.s32 @!p2 $0x0  }
0x16: {  	s3 =	sld [smem:$0x3FDB];
	s0 =	simm.s32 @p2 $0x1  }
0x17: {  	s4 =	simm.s32 $0x1BF5;
	[smem:$0x3FB2] =	sst s0  }
0x18: {  	s0 =	sld [smem:$0x3F95];
	_ =	swait.ge [sflag:s4], $0x0  }
0x19: {  	s7 =	sld [smem:$0x3F96]  }
0x1a: {  	s8 =	sadd.s32 $0xFFFFE003, lr  }
0x1b: {  	s9 =	sadd.s32 $0xFFFFFEF7, lr;
	s5 =	simm.s32 $0xFFFFFFFF;
	p2 =	slt.u32 s8, $0xFFFFF086  }
0x1c: {  	p1 =	slt.u32 s9, $0xF7A;
	s5 =	simm.s32 @!p2 $0x0  }
0x1d: {  	s5 =	simm.s32 @p1 $0x1;
	p0 =	seq.s32 s7, s2  }
0x1e: {  	s7 =	smul.u32 @!p0 $0xF7A, s2;
	p2 =	seq.s32 @!p0 s5, $0x0  }
0x1f: {  	s9 =	smul.u32 $0xF7A, s1;
	s8 =	simm.s32 @!p0 $0x1BF5;
	p2 =	por !p2, p0  }
0x20: {  	[sflag:s8] =	ssyncset.s32 @!p0 $0xFFFFF086;
	s6 =	sadd.s32 @!p0 s3, s7;
	s7 =	simm.s32 @!p0 $0x108  }
0x21: {  	s3 =	sadd.s32 s3, s9;
	s6 =	sadd.s32 @!p0 $0x88, s6;
	s7 =	simm.s32 @p2 $0x1082  }
0x22: {  	[simem:s7], [sflag:s8] =	dma.local @!p0 [hbm:s6], $0xF7A  }
0x23: {  	s9 =	sor.u32 $0xD0000000, s2;
	s6 =	simm.s32 $0x108;
	_ =	swait.ge @!p0 [sflag:s8], $0x0  }
0x24: {  	s3 =	sadd.s32 $0x88, s3;
	s6 =	simm.s32 @!p1 $0x1082;
	[sflag:s4] =	ssyncset.s32 $0xFFFFF086  }
0x25: {  	[simem:s6], [sflag:s4] =	dma.local [hbm:s3], $0xF7A  }
0x26: {  	[smem:$0x3F96] =	sst s1;
	(tag) =	ssettag s2;
	_ =	strace s9  }
0x27: {  	s1 =	sld [smem:$0x3FA6]  }
0x28: {  	s2 =	sld [smem:$0x3FA7]  }
0x29: {  	s4 =	sld [smem:$0x3FA9]  }
0x2a: {  	p0 =	seq.s32 s5, $0x0;
	s5 =	sld [smem:$0x3FAA]  }
0x2b: {  	s6 =	sld [smem:$0x3FAB]  }
0x2c: {  	s7 =	sld [smem:$0x3FAC]  }
0x2d: {  	s3 =	simm.s32 $0x108;
	s8 =	sld [smem:$0x3FAD]  }
0x2e: {  	s3 =	simm.s32 @!p0 $0x1082;
	s9 =	sld [smem:$0x3FAE]  }
0x2f: {  	lr =	sadd.s32 s0, s3;
	s0 =	sld [smem:$0x3FA5]  }
0x30: {  	s3 =	sld [smem:$0x3FA8]  }
0x31: {  	[smem:$0x3FB1] =	sst s10  }
0x32: {  	s10 =	sld [smem:$0x3FAF];
	_ =	sdelay $0x3  }
0x33: {  	p0 =	seq.s32 s10, $0x1;
	s10 =	sld [smem:$0x3FB1];
	_ =	sdelay $0x3  }
0x34: {  	[smem:$0x3FB1] =	sst s10  }
0x35: {  	s10 =	sld [smem:$0x3FB0];
	_ =	sdelay $0x3  }
0x36: {  	p1 =	seq.s32 s10, $0x1;
	s10 =	sld [smem:$0x3FB1];
	_ =	sdelay $0x3  }
0x37: {  	[smem:$0x3FB1] =	sst s10  }
0x38: {  	s10 =	sld [smem:$0x3FB2]  }
0x39: {  	_ = 	snop;
	(pc) =	sbr.ind lr, $3  }
0x3a: {  	_ = 	snop  }
0x3b: {  	_ = 	snop  }
0x3c: {  	p2 =	seq.s32 s10, $0x1;
	s10 =	sld [smem:$0x3FB1]  }
0x3d: {  	_ =	shalt  }
0x3e: {  	_ =	shalt  }
0x3f: {  	_ =	shalt  }
0x40: {  	_ =	shalt  }
0x41: {  	_ =	shalt  }
0x42: {  	_ =	shalt  }
0x43: {  	_ =	shalt  }
0x44: {  	_ =	shalt  }
0x45: {  	_ =	shalt  }
0x46: {  	_ =	shalt  }
0x47: {  	_ =	shalt  }
0x48: {  	_ =	shalt  }
0x49: {  	_ =	shalt  }
0x4a: {  	_ =	shalt  }
0x4b: {  	_ =	shalt  }
0x4c: {  	_ =	shalt  }
0x4d: {  	_ =	shalt  }
0x4e: {  	_ =	shalt  }
0x4f: {  	_ =	shalt  }
0x50: {  	_ =	shalt  }
0x51: {  	_ =	shalt  }
0x52: {  	_ =	shalt  }
0x53: {  	_ =	shalt  }
0x54: {  	_ =	shalt  }
0x55: {  	_ =	shalt  }
0x56: {  	_ =	shalt  }
0x57: {  	_ =	shalt  }
0x58: {  	_ =	shalt  }
0x59: {  	_ =	shalt  }
0x5a: {  	_ =	shalt  }
0x5b: {  	_ =	shalt  }
0x5c: {  	_ =	shalt  }
0x5d: {  	_ =	shalt  }
0x5e: {  	_ =	shalt  }
0x5f: {  	_ =	shalt  }
0x60: {  	_ =	shalt  }
0x61: {  	_ =	shalt  }
0x62: {  	_ =	shalt  }
0x63: {  	_ =	shalt  }
0x64: {  	_ =	shalt  }
0x65: {  	_ =	shalt  }
0x66: {  	_ =	shalt  }
0x67: {  	_ =	shalt  }
0x68: {  	_ =	shalt  }
0x69: {  	_ =	shalt  }
0x6a: {  	_ =	shalt  }
0x6b: {  	_ =	shalt  }
0x6c: {  	_ =	shalt  }
0x6d: {  	_ =	shalt  }
0x6e: {  	_ =	shalt  }
0x6f: {  	_ =	shalt  }
0x70: {  	_ =	shalt  }
0x71: {  	_ =	shalt  }
0x72: {  	_ =	shalt  }
0x73: {  	_ =	shalt  }
0x74: {  	_ =	shalt  }
0x75: {  	_ =	shalt  }
0x76: {  	_ =	shalt  }
0x77: {  	_ =	shalt  }
0x78: {  	_ =	shalt  }
0x79: {  	_ =	shalt  }
0x7a: {  	_ =	shalt  }
0x7b: {  	_ =	shalt  }
0x7c: {  	_ =	shalt  }
0x7d: {  	_ =	shalt  }
0x7e: {  	_ =	shalt  }
0x7f: {  	_ =	shalt  }
0x80: {  	_ =	shalt  }
0x81: {  	_ =	shalt  }
0x82: {  	_ =	shalt  }
0x83: {  	_ =	shalt  }
0x84: {  	_ =	shalt  }
0x85: {  	_ =	shalt  }
0x86: {  	_ =	shalt  }
0x87: {  	_ =	shalt  }
.Lfunc_end0:
.L_simem_size_0:
called_computation_lowered:
.L_overlay_start_0:
0x88: {  	s2 =	sld [smem:$0x3FD9]  }
0x89: {  	s3 =	sld [smem:$0x3FFE];
	_ =	sdelay $0x1  }
0x8a: {  	s1 =	srdreg.scid  }
0x8b: {  	s0 =	sand.u32 $0x1, s1  }
0x8c: {  	s17 =	sshll.u32 s0, $0xA;
	s2 =	sadd.s32 s3, s2  }
0x8d: {  	s2 =	sadd.s32 s2, s17  }
0x8e: {  	[smem:$0x3FBD] =	sst s2  }
0x8f: {  	_ = 	snop  }
0x90: {  	s2 =	sld [smem:$0x3FC9]  }
0x91: {  	s18 =	sld [smem:$0x3FC7]  }
0x92: {  	s4 =	sld [smem:$0x3FC2]  }
0x93: {  	s5 =	sld [smem:$0x3FC1]  }
0x94: {  	s6 =	sld [smem:$0x3FD0];
	(tm) =	ssettm $0x1  }
0x95: {  	s7 =	sld [smem:$0x3FFB];
	_ =	sdelay $0x3  }
0x96: {  	_ =	strace s7  }
0x97: {  	s7 =	sld [smem:$0x3FFC];
	_ =	sdelay $0x3  }
0x98: {  	_ =	strace s7  }
0x99: {  	s7 =	sld [smem:$0x3FFD];
	_ =	sdelay $0x3  }
0x9a: {  	_ =	strace s7  }
0x9b: {  	_ =	strace $0x8FFFFFFF  }
0x9c: {  	s19 =	sld [smem:$0x3FDB];
	_ =	sdelay $0x1  }
0x9d: {  	s8 =	simm.s32 $_scs_section_size  }
0x9e: {  	s9 =	simm.s32 $_size__tile_overlayer_lowered;
	s10 =	simm.s32 $_tile_overlayer_lowered  }
0x9f: {  	s22 =	simm.s32 $0x1BFF;
	s21 =	sshll.u32 s10, $0x1;
	s7 =	sadd.s32 s8, s19  }
0xa0: {  	s11 =	simm.s32 $0x0;
	s20 =	sshll.u32 s9, $0x1;
	s9 =	sadd.s32 s21, s7  }
0xa1: {  	[timem:s11], [sflag:s22] =	dma.local [hbm:s9], s20  }
0xa2: {  	_ =	swait.ge [sflag:s22], s20  }
0xa3: {  	s8 =	ssub.s32 $0x0, s20;
	[sflag:s22] =	ssyncset.done $0x0  }
0xa4: {  	[sflag:s22] =	ssyncadd.s32 s8;
	_ =	sdelay $0x1  }
0xa5: {  	s23 =	simm.s32 $0x1B8B  }
0xa6: {  	_ =	swait.ge [sflag:s23], $0x1  }
0xa7: {  	[sflag:s23] =	ssyncset.done $0x0  }
0xa8: {  	s25 =	simm.s32 $0x1B8E;
	s24 =	sld [smem:$0x3FFE];
	[sflag:s23] =	ssyncadd.s32 $0xFFFFFFFF  }
0xa9: {  	s26 =	simm.s32 $execute0_lowered;
	[smem:$0x3FD2] =	sst s25  }
0xaa: {  	s9 =	sshll.u32 s26, $0x1;
	_ =	strace $0x80000046;
	[dreg:$0x1] =	wrdreg $0xFFFFFFFF  }
0xab: {  	s28 =	simm.s32 $_size_execute0_lowered;
	s7 =	sadd.s32 s7, s9;
	[dreg:$0x0] =	wrdreg $0x0  }
0xac: {  	s9 =	sshll.u32 s28, $0x1;
	[dreg:$0x2] =	wrdreg s7  }
0xad: {  	[dreg:$0x3] =	wrdreg s9  }
0xae: {  	[dreg:$0x4] =	wrdreg $0xC0  }
0xaf: {  	_ =	task [dreg:s11], $0x5FFFF  }
0xb0: {  	[dreg:$0x1] =	wrdreg $0xFFFFFFFF  }
0xb1: {  	[dreg:$0x0] =	wrdreg $0x60  }
0xb2: {  	[dreg:$0x2] =	wrdreg s4  }
0xb3: {  	[dreg:$0x3] =	wrdreg s24  }
0xb4: {  	[dreg:$0x4] =	wrdreg s18  }
0xb5: {  	[dreg:$0x5] =	wrdreg s5  }
0xb6: {  	[dreg:$0x6] =	wrdreg s2  }
0xb7: {  	[dreg:$0x7] =	wrdreg s6  }
0xb8: {  	[dreg:$0x8] =	wrdreg $0x9  }
0xb9: {  	_ =	task.clear_ibuf [dreg:s11], $0x9FFFF;
	_ =	strace $0x90000046  }
0xba: {  	s29 =	simm.s32 $0x9;
	_ =	strace $0x80000048  }
0xbb: {  	_ =	swait.ge [sflag:s29], $0x1  }
0xbc: {  	[sflag:s29] =	ssyncadd.s32 $0xFFFFFFFF  }
0xbd: {  	_ =	strace $0x90000048  }
0xbe: {  	_ =	sfence  }
0xbf: {  	s30 =	sld [smem:$0x0];
	_ =	sdelay $0x2  }
0xc0: {  	s31 =	sshll.u32 s1, $0xD;
	s1 =	sshrl.u32 s1, $0x2  }
0xc1: {  	s3 =	sand.u32 $0x4000, s31;
	s1 =	sadd.s32 s1, s30  }
0xc2: {  	s0 =	sor.u32 s3, s0;
	s1 =	sshll.u32 s1, $0x11  }
0xc3: {  	s0 =	sor.u32 s1, s0  }
0xc4: {  	s0 =	sadd.s32 $0x8F2B, s0  }
0xc5: {  	[sflag:s0] =	ssyncadd.remote.s32 $0x1  }
0xc6: {  	_ =	sfence.sel $0xFFFF  }
0xc7: {  	[dreg:$0x0] =	wrdreg $0xFFFFFFFF;
	(pc) =	sbr.abs _section_cstart, $3  }
0xc8: {  	[dreg:$0x1] =	wrdreg $0xFFFFFFFF  }
0xc9: {  	_ =	task.clear_ibuf [dreg:s11], $0x2FFFF;
	_ =	strace $0x9FFFFFFF  }
0xca: {  	(tm) =	ssettm $0x7FFFFFFF  }
0xcb: {  	_ =	shalt  }
tec
execute0_lowered:
.L_overlay_start_1:
0x0: {  	(tag) =	ssettag $0x1  }
0x1: {  	v0 =	vlaneseq.u32  }
0x2: {  	v0 =	vmul.u32 $0x20, v0  }
0x3: {  	s0 =	rddreg [dreg:$0x0]  }
0x4: {  	s6 =	rddreg [dreg:$0x1];
	v1 =	vor.u32 $0x200, v0;
	v5 =	vor.u32 $0x202, v0;
	v6 =	vor.u32 $0x3, v0  }
0x5: {  	s7 =	rddreg [dreg:$0x2];
	v7 =	vor.u32 $0x203, v0;
	v8 =	vor.u32 $0x4, v0;
	v9 =	vor.u32 $0x204, v0  }
0x6: {  	s8 =	rddreg [dreg:$0x3];
	v10 =	vor.u32 $0x5, v0;
	v11 =	vor.u32 $0x205, v0;
	v12 =	vor.u32 $0x6, v0  }
0x7: {  	s1 =	rddreg [dreg:$0x4];
	v13 =	vor.u32 $0x206, v0;
	v14 =	vor.u32 $0x7, v0;
	v15 =	vor.u32 $0x207, v0  }
0x8: {  	s11 =	rddreg [dreg:$0x5];
	v16 =	vor.u32 $0x8, v0;
	v17 =	vor.u32 $0x208, v0;
	v18 =	vor.u32 $0x9, v0  }
0x9: {  	s2 =	rddreg [dreg:$0x6];
	v19 =	vor.u32 $0x209, v0;
	v20 =	vor.u32 $0xA, v0;
	v21 =	vor.u32 $0x20A, v0  }
0xa: {  	s5 =	srdreg.scid;
	s3 =	stileid.u32;
	s4 =	simm.s32 $0x0;
	v22 =	vor.u32 $0xB, v0;
	v23 =	vor.u32 $0x20B, v0;
	v24 =	vor.u32 $0xC, v0  }
0xb: {  	s18 =	simm.s32 $0x10;
	s19 =	simm.s32 $0x5A30;
	s20 =	simm.s32 $0x5;
	v25 =	vor.u32 $0x20C, v0;
	v26 =	vor.u32 $0xD, v0;
	v27 =	vor.u32 $0x20D, v0  }
0xc: {  	s21 =	simm.s32 $0x20;
	s22 =	simm.s32 $0x6250;
	s23 =	simm.s32 $0x1;
	v28 =	vor.u32 $0xE, v0;
	v29 =	vor.u32 $0x20E, v0;
	v30 =	vor.u32 $0xF, v0  }
0xd: {  	s28 =	simm.s32 $0x400;
	s29 =	simm.s32 $0x8;
	s30 =	simm.s32 $0x6;
	v31 =	vor.u32 $0x20F, v0;
	v32 =	vor.u32 $0x10, v0;
	v33 =	vor.u32 $0x210, v0  }
0xe: {  	s31 =	simm.s32 $0x7;
	s9 =	sand.u32 $0x1, s5;
	s24 =	sshll.u32 s3, $0x1;
	v34 =	vor.u32 $0x11, v0;
	v35 =	vor.u32 $0x211, v0;
	v36 =	vor.u32 $0x12, v0  }
0xf: {  	[smem:$0x7FF] =	sst s4;
	s5 =	sadd.s32 $0x2400, s6;
	s10 =	sor.u32 s9, s24;
	v37 =	vor.u32 $0x212, v0;
	v38 =	vor.u32 $0x13, v0;
	v39 =	vor.u32 $0x213, v0  }
0x10: {  	s9 =	ssub.s32 $0x2, s9;
	s24 =	simm.s32 $0x2;
	s12 =	sshll.u32 s10, $0x7;
	v40 =	vor.u32 $0x14, v0;
	v41 =	vor.u32 $0x214, v0;
	v42 =	vor.u32 $0x15, v0  }
0x11: {  	s13 =	sshll.u32 s10, $0x2;
	s15 =	sshll.u32 s10, $0x8;
	s25 =	sshrl.u32 s9, $0x1;
	v43 =	vor.u32 $0x215, v0;
	v44 =	vor.u32 $0x16, v0;
	v45 =	vor.u32 $0x216, v0  }
0x12: {  	s16 =	sshll.u32 s10, $0x1;
	s26 =	sshll.u32 s10, $0x9;
	v46 =	vor.u32 $0x17, v0;
	v47 =	vor.u32 $0x217, v0;
	v48 =	vor.u32 $0x18, v0;
	s12 =	sadd.s32 s12, s6  }
0x13: {  	v49 =	vor.u32 $0x218, v0;
	v50 =	vor.u32 $0x19, v0;
	v51 =	vor.u32 $0x219, v0;
	s14 =	sadd.s32 s13, s6;
	s15 =	sadd.s32 s15, s6;
	s17 =	ssub.s32 s9, s25  }
0x14: {  	v52 =	vor.u32 $0x1A, v0;
	v53 =	vor.u32 $0x21A, v0;
	[tilespmem:$0x1FFC0] =	vst v1;
	v1 =	vor.u32 $0x1, v0;
	s7 =	sadd.s32 s7, s16;
	s8 =	sadd.s32 s8, s13;
	s11 =	sadd.s32 s11, s26  }
0x15: {  	v54 =	vor.u32 $0x1B, v0;
	v55 =	vor.u32 $0x21B, v0;
	s13 =	simm.s32 $0x2710;
	s16 =	simm.s32 $0x6230;
	s25 =	simm.s32 $0x3;
	[tilespmem:$0x1FFD0] =	vst v1;
	v1 =	vor.u32 $0x201, v0  }
0x16: {  	v56 =	vor.u32 $0x1C, v0;
	v57 =	vor.u32 $0x21C, v0;
	s26 =	simm.s32 $0x5220;
	s6 =	sadd.s32 $0x1400, s12;
	s9 =	sadd.s32 $0x2A00, s14;
	[tilespmem:$0x1FFE0] =	vst v1;
	v1 =	vor.u32 $0x2, v0  }
0x17: {  	v58 =	vor.u32 $0x1D, v0;
	v59 =	vor.u32 $0x21D, v0;
	v60 =	vor.u32 $0x1E, v0;
	s10 =	sadd.s32 $0x3A00, s15;
	s12 =	smax.u32 s17, $0x1;
	s14 =	simm.s32 $0x4E20;
	[tilespmem:$0x1FFF0] =	vst v1  }
0x18: {  	v61 =	vor.u32 $0x21E, v0;
	v62 =	vor.u32 $0x1F, v0;
	v63 =	vor.u32 $0x21F, v0;
	s15 =	simm.s32 $0x5A20;
	s17 =	simm.s32 $0x4;
	_ =	strace $0x80000047  }
.LBB2_1:
0x19: {  	[tilespmem:s4], [sflag:$0x1] =	stream.linear.gather [hbm4b:s0+s4], $0x2710, $0x38;
	[tilespmem:$0x7250] =	vst v63  }
0x1a: {  	_ = 	snop  }
0x1b: {  	[tilespmem:s13], [sflag:$0x2] =	stream.linear.gather [hbm4b:s5+s4], $0x2710, $0x38;
	[tilespmem:$0x7250] =	vst v63  }
0x1c: {  	_ = 	snop  }
0x1d: {  	[tilespmem:s14], [sflag:$0x3] =	stream.linear.gather [hbm4b:s6+s4], $0x400, $0x38;
	[tilespmem:$0x7250] =	vst v63  }
0x1e: {  	_ = 	snop  }
0x1f: {  	[tilespmem:s15], [sflag:$0x4] =	stream.linear.gather [hbm4b:s7+s4], $0x10, $0x38;
	[tilespmem:$0x7250] =	vst v63  }
0x20: {  	_ = 	snop  }
0x21: {  	[tilespmem:s16], [sflag:$0x5] =	stream.linear.gather [hbm4b:s8+s4], $0x20, $0x38;
	[tilespmem:$0x7250] =	vst v63  }
0x22: {  	_ =	swait.ge [sflag:s17], $0x10  }
0x23: {  	[sflag:s17] =	ssyncset.done $0x0  }
0x24: {  	[sflag:s17] =	ssyncadd.s32 $0xFFFFFFF0  }
0x25: {  	[tilespmem:s19], [sflag:$0x6] =	stream.indirect.gather [hbm4b:s1+s18], $0x80, s15, s18, $0xb8;
	[tilespmem:$0x7250] =	vst v63  }
0x26: {  	_ =	swait.ge [sflag:s20], $0x20  }
0x27: {  	[sflag:s20] =	ssyncset.done $0x0  }
0x28: {  	[sflag:s20] =	ssyncadd.s32 $0xFFFFFFE0  }
0x29: {  	[tilespmem:s22], [sflag:$0x7] =	stream.indirect.gather [hbm4b:s1+s21], $0x80, s16, s21, $0xb8;
	[tilespmem:$0x7250] =	vst v63  }
0x2a: {  	_ =	swait.ge [sflag:s23], $0x2710  }
0x2b: {  	[sflag:s23] =	ssyncset.done $0x0  }
0x2c: {  	[sflag:s23] =	ssyncadd.s32 $0xFFFFD8F0  }
0x2d: {  	_ =	swait.ge [sflag:s24], $0x2710  }
0x2e: {  	[sflag:s24] =	ssyncset.done $0x0  }
0x2f: {  	[sflag:s24] =	ssyncadd.s32 $0xFFFFD8F0  }
0x30: {  	_ =	swait.ge [sflag:s25], $0x400  }
0x31: {  	[sflag:s25] =	ssyncset.done $0x0  }
0x32: {  	[sflag:s25] =	ssyncadd.s32 $0xFFFFFC00  }
0x33: {  	v1 =	vld [tilespmem:$0x4E20];
	_ =	sdelay $0x5  }
0x34: {  	v2 =	vld [tilespmem:$0x4E30];
	_ =	sdelay $0x1  }
0x35: {  	v1 =	vld.idx.msk [tilespmem:v1+s4+$0x0], $0xffff;
	_ =	sdelay $0x3  }
0x36: {  	v3 =	vld [tilespmem:$0x4E40]  }
0x37: {  	[tilespmem:$0x5620] =	vst v1  }
0x38: {  	v2 =	vld.idx.msk [tilespmem:v2+s4+$0x0], $0xffff;
	_ =	sdelay $0x3  }
0x39: {  	v4 =	vld [tilespmem:$0x4E50]  }
0x3a: {  	[tilespmem:$0x5630] =	vst v2  }
0x3b: {  	v2 =	vld.idx.msk [tilespmem:v3+s4+$0x0], $0xffff;
	_ =	sdelay $0x3  }
0x3c: {  	v3 =	vld [tilespmem:$0x4E60]  }
0x3d: {  	[tilespmem:$0x5640] =	vst v2  }
0x3e: {  	v2 =	vld.idx.msk [tilespmem:v4+s4+$0x0], $0xffff;
	_ =	sdelay $0x3  }
0x3f: {  	v4 =	vld [tilespmem:$0x4E70]  }
0x40: {  	[tilespmem:$0x5650] =	vst v2  }
0x41: {  	v2 =	vld.idx.msk [tilespmem:v3+s4+$0x0], $0xffff;
	_ =	sdelay $0x3  }
0x42: {  	v3 =	vld [tilespmem:$0x4E80]  }
0x43: {  	[tilespmem:$0x5660] =	vst v2  }
0x44: {  	v2 =	vld.idx.msk [tilespmem:v4+s4+$0x0], $0xffff;
	_ =	sdelay $0x3  }
0x45: {  	v4 =	vld [tilespmem:$0x4E90]  }
0x46: {  	[tilespmem:$0x5670] =	vst v2  }
0x47: {  	v2 =	vld.idx.msk [tilespmem:v3+s4+$0x0], $0xffff;
	_ =	sdelay $0x3  }
0x48: {  	v3 =	vld [tilespmem:$0x4EA0]  }
0x49: {  	[tilespmem:$0x5680] =	vst v2  }
0x4a: {  	v2 =	vld.idx.msk [tilespmem:v4+s4+$0x0], $0xffff;
	_ =	sdelay $0x3  }
0x4b: {  	v4 =	vld [tilespmem:$0x4EB0]  }
0x4c: {  	[tilespmem:$0x5690] =	vst v2  }
0x4d: {  	v2 =	vld.idx.msk [tilespmem:v3+s4+$0x0], $0xffff;
	_ =	sdelay $0x3  }
0x4e: {  	v3 =	vld [tilespmem:$0x4EC0]  }
0x4f: {  	[tilespmem:$0x56A0] =	vst v2  }
0x50: {  	v2 =	vld.idx.msk [tilespmem:v4+s4+$0x0], $0xffff;
	_ =	sdelay $0x3  }
0x51: {  	v4 =	vld [tilespmem:$0x4ED0]  }
0x52: {  	[tilespmem:$0x56B0] =	vst v2  }
0x53: {  	v2 =	vld.idx.msk [tilespmem:v3+s4+$0x0], $0xffff;
	_ =	sdelay $0x3  }
0x54: {  	v3 =	vld [tilespmem:$0x4EE0]  }
0x55: {  	[tilespmem:$0x56C0] =	vst v2  }
0x56: {  	v2 =	vld.idx.msk [tilespmem:v4+s4+$0x0], $0xffff;
	_ =	sdelay $0x3  }
0x57: {  	v4 =	vld [tilespmem:$0x4EF0]  }
0x58: {  	[tilespmem:$0x56D0] =	vst v2  }
0x59: {  	v2 =	vld.idx.msk [tilespmem:v3+s4+$0x0], $0xffff;
	_ =	sdelay $0x3  }
0x5a: {  	v3 =	vld [tilespmem:$0x4F00]  }
0x5b: {  	[tilespmem:$0x56E0] =	vst v2  }
0x5c: {  	v2 =	vld.idx.msk [tilespmem:v4+s4+$0x0], $0xffff;
	_ =	sdelay $0x3  }
0x5d: {  	v4 =	vld [tilespmem:$0x4F10]  }
0x5e: {  	[tilespmem:$0x56F0] =	vst v2  }
0x5f: {  	v2 =	vld.idx.msk [tilespmem:v3+s4+$0x0], $0xffff;
	_ =	sdelay $0x3  }
0x60: {  	v3 =	vld [tilespmem:$0x4F20]  }
0x61: {  	[tilespmem:$0x5700] =	vst v2  }
0x62: {  	v2 =	vld.idx.msk [tilespmem:v4+s4+$0x0], $0xffff;
	_ =	sdelay $0x3  }
0x63: {  	v4 =	vld [tilespmem:$0x4F30]  }
0x64: {  	[tilespmem:$0x5710] =	vst v2  }
0x65: {  	v2 =	vld.idx.msk [tilespmem:v3+s4+$0x0], $0xffff;
	_ =	sdelay $0x3  }
0x66: {  	v3 =	vld [tilespmem:$0x4F40]  }
0x67: {  	[tilespmem:$0x5720] =	vst v2  }
0x68: {  	v2 =	vld.idx.msk [tilespmem:v4+s4+$0x0], $0xffff;
	_ =	sdelay $0x3  }
0x69: {  	v4 =	vld [tilespmem:$0x4F50]  }
0x6a: {  	[tilespmem:$0x5730] =	vst v2  }
0x6b: {  	v2 =	vld.idx.msk [tilespmem:v3+s4+$0x0], $0xffff;
	_ =	sdelay $0x3  }
0x6c: {  	v3 =	vld [tilespmem:$0x4F60]  }
0x6d: {  	[tilespmem:$0x5740] =	vst v2  }
0x6e: {  	v2 =	vld.idx.msk [tilespmem:v4+s4+$0x0], $0xffff;
	_ =	sdelay $0x3  }
0x6f: {  	v4 =	vld [tilespmem:$0x4F70]  }
0x70: {  	[tilespmem:$0x5750] =	vst v2  }
0x71: {  	v2 =	vld.idx.msk [tilespmem:v3+s4+$0x0], $0xffff;
	_ =	sdelay $0x3  }
0x72: {  	v3 =	vld [tilespmem:$0x4F80]  }
0x73: {  	[tilespmem:$0x5760] =	vst v2  }
0x74: {  	v2 =	vld.idx.msk [tilespmem:v4+s4+$0x0], $0xffff;
	_ =	sdelay $0x3  }
0x75: {  	v4 =	vld [tilespmem:$0x4F90]  }
0x76: {  	[tilespmem:$0x5770] =	vst v2  }
0x77: {  	v2 =	vld.idx.msk [tilespmem:v3+s4+$0x0], $0xffff;
	_ =	sdelay $0x3  }
0x78: {  	v3 =	vld [tilespmem:$0x4FA0]  }
0x79: {  	[tilespmem:$0x5780] =	vst v2  }
0x7a: {  	v2 =	vld.idx.msk [tilespmem:v4+s4+$0x0], $0xffff;
	_ =	sdelay $0x3  }
0x7b: {  	v4 =	vld [tilespmem:$0x4FB0]  }
0x7c: {  	[tilespmem:$0x5790] =	vst v2  }
0x7d: {  	v2 =	vld.idx.msk [tilespmem:v3+s4+$0x0], $0xffff;
	_ =	sdelay $0x3  }
0x7e: {  	v3 =	vld [tilespmem:$0x4FC0]  }
0x7f: {  	[tilespmem:$0x57A0] =	vst v2  }
0x80: {  	v2 =	vld.idx.msk [tilespmem:v4+s4+$0x0], $0xffff;
	_ =	sdelay $0x3  }
0x81: {  	v4 =	vld [tilespmem:$0x4FD0]  }
0x82: {  	[tilespmem:$0x57B0] =	vst v2  }
0x83: {  	v2 =	vld.idx.msk [tilespmem:v3+s4+$0x0], $0xffff;
	_ =	sdelay $0x3  }
0x84: {  	v3 =	vld [tilespmem:$0x4FE0]  }
0x85: {  	[tilespmem:$0x57C0] =	vst v2  }
0x86: {  	v2 =	vld.idx.msk [tilespmem:v4+s4+$0x0], $0xffff;
	_ =	sdelay $0x3  }
0x87: {  	v4 =	vld [tilespmem:$0x4FF0]  }
0x88: {  	[tilespmem:$0x57D0] =	vst v2  }
0x89: {  	v2 =	vld.idx.msk [tilespmem:v3+s4+$0x0], $0xffff;
	_ =	sdelay $0x3  }
0x8a: {  	v3 =	vld [tilespmem:$0x5000]  }
0x8b: {  	[tilespmem:$0x57E0] =	vst v2  }
0x8c: {  	v2 =	vld.idx.msk [tilespmem:v4+s4+$0x0], $0xffff;
	_ =	sdelay $0x3  }
0x8d: {  	v4 =	vld [tilespmem:$0x5010]  }
0x8e: {  	[tilespmem:$0x57F0] =	vst v2  }
0x8f: {  	v2 =	vld.idx.msk [tilespmem:v3+s4+$0x0], $0xffff;
	_ =	sdelay $0x3  }
0x90: {  	v3 =	vld [tilespmem:$0x5020]  }
0x91: {  	[tilespmem:$0x5800] =	vst v2  }
0x92: {  	v2 =	vld.idx.msk [tilespmem:v4+s4+$0x0], $0xffff;
	_ =	sdelay $0x3  }
0x93: {  	v4 =	vld [tilespmem:$0x5030]  }
0x94: {  	[tilespmem:$0x5810] =	vst v2  }
0x95: {  	v2 =	vld.idx.msk [tilespmem:v3+s4+$0x0], $0xffff;
	_ =	sdelay $0x3  }
0x96: {  	v3 =	vld [tilespmem:$0x5040]  }
0x97: {  	[tilespmem:$0x5820] =	vst v2  }
0x98: {  	v2 =	vld.idx.msk [tilespmem:v4+s4+$0x0], $0xffff;
	_ =	sdelay $0x3  }
0x99: {  	v4 =	vld [tilespmem:$0x5050]  }
0x9a: {  	[tilespmem:$0x5830] =	vst v2  }
0x9b: {  	v2 =	vld.idx.msk [tilespmem:v3+s4+$0x0], $0xffff;
	_ =	sdelay $0x3  }
0x9c: {  	v3 =	vld [tilespmem:$0x5060]  }
0x9d: {  	[tilespmem:$0x5840] =	vst v2  }
0x9e: {  	v2 =	vld.idx.msk [tilespmem:v4+s4+$0x0], $0xffff;
	_ =	sdelay $0x3  }
0x9f: {  	v4 =	vld [tilespmem:$0x5070]  }
0xa0: {  	[tilespmem:$0x5850] =	vst v2  }
0xa1: {  	v2 =	vld.idx.msk [tilespmem:v3+s4+$0x0], $0xffff;
	_ =	sdelay $0x3  }
0xa2: {  	v3 =	vld [tilespmem:$0x5080]  }
0xa3: {  	[tilespmem:$0x5860] =	vst v2  }
0xa4: {  	v2 =	vld.idx.msk [tilespmem:v4+s4+$0x0], $0xffff;
	_ =	sdelay $0x3  }
0xa5: {  	v4 =	vld [tilespmem:$0x5090]  }
0xa6: {  	[tilespmem:$0x5870] =	vst v2  }
0xa7: {  	v2 =	vld.idx.msk [tilespmem:v3+s4+$0x0], $0xffff;
	_ =	sdelay $0x3  }
0xa8: {  	v3 =	vld [tilespmem:$0x50A0]  }
0xa9: {  	[tilespmem:$0x5880] =	vst v2  }
0xaa: {  	v2 =	vld.idx.msk [tilespmem:v4+s4+$0x0], $0xffff;
	_ =	sdelay $0x3  }
0xab: {  	v4 =	vld [tilespmem:$0x50B0]  }
0xac: {  	[tilespmem:$0x5890] =	vst v2  }
0xad: {  	v2 =	vld.idx.msk [tilespmem:v3+s4+$0x0], $0xffff;
	_ =	sdelay $0x3  }
0xae: {  	v3 =	vld [tilespmem:$0x50C0]  }
0xaf: {  	[tilespmem:$0x58A0] =	vst v2  }
0xb0: {  	v2 =	vld.idx.msk [tilespmem:v4+s4+$0x0], $0xffff;
	_ =	sdelay $0x3  }
0xb1: {  	v4 =	vld [tilespmem:$0x50D0]  }
0xb2: {  	[tilespmem:$0x58B0] =	vst v2  }
0xb3: {  	v2 =	vld.idx.msk [tilespmem:v3+s4+$0x0], $0xffff;
	_ =	sdelay $0x3  }
0xb4: {  	v3 =	vld [tilespmem:$0x50E0]  }
0xb5: {  	[tilespmem:$0x58C0] =	vst v2  }
0xb6: {  	v2 =	vld.idx.msk [tilespmem:v4+s4+$0x0], $0xffff;
	_ =	sdelay $0x3  }
0xb7: {  	v4 =	vld [tilespmem:$0x50F0]  }
0xb8: {  	[tilespmem:$0x58D0] =	vst v2  }
0xb9: {  	v2 =	vld.idx.msk [tilespmem:v3+s4+$0x0], $0xffff;
	_ =	sdelay $0x3  }
0xba: {  	v3 =	vld [tilespmem:$0x5100]  }
0xbb: {  	[tilespmem:$0x58E0] =	vst v2  }
0xbc: {  	v2 =	vld.idx.msk [tilespmem:v4+s4+$0x0], $0xffff;
	_ =	sdelay $0x3  }
0xbd: {  	v4 =	vld [tilespmem:$0x5110]  }
0xbe: {  	[tilespmem:$0x58F0] =	vst v2  }
0xbf: {  	v2 =	vld.idx.msk [tilespmem:v3+s4+$0x0], $0xffff;
	_ =	sdelay $0x3  }
0xc0: {  	v3 =	vld [tilespmem:$0x5120]  }
0xc1: {  	[tilespmem:$0x5900] =	vst v2  }
0xc2: {  	v2 =	vld.idx.msk [tilespmem:v4+s4+$0x0], $0xffff;
	_ =	sdelay $0x3  }
0xc3: {  	v4 =	vld [tilespmem:$0x5130]  }
0xc4: {  	[tilespmem:$0x5910] =	vst v2  }
0xc5: {  	v2 =	vld.idx.msk [tilespmem:v3+s4+$0x0], $0xffff;
	_ =	sdelay $0x3  }
0xc6: {  	v3 =	vld [tilespmem:$0x5140]  }
0xc7: {  	[tilespmem:$0x5920] =	vst v2  }
0xc8: {  	v2 =	vld.idx.msk [tilespmem:v4+s4+$0x0], $0xffff;
	_ =	sdelay $0x3  }
0xc9: {  	v4 =	vld [tilespmem:$0x5150]  }
0xca: {  	[tilespmem:$0x5930] =	vst v2  }
0xcb: {  	v2 =	vld.idx.msk [tilespmem:v3+s4+$0x0], $0xffff;
	_ =	sdelay $0x3  }
0xcc: {  	v3 =	vld [tilespmem:$0x5160]  }
0xcd: {  	[tilespmem:$0x5940] =	vst v2  }
0xce: {  	v2 =	vld.idx.msk [tilespmem:v4+s4+$0x0], $0xffff;
	_ =	sdelay $0x3  }
0xcf: {  	v4 =	vld [tilespmem:$0x5170]  }
0xd0: {  	[tilespmem:$0x5950] =	vst v2  }
0xd1: {  	v2 =	vld.idx.msk [tilespmem:v3+s4+$0x0], $0xffff;
	_ =	sdelay $0x3  }
0xd2: {  	v3 =	vld [tilespmem:$0x5180]  }
0xd3: {  	[tilespmem:$0x5960] =	vst v2  }
0xd4: {  	v2 =	vld.idx.msk [tilespmem:v4+s4+$0x0], $0xffff;
	_ =	sdelay $0x3  }
0xd5: {  	v4 =	vld [tilespmem:$0x5190]  }
0xd6: {  	[tilespmem:$0x5970] =	vst v2  }
0xd7: {  	v2 =	vld.idx.msk [tilespmem:v3+s4+$0x0], $0xffff;
	_ =	sdelay $0x3  }
0xd8: {  	v3 =	vld [tilespmem:$0x51A0]  }
0xd9: {  	[tilespmem:$0x5980] =	vst v2  }
0xda: {  	v2 =	vld.idx.msk [tilespmem:v4+s4+$0x0], $0xffff;
	_ =	sdelay $0x3  }
0xdb: {  	v4 =	vld [tilespmem:$0x51B0]  }
0xdc: {  	[tilespmem:$0x5990] =	vst v2  }
0xdd: {  	v2 =	vld.idx.msk [tilespmem:v3+s4+$0x0], $0xffff;
	_ =	sdelay $0x3  }
0xde: {  	v3 =	vld [tilespmem:$0x51C0]  }
0xdf: {  	[tilespmem:$0x59A0] =	vst v2  }
0xe0: {  	v2 =	vld.idx.msk [tilespmem:v4+s4+$0x0], $0xffff;
	_ =	sdelay $0x3  }
0xe1: {  	v4 =	vld [tilespmem:$0x51D0]  }
0xe2: {  	[tilespmem:$0x59B0] =	vst v2  }
0xe3: {  	v2 =	vld.idx.msk [tilespmem:v3+s4+$0x0], $0xffff;
	_ =	sdelay $0x3  }
0xe4: {  	v3 =	vld [tilespmem:$0x51E0]  }
0xe5: {  	[tilespmem:$0x59C0] =	vst v2  }
0xe6: {  	v2 =	vld.idx.msk [tilespmem:v4+s4+$0x0], $0xffff;
	_ =	sdelay $0x3  }
0xe7: {  	v4 =	vld [tilespmem:$0x51F0]  }
0xe8: {  	[tilespmem:$0x59D0] =	vst v2  }
0xe9: {  	v2 =	vld.idx.msk [tilespmem:v3+s4+$0x0], $0xffff;
	_ =	sdelay $0x3  }
0xea: {  	v3 =	vld [tilespmem:$0x5200]  }
0xeb: {  	[tilespmem:$0x59E0] =	vst v2  }
0xec: {  	v2 =	vld.idx.msk [tilespmem:v4+s4+$0x0], $0xffff;
	_ =	sdelay $0x3  }
0xed: {  	v4 =	vld [tilespmem:$0x5210]  }
0xee: {  	[tilespmem:$0x59F0] =	vst v2  }
0xef: {  	v2 =	vld.idx.msk [tilespmem:v3+s4+$0x0], $0xffff;
	_ =	sdelay $0x4  }
0xf0: {  	[tilespmem:$0x5A00] =	vst v2  }
0xf1: {  	v2 =	vld.idx.msk [tilespmem:v4+s4+$0x0], $0xffff;
	_ =	sdelay $0x4  }
0xf2: {  	[tilespmem:$0x5A10] =	vst v2  }
0xf3: {  	v1 =	vld.idx.msk [tilespmem:v1+s13+$0x0], $0xffff;
	_ =	sdelay $0x4  }
0xf4: {  	[tilespmem:v0+s26+$0x0] =	vst.idx.msk $0xffff, v1  }
0xf5: {  	v1 =	vld [tilespmem:$0x5630];
	_ =	sdelay $0x4  }
0xf6: {  	v2 =	vld [tilespmem:$0x1FFC0];
	_ =	sdelay $0x2  }
0xf7: {  	v1 =	vld.idx.msk [tilespmem:v1+s13+$0x0], $0xffff;
	_ =	sdelay $0x4  }
0xf8: {  	[tilespmem:v2+s26+$0x0] =	vst.idx.msk $0xffff, v1  }
0xf9: {  	v1 =	vld [tilespmem:$0x5640];
	_ =	sdelay $0x4  }
0xfa: {  	v2 =	vld [tilespmem:$0x1FFD0];
	_ =	sdelay $0x2  }
0xfb: {  	v1 =	vld.idx.msk [tilespmem:v1+s13+$0x0], $0xffff;
	_ =	sdelay $0x4  }
0xfc: {  	[tilespmem:v2+s26+$0x0] =	vst.idx.msk $0xffff, v1  }
0xfd: {  	v1 =	vld [tilespmem:$0x5650];
	_ =	sdelay $0x4  }
0xfe: {  	v2 =	vld [tilespmem:$0x1FFE0];
	_ =	sdelay $0x2  }
0xff: {  	v1 =	vld.idx.msk [tilespmem:v1+s13+$0x0], $0xffff;
	_ =	sdelay $0x4  }
0x100: {  	[tilespmem:v2+s26+$0x0] =	vst.idx.msk $0xffff, v1  }
0x101: {  	v1 =	vld [tilespmem:$0x5660];
	_ =	sdelay $0x4  }
0x102: {  	v2 =	vld [tilespmem:$0x1FFF0];
	_ =	sdelay $0x2  }
0x103: {  	v1 =	vld.idx.msk [tilespmem:v1+s13+$0x0], $0xffff;
	_ =	sdelay $0x4  }
0x104: {  	[tilespmem:v2+s26+$0x0] =	vst.idx.msk $0xffff, v1  }
0x105: {  	v1 =	vld [tilespmem:$0x5670];
	_ =	sdelay $0x7  }
0x106: {  	v1 =	vld.idx.msk [tilespmem:v1+s13+$0x0], $0xffff;
	_ =	sdelay $0x4  }
0x107: {  	[tilespmem:v5+s26+$0x0] =	vst.idx.msk $0xffff, v1  }
0x108: {  	v1 =	vld [tilespmem:$0x5680];
	_ =	sdelay $0x7  }
0x109: {  	v1 =	vld.idx.msk [tilespmem:v1+s13+$0x0], $0xffff;
	_ =	sdelay $0x4  }
0x10a: {  	[tilespmem:v6+s26+$0x0] =	vst.idx.msk $0xffff, v1  }
0x10b: {  	v1 =	vld [tilespmem:$0x5690];
	_ =	sdelay $0x7  }
0x10c: {  	v1 =	vld.idx.msk [tilespmem:v1+s13+$0x0], $0xffff;
	_ =	sdelay $0x4  }
0x10d: {  	[tilespmem:v7+s26+$0x0] =	vst.idx.msk $0xffff, v1  }
0x10e: {  	v1 =	vld [tilespmem:$0x56A0];
	_ =	sdelay $0x7  }
0x10f: {  	v1 =	vld.idx.msk [tilespmem:v1+s13+$0x0], $0xffff;
	_ =	sdelay $0x4  }
0x110: {  	[tilespmem:v8+s26+$0x0] =	vst.idx.msk $0xffff, v1  }
0x111: {  	v1 =	vld [tilespmem:$0x56B0];
	_ =	sdelay $0x7  }
0x112: {  	v1 =	vld.idx.msk [tilespmem:v1+s13+$0x0], $0xffff;
	_ =	sdelay $0x4  }
0x113: {  	[tilespmem:v9+s26+$0x0] =	vst.idx.msk $0xffff, v1  }
0x114: {  	v1 =	vld [tilespmem:$0x56C0];
	_ =	sdelay $0x7  }
0x115: {  	v1 =	vld.idx.msk [tilespmem:v1+s13+$0x0], $0xffff;
	_ =	sdelay $0x4  }
0x116: {  	[tilespmem:v10+s26+$0x0] =	vst.idx.msk $0xffff, v1  }
0x117: {  	v1 =	vld [tilespmem:$0x56D0];
	_ =	sdelay $0x7  }
0x118: {  	v1 =	vld.idx.msk [tilespmem:v1+s13+$0x0], $0xffff;
	_ =	sdelay $0x4  }
0x119: {  	[tilespmem:v11+s26+$0x0] =	vst.idx.msk $0xffff, v1  }
0x11a: {  	v1 =	vld [tilespmem:$0x56E0];
	_ =	sdelay $0x7  }
0x11b: {  	v1 =	vld.idx.msk [tilespmem:v1+s13+$0x0], $0xffff;
	_ =	sdelay $0x4  }
0x11c: {  	[tilespmem:v12+s26+$0x0] =	vst.idx.msk $0xffff, v1  }
0x11d: {  	v1 =	vld [tilespmem:$0x56F0];
	_ =	sdelay $0x7  }
0x11e: {  	v1 =	vld.idx.msk [tilespmem:v1+s13+$0x0], $0xffff;
	_ =	sdelay $0x4  }
0x11f: {  	[tilespmem:v13+s26+$0x0] =	vst.idx.msk $0xffff, v1  }
0x120: {  	v1 =	vld [tilespmem:$0x5700];
	_ =	sdelay $0x7  }
0x121: {  	v1 =	vld.idx.msk [tilespmem:v1+s13+$0x0], $0xffff;
	_ =	sdelay $0x4  }
0x122: {  	[tilespmem:v14+s26+$0x0] =	vst.idx.msk $0xffff, v1  }
0x123: {  	v1 =	vld [tilespmem:$0x5710];
	_ =	sdelay $0x7  }
0x124: {  	v1 =	vld.idx.msk [tilespmem:v1+s13+$0x0], $0xffff;
	_ =	sdelay $0x4  }
0x125: {  	[tilespmem:v15+s26+$0x0] =	vst.idx.msk $0xffff, v1  }
0x126: {  	v1 =	vld [tilespmem:$0x5720];
	_ =	sdelay $0x7  }
0x127: {  	v1 =	vld.idx.msk [tilespmem:v1+s13+$0x0], $0xffff;
	_ =	sdelay $0x4  }
0x128: {  	[tilespmem:v16+s26+$0x0] =	vst.idx.msk $0xffff, v1  }
0x129: {  	v1 =	vld [tilespmem:$0x5730];
	_ =	sdelay $0x7  }
0x12a: {  	v1 =	vld.idx.msk [tilespmem:v1+s13+$0x0], $0xffff;
	_ =	sdelay $0x4  }
0x12b: {  	[tilespmem:v17+s26+$0x0] =	vst.idx.msk $0xffff, v1  }
0x12c: {  	v1 =	vld [tilespmem:$0x5740];
	_ =	sdelay $0x7  }
0x12d: {  	v1 =	vld.idx.msk [tilespmem:v1+s13+$0x0], $0xffff;
	_ =	sdelay $0x4  }
0x12e: {  	[tilespmem:v18+s26+$0x0] =	vst.idx.msk $0xffff, v1  }
0x12f: {  	v1 =	vld [tilespmem:$0x5750];
	_ =	sdelay $0x7  }
0x130: {  	v1 =	vld.idx.msk [tilespmem:v1+s13+$0x0], $0xffff;
	_ =	sdelay $0x4  }
0x131: {  	[tilespmem:v19+s26+$0x0] =	vst.idx.msk $0xffff, v1  }
0x132: {  	v1 =	vld [tilespmem:$0x5760];
	_ =	sdelay $0x7  }
0x133: {  	v1 =	vld.idx.msk [tilespmem:v1+s13+$0x0], $0xffff;
	_ =	sdelay $0x4  }
0x134: {  	[tilespmem:v20+s26+$0x0] =	vst.idx.msk $0xffff, v1  }
0x135: {  	v1 =	vld [tilespmem:$0x5770];
	_ =	sdelay $0x7  }
0x136: {  	v1 =	vld.idx.msk [tilespmem:v1+s13+$0x0], $0xffff;
	_ =	sdelay $0x4  }
0x137: {  	[tilespmem:v21+s26+$0x0] =	vst.idx.msk $0xffff, v1  }
0x138: {  	v1 =	vld [tilespmem:$0x5780];
	_ =	sdelay $0x7  }
0x139: {  	v1 =	vld.idx.msk [tilespmem:v1+s13+$0x0], $0xffff;
	_ =	sdelay $0x4  }
0x13a: {  	[tilespmem:v22+s26+$0x0] =	vst.idx.msk $0xffff, v1  }
0x13b: {  	v1 =	vld [tilespmem:$0x5790];
	_ =	sdelay $0x7  }
0x13c: {  	v1 =	vld.idx.msk [tilespmem:v1+s13+$0x0], $0xffff;
	_ =	sdelay $0x4  }
0x13d: {  	[tilespmem:v23+s26+$0x0] =	vst.idx.msk $0xffff, v1  }
0x13e: {  	v1 =	vld [tilespmem:$0x57A0];
	_ =	sdelay $0x7  }
0x13f: {  	v1 =	vld.idx.msk [tilespmem:v1+s13+$0x0], $0xffff;
	_ =	sdelay $0x4  }
0x140: {  	[tilespmem:v24+s26+$0x0] =	vst.idx.msk $0xffff, v1  }
0x141: {  	v1 =	vld [tilespmem:$0x57B0];
	_ =	sdelay $0x7  }
0x142: {  	v1 =	vld.idx.msk [tilespmem:v1+s13+$0x0], $0xffff;
	_ =	sdelay $0x4  }
0x143: {  	[tilespmem:v25+s26+$0x0] =	vst.idx.msk $0xffff, v1  }
0x144: {  	v1 =	vld [tilespmem:$0x57C0];
	_ =	sdelay $0x7  }
0x145: {  	v1 =	vld.idx.msk [tilespmem:v1+s13+$0x0], $0xffff;
	_ =	sdelay $0x4  }
0x146: {  	[tilespmem:v26+s26+$0x0] =	vst.idx.msk $0xffff, v1  }
0x147: {  	v1 =	vld [tilespmem:$0x57D0];
	_ =	sdelay $0x7  }
0x148: {  	v1 =	vld.idx.msk [tilespmem:v1+s13+$0x0], $0xffff;
	_ =	sdelay $0x4  }
0x149: {  	[tilespmem:v27+s26+$0x0] =	vst.idx.msk $0xffff, v1  }
0x14a: {  	v1 =	vld [tilespmem:$0x57E0];
	_ =	sdelay $0x7  }
0x14b: {  	v1 =	vld.idx.msk [tilespmem:v1+s13+$0x0], $0xffff;
	_ =	sdelay $0x4  }
0x14c: {  	[tilespmem:v28+s26+$0x0] =	vst.idx.msk $0xffff, v1  }
0x14d: {  	v1 =	vld [tilespmem:$0x57F0];
	_ =	sdelay $0x7  }
0x14e: {  	v1 =	vld.idx.msk [tilespmem:v1+s13+$0x0], $0xffff;
	_ =	sdelay $0x4  }
0x14f: {  	[tilespmem:v29+s26+$0x0] =	vst.idx.msk $0xffff, v1  }
0x150: {  	v1 =	vld [tilespmem:$0x5800];
	_ =	sdelay $0x7  }
0x151: {  	v1 =	vld.idx.msk [tilespmem:v1+s13+$0x0], $0xffff;
	_ =	sdelay $0x4  }
0x152: {  	[tilespmem:v30+s26+$0x0] =	vst.idx.msk $0xffff, v1  }
0x153: {  	v1 =	vld [tilespmem:$0x5810];
	_ =	sdelay $0x7  }
0x154: {  	v1 =	vld.idx.msk [tilespmem:v1+s13+$0x0], $0xffff;
	_ =	sdelay $0x4  }
0x155: {  	[tilespmem:v31+s26+$0x0] =	vst.idx.msk $0xffff, v1  }
0x156: {  	v1 =	vld [tilespmem:$0x5820];
	_ =	sdelay $0x7  }
0x157: {  	v1 =	vld.idx.msk [tilespmem:v1+s13+$0x0], $0xffff;
	_ =	sdelay $0x4  }
0x158: {  	[tilespmem:v32+s26+$0x0] =	vst.idx.msk $0xffff, v1  }
0x159: {  	v1 =	vld [tilespmem:$0x5830];
	_ =	sdelay $0x7  }
0x15a: {  	v1 =	vld.idx.msk [tilespmem:v1+s13+$0x0], $0xffff;
	_ =	sdelay $0x4  }
0x15b: {  	[tilespmem:v33+s26+$0x0] =	vst.idx.msk $0xffff, v1  }
0x15c: {  	v1 =	vld [tilespmem:$0x5840];
	_ =	sdelay $0x7  }
0x15d: {  	v1 =	vld.idx.msk [tilespmem:v1+s13+$0x0], $0xffff;
	_ =	sdelay $0x4  }
0x15e: {  	[tilespmem:v34+s26+$0x0] =	vst.idx.msk $0xffff, v1  }
0x15f: {  	v1 =	vld [tilespmem:$0x5850];
	_ =	sdelay $0x7  }
0x160: {  	v1 =	vld.idx.msk [tilespmem:v1+s13+$0x0], $0xffff;
	_ =	sdelay $0x4  }
0x161: {  	[tilespmem:v35+s26+$0x0] =	vst.idx.msk $0xffff, v1  }
0x162: {  	v1 =	vld [tilespmem:$0x5860];
	_ =	sdelay $0x7  }
0x163: {  	v1 =	vld.idx.msk [tilespmem:v1+s13+$0x0], $0xffff;
	_ =	sdelay $0x4  }
0x164: {  	[tilespmem:v36+s26+$0x0] =	vst.idx.msk $0xffff, v1  }
0x165: {  	v1 =	vld [tilespmem:$0x5870];
	_ =	sdelay $0x7  }
0x166: {  	v1 =	vld.idx.msk [tilespmem:v1+s13+$0x0], $0xffff;
	_ =	sdelay $0x4  }
0x167: {  	[tilespmem:v37+s26+$0x0] =	vst.idx.msk $0xffff, v1  }
0x168: {  	v1 =	vld [tilespmem:$0x5880];
	_ =	sdelay $0x7  }
0x169: {  	v1 =	vld.idx.msk [tilespmem:v1+s13+$0x0], $0xffff;
	_ =	sdelay $0x4  }
0x16a: {  	[tilespmem:v38+s26+$0x0] =	vst.idx.msk $0xffff, v1  }
0x16b: {  	v1 =	vld [tilespmem:$0x5890];
	_ =	sdelay $0x7  }
0x16c: {  	v1 =	vld.idx.msk [tilespmem:v1+s13+$0x0], $0xffff;
	_ =	sdelay $0x4  }
0x16d: {  	[tilespmem:v39+s26+$0x0] =	vst.idx.msk $0xffff, v1  }
0x16e: {  	v1 =	vld [tilespmem:$0x58A0];
	_ =	sdelay $0x7  }
0x16f: {  	v1 =	vld.idx.msk [tilespmem:v1+s13+$0x0], $0xffff;
	_ =	sdelay $0x4  }
0x170: {  	[tilespmem:v40+s26+$0x0] =	vst.idx.msk $0xffff, v1  }
0x171: {  	v1 =	vld [tilespmem:$0x58B0];
	_ =	sdelay $0x7  }
0x172: {  	v1 =	vld.idx.msk [tilespmem:v1+s13+$0x0], $0xffff;
	_ =	sdelay $0x4  }
0x173: {  	[tilespmem:v41+s26+$0x0] =	vst.idx.msk $0xffff, v1  }
0x174: {  	v1 =	vld [tilespmem:$0x58C0];
	_ =	sdelay $0x7  }
0x175: {  	v1 =	vld.idx.msk [tilespmem:v1+s13+$0x0], $0xffff;
	_ =	sdelay $0x4  }
0x176: {  	[tilespmem:v42+s26+$0x0] =	vst.idx.msk $0xffff, v1  }
0x177: {  	v1 =	vld [tilespmem:$0x58D0];
	_ =	sdelay $0x7  }
0x178: {  	v1 =	vld.idx.msk [tilespmem:v1+s13+$0x0], $0xffff;
	_ =	sdelay $0x4  }
0x179: {  	[tilespmem:v43+s26+$0x0] =	vst.idx.msk $0xffff, v1  }
0x17a: {  	v1 =	vld [tilespmem:$0x58E0];
	_ =	sdelay $0x7  }
0x17b: {  	v1 =	vld.idx.msk [tilespmem:v1+s13+$0x0], $0xffff;
	_ =	sdelay $0x4  }
0x17c: {  	[tilespmem:v44+s26+$0x0] =	vst.idx.msk $0xffff, v1  }
0x17d: {  	v1 =	vld [tilespmem:$0x58F0];
	_ =	sdelay $0x7  }
0x17e: {  	v1 =	vld.idx.msk [tilespmem:v1+s13+$0x0], $0xffff;
	_ =	sdelay $0x4  }
0x17f: {  	[tilespmem:v45+s26+$0x0] =	vst.idx.msk $0xffff, v1  }
0x180: {  	v1 =	vld [tilespmem:$0x5900];
	_ =	sdelay $0x7  }
0x181: {  	v1 =	vld.idx.msk [tilespmem:v1+s13+$0x0], $0xffff;
	_ =	sdelay $0x4  }
0x182: {  	[tilespmem:v46+s26+$0x0] =	vst.idx.msk $0xffff, v1  }
0x183: {  	v1 =	vld [tilespmem:$0x5910];
	_ =	sdelay $0x7  }
0x184: {  	v1 =	vld.idx.msk [tilespmem:v1+s13+$0x0], $0xffff;
	_ =	sdelay $0x4  }
0x185: {  	[tilespmem:v47+s26+$0x0] =	vst.idx.msk $0xffff, v1  }
0x186: {  	v1 =	vld [tilespmem:$0x5920];
	_ =	sdelay $0x7  }
0x187: {  	v1 =	vld.idx.msk [tilespmem:v1+s13+$0x0], $0xffff;
	_ =	sdelay $0x4  }
0x188: {  	[tilespmem:v48+s26+$0x0] =	vst.idx.msk $0xffff, v1  }
0x189: {  	v1 =	vld [tilespmem:$0x5930];
	_ =	sdelay $0x7  }
0x18a: {  	v1 =	vld.idx.msk [tilespmem:v1+s13+$0x0], $0xffff;
	_ =	sdelay $0x4  }
0x18b: {  	[tilespmem:v49+s26+$0x0] =	vst.idx.msk $0xffff, v1  }
0x18c: {  	v1 =	vld [tilespmem:$0x5940];
	_ =	sdelay $0x7  }
0x18d: {  	v1 =	vld.idx.msk [tilespmem:v1+s13+$0x0], $0xffff;
	_ =	sdelay $0x4  }
0x18e: {  	[tilespmem:v50+s26+$0x0] =	vst.idx.msk $0xffff, v1  }
0x18f: {  	v1 =	vld [tilespmem:$0x5950];
	_ =	sdelay $0x7  }
0x190: {  	v1 =	vld.idx.msk [tilespmem:v1+s13+$0x0], $0xffff;
	_ =	sdelay $0x4  }
0x191: {  	[tilespmem:v51+s26+$0x0] =	vst.idx.msk $0xffff, v1  }
0x192: {  	v1 =	vld [tilespmem:$0x5960];
	_ =	sdelay $0x7  }
0x193: {  	v1 =	vld.idx.msk [tilespmem:v1+s13+$0x0], $0xffff;
	_ =	sdelay $0x4  }
0x194: {  	[tilespmem:v52+s26+$0x0] =	vst.idx.msk $0xffff, v1  }
0x195: {  	v1 =	vld [tilespmem:$0x5970];
	_ =	sdelay $0x7  }
0x196: {  	v1 =	vld.idx.msk [tilespmem:v1+s13+$0x0], $0xffff;
	_ =	sdelay $0x4  }
0x197: {  	[tilespmem:v53+s26+$0x0] =	vst.idx.msk $0xffff, v1  }
0x198: {  	v1 =	vld [tilespmem:$0x5980];
	_ =	sdelay $0x7  }
0x199: {  	v1 =	vld.idx.msk [tilespmem:v1+s13+$0x0], $0xffff;
	_ =	sdelay $0x4  }
0x19a: {  	[tilespmem:v54+s26+$0x0] =	vst.idx.msk $0xffff, v1  }
0x19b: {  	v1 =	vld [tilespmem:$0x5990];
	_ =	sdelay $0x7  }
0x19c: {  	v1 =	vld.idx.msk [tilespmem:v1+s13+$0x0], $0xffff;
	_ =	sdelay $0x4  }
0x19d: {  	[tilespmem:v55+s26+$0x0] =	vst.idx.msk $0xffff, v1  }
0x19e: {  	v1 =	vld [tilespmem:$0x59A0];
	_ =	sdelay $0x7  }
0x19f: {  	v1 =	vld.idx.msk [tilespmem:v1+s13+$0x0], $0xffff;
	_ =	sdelay $0x4  }
0x1a0: {  	[tilespmem:v56+s26+$0x0] =	vst.idx.msk $0xffff, v1  }
0x1a1: {  	v1 =	vld [tilespmem:$0x59B0];
	_ =	sdelay $0x7  }
0x1a2: {  	v1 =	vld.idx.msk [tilespmem:v1+s13+$0x0], $0xffff;
	_ =	sdelay $0x4  }
0x1a3: {  	[tilespmem:v57+s26+$0x0] =	vst.idx.msk $0xffff, v1  }
0x1a4: {  	v1 =	vld [tilespmem:$0x59C0];
	_ =	sdelay $0x7  }
0x1a5: {  	v1 =	vld.idx.msk [tilespmem:v1+s13+$0x0], $0xffff;
	_ =	sdelay $0x4  }
0x1a6: {  	[tilespmem:v58+s26+$0x0] =	vst.idx.msk $0xffff, v1  }
0x1a7: {  	v1 =	vld [tilespmem:$0x59D0];
	_ =	sdelay $0x7  }
0x1a8: {  	v1 =	vld.idx.msk [tilespmem:v1+s13+$0x0], $0xffff;
	_ =	sdelay $0x4  }
0x1a9: {  	[tilespmem:v59+s26+$0x0] =	vst.idx.msk $0xffff, v1  }
0x1aa: {  	v1 =	vld [tilespmem:$0x59E0];
	_ =	sdelay $0x7  }
0x1ab: {  	v1 =	vld.idx.msk [tilespmem:v1+s13+$0x0], $0xffff;
	_ =	sdelay $0x4  }
0x1ac: {  	[tilespmem:v60+s26+$0x0] =	vst.idx.msk $0xffff, v1  }
0x1ad: {  	v1 =	vld [tilespmem:$0x59F0];
	_ =	sdelay $0x7  }
0x1ae: {  	v1 =	vld.idx.msk [tilespmem:v1+s13+$0x0], $0xffff;
	_ =	sdelay $0x4  }
0x1af: {  	[tilespmem:v61+s26+$0x0] =	vst.idx.msk $0xffff, v1  }
0x1b0: {  	v1 =	vld [tilespmem:$0x5A00];
	_ =	sdelay $0x7  }
0x1b1: {  	v1 =	vld.idx.msk [tilespmem:v1+s13+$0x0], $0xffff;
	_ =	sdelay $0x4  }
0x1b2: {  	[tilespmem:v62+s26+$0x0] =	vst.idx.msk $0xffff, v1  }
0x1b3: {  	v1 =	vld [tilespmem:$0x5A10];
	_ =	sdelay $0x7  }
0x1b4: {  	v1 =	vld.idx.msk [tilespmem:v1+s13+$0x0], $0xffff;
	_ =	sdelay $0x4  }
0x1b5: {  	[tilespmem:v63+s26+$0x0] =	vst.idx.msk $0xffff, v1  }
0x1b6: {  	[hbm4b:s9+s21] =	stream.strided.scatter [tilespmem:s26], [sflag:$0x8], $0x400, s28, s21, $0x38;
	[tilespmem:$0x7250] =	vst v63  }
0x1b7: {  	_ =	swait.ge [sflag:s29], $0x400  }
0x1b8: {  	[sflag:s29] =	ssyncset.done $0x0  }
0x1b9: {  	[sflag:s29] =	ssyncadd.s32 $0xFFFFFC00  }
0x1ba: {  	_ =	swait.ge [sflag:s30], $0x800  }
0x1bb: {  	[sflag:s30] =	ssyncset.done $0x0  }
0x1bc: {  	[sflag:s30] =	ssyncadd.s32 $0xFFFFF800  }
0x1bd: {  	[hbm4b:s10+s4] =	stream.linear.scatter [tilespmem:s19], [sflag:$0x8], $0x800, $0x38;
	[tilespmem:$0x7250] =	vst v63  }
0x1be: {  	_ =	swait.ge [sflag:s29], $0x800  }
0x1bf: {  	[sflag:s29] =	ssyncset.done $0x0  }
0x1c0: {  	[sflag:s29] =	ssyncadd.s32 $0xFFFFF800  }
0x1c1: {  	_ =	swait.ge [sflag:s31], $0x1000  }
0x1c2: {  	p0 =	sne.s32 s12, $0x1;
	[sflag:s31] =	ssyncset.done $0x0  }
.Ltmp0:
0x1c3: {  	[sflag:s31] =	ssyncadd.s32 $0xFFFFF000;
	(pc) =	sbr.rel @p0 .LBB2_1-.Ltmp0, $4  }
0x1c4: {  	[hbm4b:s11+s4] =	stream.linear.scatter [tilespmem:s22], [sflag:$0x8], $0x1000, $0x38;
	[tilespmem:$0x7250] =	vst v63  }
0x1c5: {  	_ =	swait.ge [sflag:s29], $0x1000  }
0x1c6: {  	[sflag:s29] =	ssyncset.done $0x0  }
0x1c7: {  	s12 =	sadd.s32 $0xFFFFFFFF, s12;
	[sflag:s29] =	ssyncadd.s32 $0xFFFFF000  }
0x1c8: {  	_ =	sfence.sel $0x180000  }
0x1c9: {  	[bflag:$0x0] =	sbarrier.arrive $0xFFFF  }
0x1ca: {  	p0 =	sne.s32 s3, $0x0;
	_ =	strace $0x90000047  }
0x1cb: {  	s0 =	sadd.s32 @!p0 $0x100000, s2;
	[bflag:$0x2] =	sbarrier.arrive $0xFFFF  }
0x1cc: {  	[sflag:s0] =	ssyncadd.tile.s32 @!p0 $0x1;
	_ =	shalt  }
.Lfunc_end2:
_tile_overlayer_lowered:
.L_overlay_start_2:
0x1cd: {  	(tag) =	ssettag $0x2  }
0x1ce: {  	s0 =	rddreg [dreg:$0x0];
	s2 =	stileid.u32  }
0x1cf: {  	s1 =	rddreg [dreg:$0x1];
	p0 =	sne.s32 s2, $0x0  }
0x1d0: {  	s3 =	rddreg [dreg:$0x2];
	[bflag:$0x3] =	sbarrier.arrive $0xFFFF;
	s2 =	simm.s32 @!p0 $0x1C08  }
0x1d1: {  	[timem:s3], [sflag:s2] =	dma.local @!p0 [hbm:s0], s1  }
0x1d2: {  	s0 =	simm.s32 @!p0 $0x8  }
0x1d3: {  	_ =	swait.ge @!p0 [sflag:s0], s1  }
0x1d4: {  	s1 =	ssub.s32 @!p0 $0x0, s1;
	[sflag:s0] =	ssyncset.done @!p0 $0x0  }
0x1d5: {  	[sflag:s0] =	ssyncadd.s32 @!p0 s1  }
0x1d6: {  	[bflag:$0x3] =	sbarrier.arrive $0xFFFF  }
0x1d7: {  	_ =	shalt  }

</sc_bundles>
